<compile_context>
chip_gen: v7x
topology: tpu7x:2x2x1
jax: 0.10.2.dev20260603
libtpu: 0.0.44.dev20260713+nightly
codegen_flags: <defaults>
</compile_context>

<pallas_src>
import functools

import jax
import jax.numpy as jnp
from jax import lax
from jax.experimental import pallas as pl
from jax.experimental.pallas import tpu as pltpu
from jax.experimental.pallas import tpu_sc as plsc

B, L, A, D, V, R = 1024, 50, 50, 64, 100000, 10
RELATION_TOKEN = 9
NSLOT = 104
VOFF = 50
NIDX = 112
IVOFF = 56
LPAD = 56
NEG = -1e30


def _sc_gather_call(idx_flat, lab_flat, u2e, v2e, r2e_flat, att):
    info = plsc.get_sparse_core_info()
    nw = info.num_cores * info.num_subcores
    rows_per_w = B // nw
    mesh = plsc.VectorSubcoreMesh(core_axis_name="c", subcore_axis_name="s")
    nlab = rows_per_w * LPAD

    @functools.partial(
        pl.kernel,
        mesh=mesh,
        out_type=(jax.ShapeDtypeStruct((B * 52, 128), jnp.float32),
                  jax.ShapeDtypeStruct((B, 128), jnp.float32)),
        scratch_types=[
            pltpu.VMEM((rows_per_w * NIDX,), jnp.int32),
            pltpu.VMEM((nlab + 16,), jnp.int32),
            pltpu.VMEM((4, NSLOT, D), jnp.float32),
            pltpu.VMEM((rows_per_w, 128), jnp.float32),
            pltpu.VMEM((16,), jnp.float32),
            pltpu.VMEM((R * D + 2 * D,), jnp.float32),
            pltpu.SemaphoreType.DMA,
            pltpu.SemaphoreType.DMA,
            pltpu.SemaphoreType.DMA,
            pltpu.SemaphoreType.DMA,
            pltpu.SemaphoreType.DMA,
            pltpu.SemaphoreType.DMA,
            pltpu.SemaphoreType.DMA,
            pltpu.SemaphoreType.DMA,
        ],
        compiler_params=pltpu.CompilerParams(use_tc_tiling_on_sc=False,
                                             needs_layout_passes=False),
    )
    def k(idx_hbm, lab_hbm, u_hbm, v_hbm, r2e_hbm, att_hbm,
          out_hbm, rsc_hbm, idx_v, lab_v, bufs_v, rsc_v, rvec_v, small_v,
          sg0, sg1, sg2, sg3, sw0, sw1, sw2, sw3):
        sgs = (sg0, sg1, sg2, sg3)
        sws = (sw0, sw1, sw2, sw3)
        wid = lax.axis_index("s") * info.num_cores + lax.axis_index("c")
        base = wid * rows_per_w
        pltpu.sync_copy(idx_hbm.at[pl.ds(base * NIDX, rows_per_w * NIDX)], idx_v)
        pltpu.sync_copy(lab_hbm.at[pl.ds(base * LPAD, nlab)], lab_v.at[pl.ds(0, nlab)])
        pltpu.sync_copy(r2e_hbm, small_v.at[pl.ds(0, R * D)])
        pltpu.sync_copy(att_hbm, small_v.at[pl.ds(R * D, 2 * D)])

        zi = jnp.zeros((16,), jnp.int32)
        lab_v[pl.ds(nlab, 16)] = zi
        z = jnp.zeros((16,), jnp.float32)
        for bj in range(4):
            for j in range(2 * VOFF, NSLOT):
                for c in range(D // 16):
                    bufs_v[bj, j, pl.ds(c * 16, 16)] = z

        iota = lax.iota(jnp.int32, 16)
        rvec = jnp.zeros((16,), jnp.float32)
        s9 = jnp.zeros((), jnp.float32)
        for r in range(R):
            acc = jnp.zeros((16,), jnp.float32)
            for c in range(D // 16):
                acc = acc + (small_v[pl.ds(r * D + c * 16, 16)]
                             * small_v[pl.ds(R * D + D + c * 16, 16)])
            sr = jnp.sum(acc)
            rvec = jnp.where(iota == r, sr, rvec)
            if r == RELATION_TOKEN:
                s9 = sr
        rvec_v[pl.ds(0, 16)] = rvec
        rv9 = jnp.broadcast_to(s9, (16,))
        negv = jnp.full((16,), NEG, jnp.float32)

        def rsc_row(i):
            for c in range(3):
                labc = lab_v[pl.ds(i * LPAD + c * 16, 16)] & 15
                rsc_v[i, pl.ds(c * 16, 16)] = plsc.load_gather(rvec_v, [labc])
            labc = lab_v[pl.ds(i * LPAD + 48, 16)] & 15
            g = plsc.load_gather(rvec_v, [labc])
            rsc_v[i, pl.ds(48, 16)] = jnp.where(
                iota < 2, g, jnp.where(iota < 4, rv9, negv))
            rsc_v[i, pl.ds(64, 16)] = rv9
            rsc_v[i, pl.ds(80, 16)] = rv9
            rsc_v[i, pl.ds(96, 16)] = rv9
            rsc_v[i, pl.ds(112, 16)] = negv

        def gathers(i, bj, sem):
            pltpu.async_copy(
                u_hbm.at[idx_v.at[pl.ds(i * NIDX, L)]],
                bufs_v.at[bj, pl.ds(0, L)], sem)
            pltpu.async_copy(
                v_hbm.at[idx_v.at[pl.ds(i * NIDX + IVOFF, A)]],
                bufs_v.at[bj, pl.ds(VOFF, A)], sem)

        def wait_gathers(bj, sem):
            pltpu.make_async_copy(
                u_hbm.at[idx_v.at[pl.ds(0, L)]], bufs_v.at[bj, pl.ds(0, L)],
                sem).wait()
            pltpu.make_async_copy(
                v_hbm.at[idx_v.at[pl.ds(0, A)]], bufs_v.at[bj, pl.ds(VOFF, A)],
                sem).wait()

        def wbacks(i, bj, sem):
            ob = (base + i) * 52
            pltpu.async_copy(bufs_v.at[bj, pl.ds(0, 52)],
                             out_hbm.at[pl.ds(ob, 52), pl.ds(0, D)], sem)
            pltpu.async_copy(bufs_v.at[bj, pl.ds(52, 52)],
                             out_hbm.at[pl.ds(ob, 52), pl.ds(D, D)], sem)

        def wait_wbacks(bj, sem):
            pltpu.make_async_copy(bufs_v.at[bj, pl.ds(0, 52)],
                                  out_hbm.at[pl.ds(0, 52), pl.ds(0, D)],
                                  sem).wait()
            pltpu.make_async_copy(bufs_v.at[bj, pl.ds(52, 52)],
                                  out_hbm.at[pl.ds(0, 52), pl.ds(D, D)],
                                  sem).wait()

        gathers(0, 0, sgs[0])
        gathers(1, 1, sgs[1])

        def body(t, carry):
            for j in range(4):
                i = 4 * t + j
                nj = (j + 2) % 4

                @pl.when(i < rows_per_w - 2)
                def _():
                    @pl.when(i >= 2)
                    def _():
                        wait_wbacks(nj, sws[nj])
                    gathers(i + 2, nj, sgs[nj])

                wait_gathers(j, sgs[j])
                rsc_row(i)
                wbacks(i, j, sws[j])
            return carry

        lax.fori_loop(0, rows_per_w // 4, body, 0)
        for j in range(4):
            wait_wbacks(j, sws[j])
        pltpu.sync_copy(rsc_v, rsc_hbm.at[pl.ds(base, rows_per_w)])

    return k(idx_flat, lab_flat, u2e, v2e, r2e_flat, att)


def _tc_body(rows_ref, rsc_ref, att_ref, out_ref):
    bblk = out_ref.shape[0]
    raw = rows_ref[...]
    rows3 = raw.reshape(bblk, 52, 128)
    re = rows3[:, :, :D]
    ro = rows3[:, :, D:]
    att = att_ref[...]
    att1 = att[:, :D]
    a1 = jnp.pad(att1, ((0, 0), (0, D))).reshape(1, 1, 2 * D)
    a2 = jnp.pad(att1, ((0, 0), (D, 0))).reshape(1, 1, 2 * D)
    se = jnp.sum(rows3 * a1, axis=2)
    so = jnp.sum(rows3 * a2, axis=2)
    s = jnp.concatenate(
        [jnp.pad(se, ((0, 0), (0, 12))), jnp.pad(so, ((0, 0), (0, 12)))],
        axis=1) + rsc_ref[...]
    m = jnp.max(s, axis=1, keepdims=True)
    e = jnp.exp(s - m)
    p = e / jnp.sum(e, axis=1, keepdims=True)
    pe = p[:, :52]
    po = p[:, 64:116]
    out_ref[...] = (
        lax.dot_general(pe, re, (((1,), (1,)), ((0,), (0,))),
                        preferred_element_type=jnp.float32)
        + lax.dot_general(po, ro, (((1,), (1,)), ((0,), (0,))),
                          preferred_element_type=jnp.float32))


def _tc_aggregate_call(gathered, rsc, att_row):
    bblk = 256
    return pl.pallas_call(
        _tc_body,
        grid=(B // bblk,),
        in_specs=[
            pl.BlockSpec((bblk * 52, 128), lambda i: (i, 0)),
            pl.BlockSpec((bblk, 128), lambda i: (i, 0)),
            pl.BlockSpec((1, 2 * D), lambda i: (0, 0)),
        ],
        out_specs=pl.BlockSpec((bblk, D), lambda i: (i, 0)),
        out_shape=jax.ShapeDtypeStruct((B, D), jnp.float32),
    )(gathered, rsc, att_row)


def kernel(self_feats, target_feats, history_uv, history_r, adj, uv, percent,
           v2e, r2e, u2e, relation_att, W_lin, b_lin):
    history_uv = history_uv.astype(jnp.int32)
    adj = adj.astype(jnp.int32)
    zpad = jnp.zeros((B, IVOFF - L), jnp.int32)
    idx_flat = jnp.concatenate([history_uv, zpad, adj, zpad], axis=1).reshape(-1)
    lab_flat = jnp.concatenate(
        [history_r.astype(jnp.int32), jnp.zeros((B, LPAD - L), jnp.int32)],
        axis=1).reshape(-1)
    gathered, rsc = _sc_gather_call(
        idx_flat, lab_flat, u2e, v2e, r2e.reshape(-1), relation_att)
    att_row = relation_att.reshape(1, 2 * D)
    return _tc_aggregate_call(gathered, rsc, att_row)

# --- scband reference (transcript-rebuilt; emitter-appended) ---
"""Pipeline reference for scband-node-aggregator-70463233458807 (READ-ONLY COPY).

The authoritative reference and input builder live on the scoring server;
editing this copy changes nothing except your own understanding.
"""

import jax, jax.numpy as jnp
import numpy as np

B, L, A, D, V, R = 1024, 50, 50, 64, 100000, 10
RELATION_TOKEN = 9


def setup_inputs(seed: int = 0) -> dict:
    key = jax.random.key(seed)
    ks = jax.random.split(key, 12)
    inp = {
        'self_feats': jax.random.normal(ks[0], (B, D), jnp.float32),
        'target_feats': jax.random.normal(ks[1], (B, D), jnp.float32),
        'history_uv': jax.random.randint(ks[2], (B, L), 0, V),
        'history_r': jax.random.randint(ks[3], (B, L), 0, R),
        'adj': jax.random.randint(ks[4], (B, A), 0, V),
        'uv': True,
        'percent': 1,
        'v2e': jax.random.normal(ks[5], (V, D), jnp.float32) * 0.1,
        'r2e': jax.random.normal(ks[6], (R, D), jnp.float32) * 0.1,
        'u2e': jax.random.normal(ks[7], (V, D), jnp.float32) * 0.1,
        'relation_att': jax.random.normal(ks[8], (2 * D,), jnp.float32),
        'W_lin': jax.random.normal(ks[9], (D, 2 * D), jnp.float32) * (1.0 / np.sqrt(2 * D)),
        'b_lin': jnp.zeros((D,), jnp.float32),
    }
    return inp


def reference(self_feats, target_feats, history_uv, history_r, adj, uv, percent,
              v2e, r2e, u2e, relation_att, W_lin, b_lin):
    # query = Linear(cat(self_feats, target_feats))
    query = jnp.concatenate([self_feats, target_feats], axis=-1) @ W_lin.T + b_lin
    # labels: history relations + relation_token padding for structural neighbors
    tmp_label = jnp.concatenate(
        [history_r, jnp.full(adj.shape, RELATION_TOKEN, dtype=history_r.dtype)], axis=1)
    e_uv_true = jnp.concatenate([jnp.take(u2e, history_uv, axis=0),
                                 jnp.take(v2e, adj, axis=0)], axis=1)  # [B, L+A, D]
    e_uv_false = jnp.concatenate([jnp.take(v2e, history_uv, axis=0),
                                  jnp.take(u2e, adj, axis=0)], axis=1)
    e_uv = jnp.where(jnp.asarray(uv), e_uv_true, e_uv_false)
    e_r = jnp.take(r2e, tmp_label, axis=0)  # [B, L+A, D]

    total = e_uv.shape[1]
    k = max(1, total)
    percent_f = jnp.asarray(percent, jnp.float32)
    keys = jax.random.split(jax.random.key(1), e_uv.shape[0])

    def neighbor_agg(key, q, hist_feat, rel_feat):
        # distance-based sampling distribution (softmax over -||q - h||)
        prob = jax.nn.softmax(-jnp.linalg.norm(q - hist_feat, axis=1))
        # multinomial-without-replacement via Gumbel top-k on log-probs
        g = jax.random.gumbel(key, (total,))
        sel = jax.lax.top_k((jnp.log(prob + 1e-20) + g) * percent_f, k)[1]
        neigh = hist_feat[sel]
        rel = rel_feat[sel]
        scores = jnp.concatenate([neigh, rel], axis=1) @ relation_att
        p2 = jax.nn.softmax(scores)
        return neigh.T @ p2

    to_feats = jax.vmap(neighbor_agg)(keys, query, e_uv, e_r)
    return to_feats

if __name__ == "__main__":
    import jax
    _d = setup_inputs()
    print(jax.jit(kernel)(*tuple(_d.values())))

</pallas_src>

<mosaic_0001>
#map = affine_map<(d0, d1) -> (0)>
#map1 = affine_map<(d0, d1) -> (0, 0)>
module attributes {stable_mosaic.version = 14 : i64} {
  func.func @k(%arg0: i32, %arg1: i32, %arg2: memref<114688xi32, #tpu.memory_space<hbm>>, %arg3: memref<57344xi32, #tpu.memory_space<hbm>>, %arg4: memref<100000x64xf32, #tpu.memory_space<hbm>>, %arg5: memref<100000x64xf32, #tpu.memory_space<hbm>>, %arg6: memref<640xf32, #tpu.memory_space<hbm>>, %arg7: memref<128xf32, #tpu.memory_space<hbm>>, %arg8: memref<53248x128xf32, #tpu.memory_space<hbm>>, %arg9: memref<1024x128xf32, #tpu.memory_space<hbm>>, %arg10: memref<3584xi32, #tpu.memory_space<vmem>>, %arg11: memref<1808xi32, #tpu.memory_space<vmem>>, %arg12: memref<4x104x64xf32, #tpu.memory_space<vmem>>, %arg13: memref<32x128xf32, #tpu.memory_space<vmem>>, %arg14: memref<16xf32, #tpu.memory_space<vmem>>, %arg15: memref<768xf32, #tpu.memory_space<vmem>>, %arg16: memref<!tpu.dma_semaphore, #tpu.memory_space<semaphore_mem>>, %arg17: memref<!tpu.dma_semaphore, #tpu.memory_space<semaphore_mem>>, %arg18: memref<!tpu.dma_semaphore, #tpu.memory_space<semaphore_mem>>, %arg19: memref<!tpu.dma_semaphore, #tpu.memory_space<semaphore_mem>>, %arg20: memref<!tpu.dma_semaphore, #tpu.memory_space<semaphore_mem>>, %arg21: memref<!tpu.dma_semaphore, #tpu.memory_space<semaphore_mem>>, %arg22: memref<!tpu.dma_semaphore, #tpu.memory_space<semaphore_mem>>, %arg23: memref<!tpu.dma_semaphore, #tpu.memory_space<semaphore_mem>>) attributes {dimension_semantics = [#tpu.dimension_semantics<core_parallel>, #tpu.dimension_semantics<subcore_parallel>], iteration_bounds = array<i64: 2, 16>, scalar_prefetch = 0 : i64, scratch_operands = 14 : i64, tpu.core_type = #tpu.core_type<sc_vector_subcore>, window_params = [{transform_indices = #map}, {transform_indices = #map}, {transform_indices = #map1}, {transform_indices = #map1}, {transform_indices = #map}, {transform_indices = #map}, {transform_indices = #map1}, {transform_indices = #map1}]} {
    %mul3A = arith.constant 2 : i32
    %mul3A_0 = arith.muli %arg1, %mul3A : i32
    %add3A = arith.addi %mul3A_0, %arg0 : i32
    %mul3A_1 = arith.constant 32 : i32
    %mul3A_2 = arith.muli %add3A, %mul3A_1 : i32
    %mul3A_3 = arith.constant 112 : i32
    %mul3A_4 = arith.muli %mul3A_2, %mul3A_3 : i32
    "tpu.region"() ({
      %run_scoped3A = tpu.sem_alloc : memref<!tpu.dma_semaphore, #tpu.memory_space<semaphore_mem>>
      %dma_start3A_911 = tpu.memref_slice %arg2[%mul3A_4] : memref<114688xi32, #tpu.memory_space<hbm>> -> memref<3584xi32, #tpu.memory_space<hbm>>
      %dma_start3A_912 = tpu.memref_slice %arg2[%mul3A_4] : memref<114688xi32, #tpu.memory_space<hbm>> -> memref<3584xi32, #tpu.memory_space<hbm>>
      tpu.enqueue_dma source(%dma_start3A_912 : memref<3584xi32, #tpu.memory_space<hbm>>) target(%arg10 : memref<3584xi32, #tpu.memory_space<vmem>>) target_semaphore(%run_scoped3A : memref<!tpu.dma_semaphore, #tpu.memory_space<semaphore_mem>>)
      %dma_wait3A_913 = tpu.memref_slice %arg2[%mul3A_4] : memref<114688xi32, #tpu.memory_space<hbm>> -> memref<3584xi32, #tpu.memory_space<hbm>>
      %dma_wait3A_914 = tpu.memref_slice %arg2[%mul3A_4] : memref<114688xi32, #tpu.memory_space<hbm>> -> memref<3584xi32, #tpu.memory_space<hbm>>
      tpu.wait_dma2 semaphore(%run_scoped3A : memref<!tpu.dma_semaphore, #tpu.memory_space<semaphore_mem>>) src(%dma_wait3A_914 : memref<3584xi32, #tpu.memory_space<hbm>>) dst(%arg10 : memref<3584xi32, #tpu.memory_space<vmem>>)
      tpu.yield
    }) : () -> ()
    %mul3A_5 = arith.constant 56 : i32
    %mul3A_6 = arith.muli %mul3A_2, %mul3A_5 : i32
    "tpu.region"() ({
      %run_scoped3A = tpu.sem_alloc : memref<!tpu.dma_semaphore, #tpu.memory_space<semaphore_mem>>
      %dma_start3A_911 = arith.constant 0 : i32
      %dma_start3A_912 = tpu.memref_slice %arg11[%dma_start3A_911] : memref<1808xi32, #tpu.memory_space<vmem>> -> memref<1792xi32, #tpu.memory_space<vmem>>
      %dma_start3A_913 = tpu.memref_slice %arg3[%mul3A_6] : memref<57344xi32, #tpu.memory_space<hbm>> -> memref<1792xi32, #tpu.memory_space<hbm>>
      %dma_start3A_914 = arith.constant 0 : i32
      %dma_start3A_915 = tpu.memref_slice %arg11[%dma_start3A_914] : memref<1808xi32, #tpu.memory_space<vmem>> -> memref<1792xi32, #tpu.memory_space<vmem>>
      %dma_start3A_916 = tpu.memref_slice %arg3[%mul3A_6] : memref<57344xi32, #tpu.memory_space<hbm>> -> memref<1792xi32, #tpu.memory_space<hbm>>
      tpu.enqueue_dma source(%dma_start3A_916 : memref<1792xi32, #tpu.memory_space<hbm>>) target(%dma_start3A_915 : memref<1792xi32, #tpu.memory_space<vmem>>) target_semaphore(%run_scoped3A : memref<!tpu.dma_semaphore, #tpu.memory_space<semaphore_mem>>)
      %dma_wait3A_917 = arith.constant 0 : i32
      %dma_wait3A_918 = tpu.memref_slice %arg11[%dma_wait3A_917] : memref<1808xi32, #tpu.memory_space<vmem>> -> memref<1792xi32, #tpu.memory_space<vmem>>
      %dma_wait3A_919 = tpu.memref_slice %arg3[%mul3A_6] : memref<57344xi32, #tpu.memory_space<hbm>> -> memref<1792xi32, #tpu.memory_space<hbm>>
      %dma_wait3A_920 = arith.constant 0 : i32
      %dma_wait3A_921 = tpu.memref_slice %arg11[%dma_wait3A_920] : memref<1808xi32, #tpu.memory_space<vmem>> -> memref<1792xi32, #tpu.memory_space<vmem>>
      %dma_wait3A_922 = tpu.memref_slice %arg3[%mul3A_6] : memref<57344xi32, #tpu.memory_space<hbm>> -> memref<1792xi32, #tpu.memory_space<hbm>>
      tpu.wait_dma2 semaphore(%run_scoped3A : memref<!tpu.dma_semaphore, #tpu.memory_space<semaphore_mem>>) src(%dma_wait3A_922 : memref<1792xi32, #tpu.memory_space<hbm>>) dst(%dma_wait3A_921 : memref<1792xi32, #tpu.memory_space<vmem>>)
      tpu.yield
    }) : () -> ()
    "tpu.region"() ({
      %run_scoped3A = tpu.sem_alloc : memref<!tpu.dma_semaphore, #tpu.memory_space<semaphore_mem>>
      %dma_start3A_911 = arith.constant 0 : i32
      %dma_start3A_912 = tpu.memref_slice %arg15[%dma_start3A_911] : memref<768xf32, #tpu.memory_space<vmem>> -> memref<640xf32, #tpu.memory_space<vmem>>
      %dma_start3A_913 = arith.constant 0 : i32
      %dma_start3A_914 = tpu.memref_slice %arg15[%dma_start3A_913] : memref<768xf32, #tpu.memory_space<vmem>> -> memref<640xf32, #tpu.memory_space<vmem>>
      tpu.enqueue_dma source(%arg6 : memref<640xf32, #tpu.memory_space<hbm>>) target(%dma_start3A_914 : memref<640xf32, #tpu.memory_space<vmem>>) target_semaphore(%run_scoped3A : memref<!tpu.dma_semaphore, #tpu.memory_space<semaphore_mem>>)
      %dma_wait3A_915 = arith.constant 0 : i32
      %dma_wait3A_916 = tpu.memref_slice %arg15[%dma_wait3A_915] : memref<768xf32, #tpu.memory_space<vmem>> -> memref<640xf32, #tpu.memory_space<vmem>>
      %dma_wait3A_917 = arith.constant 0 : i32
      %dma_wait3A_918 = tpu.memref_slice %arg15[%dma_wait3A_917] : memref<768xf32, #tpu.memory_space<vmem>> -> memref<640xf32, #tpu.memory_space<vmem>>
      tpu.wait_dma2 semaphore(%run_scoped3A : memref<!tpu.dma_semaphore, #tpu.memory_space<semaphore_mem>>) src(%arg6 : memref<640xf32, #tpu.memory_space<hbm>>) dst(%dma_wait3A_918 : memref<640xf32, #tpu.memory_space<vmem>>)
      tpu.yield
    }) : () -> ()
    "tpu.region"() ({
      %run_scoped3A = tpu.sem_alloc : memref<!tpu.dma_semaphore, #tpu.memory_space<semaphore_mem>>
      %dma_start3A_911 = arith.constant 640 : i32
      %dma_start3A_912 = tpu.memref_slice %arg15[%dma_start3A_911] : memref<768xf32, #tpu.memory_space<vmem>> -> memref<128xf32, #tpu.memory_space<vmem>>
      %dma_start3A_913 = arith.constant 640 : i32
      %dma_start3A_914 = tpu.memref_slice %arg15[%dma_start3A_913] : memref<768xf32, #tpu.memory_space<vmem>> -> memref<128xf32, #tpu.memory_space<vmem>>
      tpu.enqueue_dma source(%arg7 : memref<128xf32, #tpu.memory_space<hbm>>) target(%dma_start3A_914 : memref<128xf32, #tpu.memory_space<vmem>>) target_semaphore(%run_scoped3A : memref<!tpu.dma_semaphore, #tpu.memory_space<semaphore_mem>>)
      %dma_wait3A_915 = arith.constant 640 : i32
      %dma_wait3A_916 = tpu.memref_slice %arg15[%dma_wait3A_915] : memref<768xf32, #tpu.memory_space<vmem>> -> memref<128xf32, #tpu.memory_space<vmem>>
      %dma_wait3A_917 = arith.constant 640 : i32
      %dma_wait3A_918 = tpu.memref_slice %arg15[%dma_wait3A_917] : memref<768xf32, #tpu.memory_space<vmem>> -> memref<128xf32, #tpu.memory_space<vmem>>
      tpu.wait_dma2 semaphore(%run_scoped3A : memref<!tpu.dma_semaphore, #tpu.memory_space<semaphore_mem>>) src(%arg7 : memref<128xf32, #tpu.memory_space<hbm>>) dst(%dma_wait3A_918 : memref<128xf32, #tpu.memory_space<vmem>>)
      tpu.yield
    }) : () -> ()
    %broadcast_in_dim3A = arith.constant 0 : i32
    %broadcast_in_dim3A_7 = vector.broadcast %broadcast_in_dim3A : i32 to vector<16xi32>
    %swap3A = arith.constant 1792 : index
    %swap3A_8 = tpu.vector_load %arg11[%swap3A] {strides = array<i32>} : memref<1808xi32, #tpu.memory_space<vmem>>, vector<16xi32>,
    tpu.vector_store %arg11[%swap3A], %broadcast_in_dim3A_7 {strides = array<i32>} : memref<1808xi32, #tpu.memory_space<vmem>>, vector<16xi32>,
    %broadcast_in_dim3A_9 = arith.constant 0.000000e+00 : f32
    %broadcast_in_dim3A_10 = vector.broadcast %broadcast_in_dim3A_9 : f32 to vector<16xf32>
    %swap3A_11 = arith.constant 0 : i32
    %swap3A_12 = arith.constant 100 : i32
    %swap3A_13 = arith.index_cast %swap3A_11 : i32 to index
    %swap3A_14 = arith.index_cast %swap3A_12 : i32 to index
    %swap3A_15 = arith.constant 0 : index
    %swap3A_16 = tpu.vector_load %arg12[%swap3A_13, %swap3A_14, %swap3A_15] {strides = array<i32>} : memref<4x104x64xf32, #tpu.memory_space<vmem>>, vector<16xf32>,
    tpu.vector_store %arg12[%swap3A_13, %swap3A_14, %swap3A_15], %broadcast_in_dim3A_10 {strides = array<i32>} : memref<4x104x64xf32, #tpu.memory_space<vmem>>, vector<16xf32>,
    %swap3A_17 = arith.constant 0 : i32
    %swap3A_18 = arith.constant 100 : i32
    %swap3A_19 = arith.index_cast %swap3A_17 : i32 to index
    %swap3A_20 = arith.index_cast %swap3A_18 : i32 to index
    %swap3A_21 = arith.constant 16 : index
    %swap3A_22 = tpu.vector_load %arg12[%swap3A_19, %swap3A_20, %swap3A_21] {strides = array<i32>} : memref<4x104x64xf32, #tpu.memory_space<vmem>>, vector<16xf32>,
    tpu.vector_store %arg12[%swap3A_19, %swap3A_20, %swap3A_21], %broadcast_in_dim3A_10 {strides = array<i32>} : memref<4x104x64xf32, #tpu.memory_space<vmem>>, vector<16xf32>,
    %swap3A_23 = arith.constant 0 : i32
    %swap3A_24 = arith.constant 100 : i32
    %swap3A_25 = arith.index_cast %swap3A_23 : i32 to index
    %swap3A_26 = arith.index_cast %swap3A_24 : i32 to index
    %swap3A_27 = arith.constant 32 : index
    %swap3A_28 = tpu.vector_load %arg12[%swap3A_25, %swap3A_26, %swap3A_27] {strides = array<i32>} : memref<4x104x64xf32, #tpu.memory_space<vmem>>, vector<16xf32>,
    tpu.vector_store %arg12[%swap3A_25, %swap3A_26, %swap3A_27], %broadcast_in_dim3A_10 {strides = array<i32>} : memref<4x104x64xf32, #tpu.memory_space<vmem>>, vector<16xf32>,
    %swap3A_29 = arith.constant 0 : i32
    %swap3A_30 = arith.constant 100 : i32
    %swap3A_31 = arith.index_cast %swap3A_29 : i32 to index
    %swap3A_32 = arith.index_cast %swap3A_30 : i32 to index
    %swap3A_33 = arith.constant 48 : index
    %swap3A_34 = tpu.vector_load %arg12[%swap3A_31, %swap3A_32, %swap3A_33] {strides = array<i32>} : memref<4x104x64xf32, #tpu.memory_space<vmem>>, vector<16xf32>,
    tpu.vector_store %arg12[%swap3A_31, %swap3A_32, %swap3A_33], %broadcast_in_dim3A_10 {strides = array<i32>} : memref<4x104x64xf32, #tpu.memory_space<vmem>>, vector<16xf32>,
    %swap3A_35 = arith.constant 0 : i32
    %swap3A_36 = arith.constant 101 : i32
    %swap3A_37 = arith.index_cast %swap3A_35 : i32 to index
    %swap3A_38 = arith.index_cast %swap3A_36 : i32 to index
    %swap3A_39 = arith.constant 0 : index
    %swap3A_40 = tpu.vector_load %arg12[%swap3A_37, %swap3A_38, %swap3A_39] {strides = array<i32>} : memref<4x104x64xf32, #tpu.memory_space<vmem>>, vector<16xf32>,
    tpu.vector_store %arg12[%swap3A_37, %swap3A_38, %swap3A_39], %broadcast_in_dim3A_10 {strides = array<i32>} : memref<4x104x64xf32, #tpu.memory_space<vmem>>, vector<16xf32>,
    %swap3A_41 = arith.constant 0 : i32
    %swap3A_42 = arith.constant 101 : i32
    %swap3A_43 = arith.index_cast %swap3A_41 : i32 to index
    %swap3A_44 = arith.index_cast %swap3A_42 : i32 to index
    %swap3A_45 = arith.constant 16 : index
    %swap3A_46 = tpu.vector_load %arg12[%swap3A_43, %swap3A_44, %swap3A_45] {strides = array<i32>} : memref<4x104x64xf32, #tpu.memory_space<vmem>>, vector<16xf32>,
    tpu.vector_store %arg12[%swap3A_43, %swap3A_44, %swap3A_45], %broadcast_in_dim3A_10 {strides = array<i32>} : memref<4x104x64xf32, #tpu.memory_space<vmem>>, vector<16xf32>,
    %swap3A_47 = arith.constant 0 : i32
    %swap3A_48 = arith.constant 101 : i32
    %swap3A_49 = arith.index_cast %swap3A_47 : i32 to index
    %swap3A_50 = arith.index_cast %swap3A_48 : i32 to index
    %swap3A_51 = arith.constant 32 : index
    %swap3A_52 = tpu.vector_load %arg12[%swap3A_49, %swap3A_50, %swap3A_51] {strides = array<i32>} : memref<4x104x64xf32, #tpu.memory_space<vmem>>, vector<16xf32>,
    tpu.vector_store %arg12[%swap3A_49, %swap3A_50, %swap3A_51], %broadcast_in_dim3A_10 {strides = array<i32>} : memref<4x104x64xf32, #tpu.memory_space<vmem>>, vector<16xf32>,
    %swap3A_53 = arith.constant 0 : i32
    %swap3A_54 = arith.constant 101 : i32
    %swap3A_55 = arith.index_cast %swap3A_53 : i32 to index
    %swap3A_56 = arith.index_cast %swap3A_54 : i32 to index
    %swap3A_57 = arith.constant 48 : index
    %swap3A_58 = tpu.vector_load %arg12[%swap3A_55, %swap3A_56, %swap3A_57] {strides = array<i32>} : memref<4x104x64xf32, #tpu.memory_space<vmem>>, vector<16xf32>,
    tpu.vector_store %arg12[%swap3A_55, %swap3A_56, %swap3A_57], %broadcast_in_dim3A_10 {strides = array<i32>} : memref<4x104x64xf32, #tpu.memory_space<vmem>>, vector<16xf32>,
    %swap3A_59 = arith.constant 0 : i32
    %swap3A_60 = arith.constant 102 : i32
    %swap3A_61 = arith.index_cast %swap3A_59 : i32 to index
    %swap3A_62 = arith.index_cast %swap3A_60 : i32 to index
    %swap3A_63 = arith.constant 0 : index
    %swap3A_64 = tpu.vector_load %arg12[%swap3A_61, %swap3A_62, %swap3A_63] {strides = array<i32>} : memref<4x104x64xf32, #tpu.memory_space<vmem>>, vector<16xf32>,
    tpu.vector_store %arg12[%swap3A_61, %swap3A_62, %swap3A_63], %broadcast_in_dim3A_10 {strides = array<i32>} : memref<4x104x64xf32, #tpu.memory_space<vmem>>, vector<16xf32>,
    %swap3A_65 = arith.constant 0 : i32
    %swap3A_66 = arith.constant 102 : i32
    %swap3A_67 = arith.index_cast %swap3A_65 : i32 to index
    %swap3A_68 = arith.index_cast %swap3A_66 : i32 to index
    %swap3A_69 = arith.constant 16 : index
    %swap3A_70 = tpu.vector_load %arg12[%swap3A_67, %swap3A_68, %swap3A_69] {strides = array<i32>} : memref<4x104x64xf32, #tpu.memory_space<vmem>>, vector<16xf32>,
    tpu.vector_store %arg12[%swap3A_67, %swap3A_68, %swap3A_69], %broadcast_in_dim3A_10 {strides = array<i32>} : memref<4x104x64xf32, #tpu.memory_space<vmem>>, vector<16xf32>,
    %swap3A_71 = arith.constant 0 : i32
    %swap3A_72 = arith.constant 102 : i32
    %swap3A_73 = arith.index_cast %swap3A_71 : i32 to index
    %swap3A_74 = arith.index_cast %swap3A_72 : i32 to index
    %swap3A_75 = arith.constant 32 : index
    %swap3A_76 = tpu.vector_load %arg12[%swap3A_73, %swap3A_74, %swap3A_75] {strides = array<i32>} : memref<4x104x64xf32, #tpu.memory_space<vmem>>, vector<16xf32>,
    tpu.vector_store %arg12[%swap3A_73, %swap3A_74, %swap3A_75], %broadcast_in_dim3A_10 {strides = array<i32>} : memref<4x104x64xf32, #tpu.memory_space<vmem>>, vector<16xf32>,
    %swap3A_77 = arith.constant 0 : i32
    %swap3A_78 = arith.constant 102 : i32
    %swap3A_79 = arith.index_cast %swap3A_77 : i32 to index
    %swap3A_80 = arith.index_cast %swap3A_78 : i32 to index
    %swap3A_81 = arith.constant 48 : index
    %swap3A_82 = tpu.vector_load %arg12[%swap3A_79, %swap3A_80, %swap3A_81] {strides = array<i32>} : memref<4x104x64xf32, #tpu.memory_space<vmem>>, vector<16xf32>,
    tpu.vector_store %arg12[%swap3A_79, %swap3A_80, %swap3A_81], %broadcast_in_dim3A_10 {strides = array<i32>} : memref<4x104x64xf32, #tpu.memory_space<vmem>>, vector<16xf32>,
    %swap3A_83 = arith.constant 0 : i32
    %swap3A_84 = arith.constant 103 : i32
    %swap3A_85 = arith.index_cast %swap3A_83 : i32 to index
    %swap3A_86 = arith.index_cast %swap3A_84 : i32 to index
    %swap3A_87 = arith.constant 0 : index
    %swap3A_88 = tpu.vector_load %arg12[%swap3A_85, %swap3A_86, %swap3A_87] {strides = array<i32>} : memref<4x104x64xf32, #tpu.memory_space<vmem>>, vector<16xf32>,
    tpu.vector_store %arg12[%swap3A_85, %swap3A_86, %swap3A_87], %broadcast_in_dim3A_10 {strides = array<i32>} : memref<4x104x64xf32, #tpu.memory_space<vmem>>, vector<16xf32>,
    %swap3A_89 = arith.constant 0 : i32
    %swap3A_90 = arith.constant 103 : i32
    %swap3A_91 = arith.index_cast %swap3A_89 : i32 to index
    %swap3A_92 = arith.index_cast %swap3A_90 : i32 to index
    %swap3A_93 = arith.constant 16 : index
    %swap3A_94 = tpu.vector_load %arg12[%swap3A_91, %swap3A_92, %swap3A_93] {strides = array<i32>} : memref<4x104x64xf32, #tpu.memory_space<vmem>>, vector<16xf32>,
    tpu.vector_store %arg12[%swap3A_91, %swap3A_92, %swap3A_93], %broadcast_in_dim3A_10 {strides = array<i32>} : memref<4x104x64xf32, #tpu.memory_space<vmem>>, vector<16xf32>,
    %swap3A_95 = arith.constant 0 : i32
    %swap3A_96 = arith.constant 103 : i32
    %swap3A_97 = arith.index_cast %swap3A_95 : i32 to index
    %swap3A_98 = arith.index_cast %swap3A_96 : i32 to index
    %swap3A_99 = arith.constant 32 : index
    %swap3A_100 = tpu.vector_load %arg12[%swap3A_97, %swap3A_98, %swap3A_99] {strides = array<i32>} : memref<4x104x64xf32, #tpu.memory_space<vmem>>, vector<16xf32>,
    tpu.vector_store %arg12[%swap3A_97, %swap3A_98, %swap3A_99], %broadcast_in_dim3A_10 {strides = array<i32>} : memref<4x104x64xf32, #tpu.memory_space<vmem>>, vector<16xf32>,
    %swap3A_101 = arith.constant 0 : i32
    %swap3A_102 = arith.constant 103 : i32
    %swap3A_103 = arith.index_cast %swap3A_101 : i32 to index
    %swap3A_104 = arith.index_cast %swap3A_102 : i32 to index
    %swap3A_105 = arith.constant 48 : index
    %swap3A_106 = tpu.vector_load %arg12[%swap3A_103, %swap3A_104, %swap3A_105] {strides = array<i32>} : memref<4x104x64xf32, #tpu.memory_space<vmem>>, vector<16xf32>,
    tpu.vector_store %arg12[%swap3A_103, %swap3A_104, %swap3A_105], %broadcast_in_dim3A_10 {strides = array<i32>} : memref<4x104x64xf32, #tpu.memory_space<vmem>>, vector<16xf32>,
    %swap3A_107 = arith.constant 1 : i32
    %swap3A_108 = arith.constant 100 : i32
    %swap3A_109 = arith.index_cast %swap3A_107 : i32 to index
    %swap3A_110 = arith.index_cast %swap3A_108 : i32 to index
    %swap3A_111 = arith.constant 0 : index
    %swap3A_112 = tpu.vector_load %arg12[%swap3A_109, %swap3A_110, %swap3A_111] {strides = array<i32>} : memref<4x104x64xf32, #tpu.memory_space<vmem>>, vector<16xf32>,
    tpu.vector_store %arg12[%swap3A_109, %swap3A_110, %swap3A_111], %broadcast_in_dim3A_10 {strides = array<i32>} : memref<4x104x64xf32, #tpu.memory_space<vmem>>, vector<16xf32>,
    %swap3A_113 = arith.constant 1 : i32
    %swap3A_114 = arith.constant 100 : i32
    %swap3A_115 = arith.index_cast %swap3A_113 : i32 to index
    %swap3A_116 = arith.index_cast %swap3A_114 : i32 to index
    %swap3A_117 = arith.constant 16 : index
    %swap3A_118 = tpu.vector_load %arg12[%swap3A_115, %swap3A_116, %swap3A_117] {strides = array<i32>} : memref<4x104x64xf32, #tpu.memory_space<vmem>>, vector<16xf32>,
    tpu.vector_store %arg12[%swap3A_115, %swap3A_116, %swap3A_117], %broadcast_in_dim3A_10 {strides = array<i32>} : memref<4x104x64xf32, #tpu.memory_space<vmem>>, vector<16xf32>,
    %swap3A_119 = arith.constant 1 : i32
    %swap3A_120 = arith.constant 100 : i32
    %swap3A_121 = arith.index_cast %swap3A_119 : i32 to index
    %swap3A_122 = arith.index_cast %swap3A_120 : i32 to index
    %swap3A_123 = arith.constant 32 : index
    %swap3A_124 = tpu.vector_load %arg12[%swap3A_121, %swap3A_122, %swap3A_123] {strides = array<i32>} : memref<4x104x64xf32, #tpu.memory_space<vmem>>, vector<16xf32>,
    tpu.vector_store %arg12[%swap3A_121, %swap3A_122, %swap3A_123], %broadcast_in_dim3A_10 {strides = array<i32>} : memref<4x104x64xf32, #tpu.memory_space<vmem>>, vector<16xf32>,
    %swap3A_125 = arith.constant 1 : i32
    %swap3A_126 = arith.constant 100 : i32
    %swap3A_127 = arith.index_cast %swap3A_125 : i32 to index
    %swap3A_128 = arith.index_cast %swap3A_126 : i32 to index
    %swap3A_129 = arith.constant 48 : index
    %swap3A_130 = tpu.vector_load %arg12[%swap3A_127, %swap3A_128, %swap3A_129] {strides = array<i32>} : memref<4x104x64xf32, #tpu.memory_space<vmem>>, vector<16xf32>,
    tpu.vector_store %arg12[%swap3A_127, %swap3A_128, %swap3A_129], %broadcast_in_dim3A_10 {strides = array<i32>} : memref<4x104x64xf32, #tpu.memory_space<vmem>>, vector<16xf32>,
    %swap3A_131 = arith.constant 1 : i32
    %swap3A_132 = arith.constant 101 : i32
    %swap3A_133 = arith.index_cast %swap3A_131 : i32 to index
    %swap3A_134 = arith.index_cast %swap3A_132 : i32 to index
    %swap3A_135 = arith.constant 0 : index
    %swap3A_136 = tpu.vector_load %arg12[%swap3A_133, %swap3A_134, %swap3A_135] {strides = array<i32>} : memref<4x104x64xf32, #tpu.memory_space<vmem>>, vector<16xf32>,
    tpu.vector_store %arg12[%swap3A_133, %swap3A_134, %swap3A_135], %broadcast_in_dim3A_10 {strides = array<i32>} : memref<4x104x64xf32, #tpu.memory_space<vmem>>, vector<16xf32>,
    %swap3A_137 = arith.constant 1 : i32
    %swap3A_138 = arith.constant 101 : i32
    %swap3A_139 = arith.index_cast %swap3A_137 : i32 to index
    %swap3A_140 = arith.index_cast %swap3A_138 : i32 to index
    %swap3A_141 = arith.constant 16 : index
    %swap3A_142 = tpu.vector_load %arg12[%swap3A_139, %swap3A_140, %swap3A_141] {strides = array<i32>} : memref<4x104x64xf32, #tpu.memory_space<vmem>>, vector<16xf32>,
    tpu.vector_store %arg12[%swap3A_139, %swap3A_140, %swap3A_141], %broadcast_in_dim3A_10 {strides = array<i32>} : memref<4x104x64xf32, #tpu.memory_space<vmem>>, vector<16xf32>,
    %swap3A_143 = arith.constant 1 : i32
    %swap3A_144 = arith.constant 101 : i32
    %swap3A_145 = arith.index_cast %swap3A_143 : i32 to index
    %swap3A_146 = arith.index_cast %swap3A_144 : i32 to index
    %swap3A_147 = arith.constant 32 : index
    %swap3A_148 = tpu.vector_load %arg12[%swap3A_145, %swap3A_146, %swap3A_147] {strides = array<i32>} : memref<4x104x64xf32, #tpu.memory_space<vmem>>, vector<16xf32>,
    tpu.vector_store %arg12[%swap3A_145, %swap3A_146, %swap3A_147], %broadcast_in_dim3A_10 {strides = array<i32>} : memref<4x104x64xf32, #tpu.memory_space<vmem>>, vector<16xf32>,
    %swap3A_149 = arith.constant 1 : i32
    %swap3A_150 = arith.constant 101 : i32
    %swap3A_151 = arith.index_cast %swap3A_149 : i32 to index
    %swap3A_152 = arith.index_cast %swap3A_150 : i32 to index
    %swap3A_153 = arith.constant 48 : index
    %swap3A_154 = tpu.vector_load %arg12[%swap3A_151, %swap3A_152, %swap3A_153] {strides = array<i32>} : memref<4x104x64xf32, #tpu.memory_space<vmem>>, vector<16xf32>,
    tpu.vector_store %arg12[%swap3A_151, %swap3A_152, %swap3A_153], %broadcast_in_dim3A_10 {strides = array<i32>} : memref<4x104x64xf32, #tpu.memory_space<vmem>>, vector<16xf32>,
    %swap3A_155 = arith.constant 1 : i32
    %swap3A_156 = arith.constant 102 : i32
    %swap3A_157 = arith.index_cast %swap3A_155 : i32 to index
    %swap3A_158 = arith.index_cast %swap3A_156 : i32 to index
    %swap3A_159 = arith.constant 0 : index
    %swap3A_160 = tpu.vector_load %arg12[%swap3A_157, %swap3A_158, %swap3A_159] {strides = array<i32>} : memref<4x104x64xf32, #tpu.memory_space<vmem>>, vector<16xf32>,
    tpu.vector_store %arg12[%swap3A_157, %swap3A_158, %swap3A_159], %broadcast_in_dim3A_10 {strides = array<i32>} : memref<4x104x64xf32, #tpu.memory_space<vmem>>, vector<16xf32>,
    %swap3A_161 = arith.constant 1 : i32
    %swap3A_162 = arith.constant 102 : i32
    %swap3A_163 = arith.index_cast %swap3A_161 : i32 to index
    %swap3A_164 = arith.index_cast %swap3A_162 : i32 to index
    %swap3A_165 = arith.constant 16 : index
    %swap3A_166 = tpu.vector_load %arg12[%swap3A_163, %swap3A_164, %swap3A_165] {strides = array<i32>} : memref<4x104x64xf32, #tpu.memory_space<vmem>>, vector<16xf32>,
    tpu.vector_store %arg12[%swap3A_163, %swap3A_164, %swap3A_165], %broadcast_in_dim3A_10 {strides = array<i32>} : memref<4x104x64xf32, #tpu.memory_space<vmem>>, vector<16xf32>,
    %swap3A_167 = arith.constant 1 : i32
    %swap3A_168 = arith.constant 102 : i32
    %swap3A_169 = arith.index_cast %swap3A_167 : i32 to index
    %swap3A_170 = arith.index_cast %swap3A_168 : i32 to index
    %swap3A_171 = arith.constant 32 : index
    %swap3A_172 = tpu.vector_load %arg12[%swap3A_169, %swap3A_170, %swap3A_171] {strides = array<i32>} : memref<4x104x64xf32, #tpu.memory_space<vmem>>, vector<16xf32>,
    tpu.vector_store %arg12[%swap3A_169, %swap3A_170, %swap3A_171], %broadcast_in_dim3A_10 {strides = array<i32>} : memref<4x104x64xf32, #tpu.memory_space<vmem>>, vector<16xf32>,
    %swap3A_173 = arith.constant 1 : i32
    %swap3A_174 = arith.constant 102 : i32
    %swap3A_175 = arith.index_cast %swap3A_173 : i32 to index
    %swap3A_176 = arith.index_cast %swap3A_174 : i32 to index
    %swap3A_177 = arith.constant 48 : index
    %swap3A_178 = tpu.vector_load %arg12[%swap3A_175, %swap3A_176, %swap3A_177] {strides = array<i32>} : memref<4x104x64xf32, #tpu.memory_space<vmem>>, vector<16xf32>,
    tpu.vector_store %arg12[%swap3A_175, %swap3A_176, %swap3A_177], %broadcast_in_dim3A_10 {strides = array<i32>} : memref<4x104x64xf32, #tpu.memory_space<vmem>>, vector<16xf32>,
    %swap3A_179 = arith.constant 1 : i32
    %swap3A_180 = arith.constant 103 : i32
    %swap3A_181 = arith.index_cast %swap3A_179 : i32 to index
    %swap3A_182 = arith.index_cast %swap3A_180 : i32 to index
    %swap3A_183 = arith.constant 0 : index
    %swap3A_184 = tpu.vector_load %arg12[%swap3A_181, %swap3A_182, %swap3A_183] {strides = array<i32>} : memref<4x104x64xf32, #tpu.memory_space<vmem>>, vector<16xf32>,
    tpu.vector_store %arg12[%swap3A_181, %swap3A_182, %swap3A_183], %broadcast_in_dim3A_10 {strides = array<i32>} : memref<4x104x64xf32, #tpu.memory_space<vmem>>, vector<16xf32>,
    %swap3A_185 = arith.constant 1 : i32
    %swap3A_186 = arith.constant 103 : i32
    %swap3A_187 = arith.index_cast %swap3A_185 : i32 to index
    %swap3A_188 = arith.index_cast %swap3A_186 : i32 to index
    %swap3A_189 = arith.constant 16 : index
    %swap3A_190 = tpu.vector_load %arg12[%swap3A_187, %swap3A_188, %swap3A_189] {strides = array<i32>} : memref<4x104x64xf32, #tpu.memory_space<vmem>>, vector<16xf32>,
    tpu.vector_store %arg12[%swap3A_187, %swap3A_188, %swap3A_189], %broadcast_in_dim3A_10 {strides = array<i32>} : memref<4x104x64xf32, #tpu.memory_space<vmem>>, vector<16xf32>,
    %swap3A_191 = arith.constant 1 : i32
    %swap3A_192 = arith.constant 103 : i32
    %swap3A_193 = arith.index_cast %swap3A_191 : i32 to index
    %swap3A_194 = arith.index_cast %swap3A_192 : i32 to index
    %swap3A_195 = arith.constant 32 : index
    %swap3A_196 = tpu.vector_load %arg12[%swap3A_193, %swap3A_194, %swap3A_195] {strides = array<i32>} : memref<4x104x64xf32, #tpu.memory_space<vmem>>, vector<16xf32>,
    tpu.vector_store %arg12[%swap3A_193, %swap3A_194, %swap3A_195], %broadcast_in_dim3A_10 {strides = array<i32>} : memref<4x104x64xf32, #tpu.memory_space<vmem>>, vector<16xf32>,
    %swap3A_197 = arith.constant 1 : i32
    %swap3A_198 = arith.constant 103 : i32
    %swap3A_199 = arith.index_cast %swap3A_197 : i32 to index
    %swap3A_200 = arith.index_cast %swap3A_198 : i32 to index
    %swap3A_201 = arith.constant 48 : index
    %swap3A_202 = tpu.vector_load %arg12[%swap3A_199, %swap3A_200, %swap3A_201] {strides = array<i32>} : memref<4x104x64xf32, #tpu.memory_space<vmem>>, vector<16xf32>,
    tpu.vector_store %arg12[%swap3A_199, %swap3A_200, %swap3A_201], %broadcast_in_dim3A_10 {strides = array<i32>} : memref<4x104x64xf32, #tpu.memory_space<vmem>>, vector<16xf32>,
    %swap3A_203 = arith.constant 2 : i32
    %swap3A_204 = arith.constant 100 : i32
    %swap3A_205 = arith.index_cast %swap3A_203 : i32 to index
    %swap3A_206 = arith.index_cast %swap3A_204 : i32 to index
    %swap3A_207 = arith.constant 0 : index
    %swap3A_208 = tpu.vector_load %arg12[%swap3A_205, %swap3A_206, %swap3A_207] {strides = array<i32>} : memref<4x104x64xf32, #tpu.memory_space<vmem>>, vector<16xf32>,
    tpu.vector_store %arg12[%swap3A_205, %swap3A_206, %swap3A_207], %broadcast_in_dim3A_10 {strides = array<i32>} : memref<4x104x64xf32, #tpu.memory_space<vmem>>, vector<16xf32>,
    %swap3A_209 = arith.constant 2 : i32
    %swap3A_210 = arith.constant 100 : i32
    %swap3A_211 = arith.index_cast %swap3A_209 : i32 to index
    %swap3A_212 = arith.index_cast %swap3A_210 : i32 to index
    %swap3A_213 = arith.constant 16 : index
    %swap3A_214 = tpu.vector_load %arg12[%swap3A_211, %swap3A_212, %swap3A_213] {strides = array<i32>} : memref<4x104x64xf32, #tpu.memory_space<vmem>>, vector<16xf32>,
    tpu.vector_store %arg12[%swap3A_211, %swap3A_212, %swap3A_213], %broadcast_in_dim3A_10 {strides = array<i32>} : memref<4x104x64xf32, #tpu.memory_space<vmem>>, vector<16xf32>,
    %swap3A_215 = arith.constant 2 : i32
    %swap3A_216 = arith.constant 100 : i32
    %swap3A_217 = arith.index_cast %swap3A_215 : i32 to index
    %swap3A_218 = arith.index_cast %swap3A_216 : i32 to index
    %swap3A_219 = arith.constant 32 : index
    %swap3A_220 = tpu.vector_load %arg12[%swap3A_217, %swap3A_218, %swap3A_219] {strides = array<i32>} : memref<4x104x64xf32, #tpu.memory_space<vmem>>, vector<16xf32>,
    tpu.vector_store %arg12[%swap3A_217, %swap3A_218, %swap3A_219], %broadcast_in_dim3A_10 {strides = array<i32>} : memref<4x104x64xf32, #tpu.memory_space<vmem>>, vector<16xf32>,
    %swap3A_221 = arith.constant 2 : i32
    %swap3A_222 = arith.constant 100 : i32
    %swap3A_223 = arith.index_cast %swap3A_221 : i32 to index
    %swap3A_224 = arith.index_cast %swap3A_222 : i32 to index
    %swap3A_225 = arith.constant 48 : index
    %swap3A_226 = tpu.vector_load %arg12[%swap3A_223, %swap3A_224, %swap3A_225] {strides = array<i32>} : memref<4x104x64xf32, #tpu.memory_space<vmem>>, vector<16xf32>,
    tpu.vector_store %arg12[%swap3A_223, %swap3A_224, %swap3A_225], %broadcast_in_dim3A_10 {strides = array<i32>} : memref<4x104x64xf32, #tpu.memory_space<vmem>>, vector<16xf32>,
    %swap3A_227 = arith.constant 2 : i32
    %swap3A_228 = arith.constant 101 : i32
    %swap3A_229 = arith.index_cast %swap3A_227 : i32 to index
    %swap3A_230 = arith.index_cast %swap3A_228 : i32 to index
    %swap3A_231 = arith.constant 0 : index
    %swap3A_232 = tpu.vector_load %arg12[%swap3A_229, %swap3A_230, %swap3A_231] {strides = array<i32>} : memref<4x104x64xf32, #tpu.memory_space<vmem>>, vector<16xf32>,
    tpu.vector_store %arg12[%swap3A_229, %swap3A_230, %swap3A_231], %broadcast_in_dim3A_10 {strides = array<i32>} : memref<4x104x64xf32, #tpu.memory_space<vmem>>, vector<16xf32>,
    %swap3A_233 = arith.constant 2 : i32
    %swap3A_234 = arith.constant 101 : i32
    %swap3A_235 = arith.index_cast %swap3A_233 : i32 to index
    %swap3A_236 = arith.index_cast %swap3A_234 : i32 to index
    %swap3A_237 = arith.constant 16 : index
    %swap3A_238 = tpu.vector_load %arg12[%swap3A_235, %swap3A_236, %swap3A_237] {strides = array<i32>} : memref<4x104x64xf32, #tpu.memory_space<vmem>>, vector<16xf32>,
    tpu.vector_store %arg12[%swap3A_235, %swap3A_236, %swap3A_237], %broadcast_in_dim3A_10 {strides = array<i32>} : memref<4x104x64xf32, #tpu.memory_space<vmem>>, vector<16xf32>,
    %swap3A_239 = arith.constant 2 : i32
    %swap3A_240 = arith.constant 101 : i32
    %swap3A_241 = arith.index_cast %swap3A_239 : i32 to index
    %swap3A_242 = arith.index_cast %swap3A_240 : i32 to index
    %swap3A_243 = arith.constant 32 : index
    %swap3A_244 = tpu.vector_load %arg12[%swap3A_241, %swap3A_242, %swap3A_243] {strides = array<i32>} : memref<4x104x64xf32, #tpu.memory_space<vmem>>, vector<16xf32>,
    tpu.vector_store %arg12[%swap3A_241, %swap3A_242, %swap3A_243], %broadcast_in_dim3A_10 {strides = array<i32>} : memref<4x104x64xf32, #tpu.memory_space<vmem>>, vector<16xf32>,
    %swap3A_245 = arith.constant 2 : i32
    %swap3A_246 = arith.constant 101 : i32
    %swap3A_247 = arith.index_cast %swap3A_245 : i32 to index
    %swap3A_248 = arith.index_cast %swap3A_246 : i32 to index
    %swap3A_249 = arith.constant 48 : index
    %swap3A_250 = tpu.vector_load %arg12[%swap3A_247, %swap3A_248, %swap3A_249] {strides = array<i32>} : memref<4x104x64xf32, #tpu.memory_space<vmem>>, vector<16xf32>,
    tpu.vector_store %arg12[%swap3A_247, %swap3A_248, %swap3A_249], %broadcast_in_dim3A_10 {strides = array<i32>} : memref<4x104x64xf32, #tpu.memory_space<vmem>>, vector<16xf32>,
    %swap3A_251 = arith.constant 2 : i32
    %swap3A_252 = arith.constant 102 : i32
    %swap3A_253 = arith.index_cast %swap3A_251 : i32 to index
    %swap3A_254 = arith.index_cast %swap3A_252 : i32 to index
    %swap3A_255 = arith.constant 0 : index
    %swap3A_256 = tpu.vector_load %arg12[%swap3A_253, %swap3A_254, %swap3A_255] {strides = array<i32>} : memref<4x104x64xf32, #tpu.memory_space<vmem>>, vector<16xf32>,
    tpu.vector_store %arg12[%swap3A_253, %swap3A_254, %swap3A_255], %broadcast_in_dim3A_10 {strides = array<i32>} : memref<4x104x64xf32, #tpu.memory_space<vmem>>, vector<16xf32>,
    %swap3A_257 = arith.constant 2 : i32
    %swap3A_258 = arith.constant 102 : i32
    %swap3A_259 = arith.index_cast %swap3A_257 : i32 to index
    %swap3A_260 = arith.index_cast %swap3A_258 : i32 to index
    %swap3A_261 = arith.constant 16 : index
    %swap3A_262 = tpu.vector_load %arg12[%swap3A_259, %swap3A_260, %swap3A_261] {strides = array<i32>} : memref<4x104x64xf32, #tpu.memory_space<vmem>>, vector<16xf32>,
    tpu.vector_store %arg12[%swap3A_259, %swap3A_260, %swap3A_261], %broadcast_in_dim3A_10 {strides = array<i32>} : memref<4x104x64xf32, #tpu.memory_space<vmem>>, vector<16xf32>,
    %swap3A_263 = arith.constant 2 : i32
    %swap3A_264 = arith.constant 102 : i32
    %swap3A_265 = arith.index_cast %swap3A_263 : i32 to index
    %swap3A_266 = arith.index_cast %swap3A_264 : i32 to index
    %swap3A_267 = arith.constant 32 : index
    %swap3A_268 = tpu.vector_load %arg12[%swap3A_265, %swap3A_266, %swap3A_267] {strides = array<i32>} : memref<4x104x64xf32, #tpu.memory_space<vmem>>, vector<16xf32>,
    tpu.vector_store %arg12[%swap3A_265, %swap3A_266, %swap3A_267], %broadcast_in_dim3A_10 {strides = array<i32>} : memref<4x104x64xf32, #tpu.memory_space<vmem>>, vector<16xf32>,
    %swap3A_269 = arith.constant 2 : i32
    %swap3A_270 = arith.constant 102 : i32
    %swap3A_271 = arith.index_cast %swap3A_269 : i32 to index
    %swap3A_272 = arith.index_cast %swap3A_270 : i32 to index
    %swap3A_273 = arith.constant 48 : index
    %swap3A_274 = tpu.vector_load %arg12[%swap3A_271, %swap3A_272, %swap3A_273] {strides = array<i32>} : memref<4x104x64xf32, #tpu.memory_space<vmem>>, vector<16xf32>,
    tpu.vector_store %arg12[%swap3A_271, %swap3A_272, %swap3A_273], %broadcast_in_dim3A_10 {strides = array<i32>} : memref<4x104x64xf32, #tpu.memory_space<vmem>>, vector<16xf32>,
    %swap3A_275 = arith.constant 2 : i32
    %swap3A_276 = arith.constant 103 : i32
    %swap3A_277 = arith.index_cast %swap3A_275 : i32 to index
    %swap3A_278 = arith.index_cast %swap3A_276 : i32 to index
    %swap3A_279 = arith.constant 0 : index
    %swap3A_280 = tpu.vector_load %arg12[%swap3A_277, %swap3A_278, %swap3A_279] {strides = array<i32>} : memref<4x104x64xf32, #tpu.memory_space<vmem>>, vector<16xf32>,
    tpu.vector_store %arg12[%swap3A_277, %swap3A_278, %swap3A_279], %broadcast_in_dim3A_10 {strides = array<i32>} : memref<4x104x64xf32, #tpu.memory_space<vmem>>, vector<16xf32>,
    %swap3A_281 = arith.constant 2 : i32
    %swap3A_282 = arith.constant 103 : i32
    %swap3A_283 = arith.index_cast %swap3A_281 : i32 to index
    %swap3A_284 = arith.index_cast %swap3A_282 : i32 to index
    %swap3A_285 = arith.constant 16 : index
    %swap3A_286 = tpu.vector_load %arg12[%swap3A_283, %swap3A_284, %swap3A_285] {strides = array<i32>} : memref<4x104x64xf32, #tpu.memory_space<vmem>>, vector<16xf32>,
    tpu.vector_store %arg12[%swap3A_283, %swap3A_284, %swap3A_285], %broadcast_in_dim3A_10 {strides = array<i32>} : memref<4x104x64xf32, #tpu.memory_space<vmem>>, vector<16xf32>,
    %swap3A_287 = arith.constant 2 : i32
    %swap3A_288 = arith.constant 103 : i32
    %swap3A_289 = arith.index_cast %swap3A_287 : i32 to index
    %swap3A_290 = arith.index_cast %swap3A_288 : i32 to index
    %swap3A_291 = arith.constant 32 : index
    %swap3A_292 = tpu.vector_load %arg12[%swap3A_289, %swap3A_290, %swap3A_291] {strides = array<i32>} : memref<4x104x64xf32, #tpu.memory_space<vmem>>, vector<16xf32>,
    tpu.vector_store %arg12[%swap3A_289, %swap3A_290, %swap3A_291], %broadcast_in_dim3A_10 {strides = array<i32>} : memref<4x104x64xf32, #tpu.memory_space<vmem>>, vector<16xf32>,
    %swap3A_293 = arith.constant 2 : i32
    %swap3A_294 = arith.constant 103 : i32
    %swap3A_295 = arith.index_cast %swap3A_293 : i32 to index
    %swap3A_296 = arith.index_cast %swap3A_294 : i32 to index
    %swap3A_297 = arith.constant 48 : index
    %swap3A_298 = tpu.vector_load %arg12[%swap3A_295, %swap3A_296, %swap3A_297] {strides = array<i32>} : memref<4x104x64xf32, #tpu.memory_space<vmem>>, vector<16xf32>,
    tpu.vector_store %arg12[%swap3A_295, %swap3A_296, %swap3A_297], %broadcast_in_dim3A_10 {strides = array<i32>} : memref<4x104x64xf32, #tpu.memory_space<vmem>>, vector<16xf32>,
    %swap3A_299 = arith.constant 3 : i32
    %swap3A_300 = arith.constant 100 : i32
    %swap3A_301 = arith.index_cast %swap3A_299 : i32 to index
    %swap3A_302 = arith.index_cast %swap3A_300 : i32 to index
    %swap3A_303 = arith.constant 0 : index
    %swap3A_304 = tpu.vector_load %arg12[%swap3A_301, %swap3A_302, %swap3A_303] {strides = array<i32>} : memref<4x104x64xf32, #tpu.memory_space<vmem>>, vector<16xf32>,
    tpu.vector_store %arg12[%swap3A_301, %swap3A_302, %swap3A_303], %broadcast_in_dim3A_10 {strides = array<i32>} : memref<4x104x64xf32, #tpu.memory_space<vmem>>, vector<16xf32>,
    %swap3A_305 = arith.constant 3 : i32
    %swap3A_306 = arith.constant 100 : i32
    %swap3A_307 = arith.index_cast %swap3A_305 : i32 to index
    %swap3A_308 = arith.index_cast %swap3A_306 : i32 to index
    %swap3A_309 = arith.constant 16 : index
    %swap3A_310 = tpu.vector_load %arg12[%swap3A_307, %swap3A_308, %swap3A_309] {strides = array<i32>} : memref<4x104x64xf32, #tpu.memory_space<vmem>>, vector<16xf32>,
    tpu.vector_store %arg12[%swap3A_307, %swap3A_308, %swap3A_309], %broadcast_in_dim3A_10 {strides = array<i32>} : memref<4x104x64xf32, #tpu.memory_space<vmem>>, vector<16xf32>,
    %swap3A_311 = arith.constant 3 : i32
    %swap3A_312 = arith.constant 100 : i32
    %swap3A_313 = arith.index_cast %swap3A_311 : i32 to index
    %swap3A_314 = arith.index_cast %swap3A_312 : i32 to index
    %swap3A_315 = arith.constant 32 : index
    %swap3A_316 = tpu.vector_load %arg12[%swap3A_313, %swap3A_314, %swap3A_315] {strides = array<i32>} : memref<4x104x64xf32, #tpu.memory_space<vmem>>, vector<16xf32>,
    tpu.vector_store %arg12[%swap3A_313, %swap3A_314, %swap3A_315], %broadcast_in_dim3A_10 {strides = array<i32>} : memref<4x104x64xf32, #tpu.memory_space<vmem>>, vector<16xf32>,
    %swap3A_317 = arith.constant 3 : i32
    %swap3A_318 = arith.constant 100 : i32
    %swap3A_319 = arith.index_cast %swap3A_317 : i32 to index
    %swap3A_320 = arith.index_cast %swap3A_318 : i32 to index
    %swap3A_321 = arith.constant 48 : index
    %swap3A_322 = tpu.vector_load %arg12[%swap3A_319, %swap3A_320, %swap3A_321] {strides = array<i32>} : memref<4x104x64xf32, #tpu.memory_space<vmem>>, vector<16xf32>,
    tpu.vector_store %arg12[%swap3A_319, %swap3A_320, %swap3A_321], %broadcast_in_dim3A_10 {strides = array<i32>} : memref<4x104x64xf32, #tpu.memory_space<vmem>>, vector<16xf32>,
    %swap3A_323 = arith.constant 3 : i32
    %swap3A_324 = arith.constant 101 : i32
    %swap3A_325 = arith.index_cast %swap3A_323 : i32 to index
    %swap3A_326 = arith.index_cast %swap3A_324 : i32 to index
    %swap3A_327 = arith.constant 0 : index
    %swap3A_328 = tpu.vector_load %arg12[%swap3A_325, %swap3A_326, %swap3A_327] {strides = array<i32>} : memref<4x104x64xf32, #tpu.memory_space<vmem>>, vector<16xf32>,
    tpu.vector_store %arg12[%swap3A_325, %swap3A_326, %swap3A_327], %broadcast_in_dim3A_10 {strides = array<i32>} : memref<4x104x64xf32, #tpu.memory_space<vmem>>, vector<16xf32>,
    %swap3A_329 = arith.constant 3 : i32
    %swap3A_330 = arith.constant 101 : i32
    %swap3A_331 = arith.index_cast %swap3A_329 : i32 to index
    %swap3A_332 = arith.index_cast %swap3A_330 : i32 to index
    %swap3A_333 = arith.constant 16 : index
    %swap3A_334 = tpu.vector_load %arg12[%swap3A_331, %swap3A_332, %swap3A_333] {strides = array<i32>} : memref<4x104x64xf32, #tpu.memory_space<vmem>>, vector<16xf32>,
    tpu.vector_store %arg12[%swap3A_331, %swap3A_332, %swap3A_333], %broadcast_in_dim3A_10 {strides = array<i32>} : memref<4x104x64xf32, #tpu.memory_space<vmem>>, vector<16xf32>,
    %swap3A_335 = arith.constant 3 : i32
    %swap3A_336 = arith.constant 101 : i32
    %swap3A_337 = arith.index_cast %swap3A_335 : i32 to index
    %swap3A_338 = arith.index_cast %swap3A_336 : i32 to index
    %swap3A_339 = arith.constant 32 : index
    %swap3A_340 = tpu.vector_load %arg12[%swap3A_337, %swap3A_338, %swap3A_339] {strides = array<i32>} : memref<4x104x64xf32, #tpu.memory_space<vmem>>, vector<16xf32>,
    tpu.vector_store %arg12[%swap3A_337, %swap3A_338, %swap3A_339], %broadcast_in_dim3A_10 {strides = array<i32>} : memref<4x104x64xf32, #tpu.memory_space<vmem>>, vector<16xf32>,
    %swap3A_341 = arith.constant 3 : i32
    %swap3A_342 = arith.constant 101 : i32
    %swap3A_343 = arith.index_cast %swap3A_341 : i32 to index
    %swap3A_344 = arith.index_cast %swap3A_342 : i32 to index
    %swap3A_345 = arith.constant 48 : index
    %swap3A_346 = tpu.vector_load %arg12[%swap3A_343, %swap3A_344, %swap3A_345] {strides = array<i32>} : memref<4x104x64xf32, #tpu.memory_space<vmem>>, vector<16xf32>,
    tpu.vector_store %arg12[%swap3A_343, %swap3A_344, %swap3A_345], %broadcast_in_dim3A_10 {strides = array<i32>} : memref<4x104x64xf32, #tpu.memory_space<vmem>>, vector<16xf32>,
    %swap3A_347 = arith.constant 3 : i32
    %swap3A_348 = arith.constant 102 : i32
    %swap3A_349 = arith.index_cast %swap3A_347 : i32 to index
    %swap3A_350 = arith.index_cast %swap3A_348 : i32 to index
    %swap3A_351 = arith.constant 0 : index
    %swap3A_352 = tpu.vector_load %arg12[%swap3A_349, %swap3A_350, %swap3A_351] {strides = array<i32>} : memref<4x104x64xf32, #tpu.memory_space<vmem>>, vector<16xf32>,
    tpu.vector_store %arg12[%swap3A_349, %swap3A_350, %swap3A_351], %broadcast_in_dim3A_10 {strides = array<i32>} : memref<4x104x64xf32, #tpu.memory_space<vmem>>, vector<16xf32>,
    %swap3A_353 = arith.constant 3 : i32
    %swap3A_354 = arith.constant 102 : i32
    %swap3A_355 = arith.index_cast %swap3A_353 : i32 to index
    %swap3A_356 = arith.index_cast %swap3A_354 : i32 to index
    %swap3A_357 = arith.constant 16 : index
    %swap3A_358 = tpu.vector_load %arg12[%swap3A_355, %swap3A_356, %swap3A_357] {strides = array<i32>} : memref<4x104x64xf32, #tpu.memory_space<vmem>>, vector<16xf32>,
    tpu.vector_store %arg12[%swap3A_355, %swap3A_356, %swap3A_357], %broadcast_in_dim3A_10 {strides = array<i32>} : memref<4x104x64xf32, #tpu.memory_space<vmem>>, vector<16xf32>,
    %swap3A_359 = arith.constant 3 : i32
    %swap3A_360 = arith.constant 102 : i32
    %swap3A_361 = arith.index_cast %swap3A_359 : i32 to index
    %swap3A_362 = arith.index_cast %swap3A_360 : i32 to index
    %swap3A_363 = arith.constant 32 : index
    %swap3A_364 = tpu.vector_load %arg12[%swap3A_361, %swap3A_362, %swap3A_363] {strides = array<i32>} : memref<4x104x64xf32, #tpu.memory_space<vmem>>, vector<16xf32>,
    tpu.vector_store %arg12[%swap3A_361, %swap3A_362, %swap3A_363], %broadcast_in_dim3A_10 {strides = array<i32>} : memref<4x104x64xf32, #tpu.memory_space<vmem>>, vector<16xf32>,
    %swap3A_365 = arith.constant 3 : i32
    %swap3A_366 = arith.constant 102 : i32
    %swap3A_367 = arith.index_cast %swap3A_365 : i32 to index
    %swap3A_368 = arith.index_cast %swap3A_366 : i32 to index
    %swap3A_369 = arith.constant 48 : index
    %swap3A_370 = tpu.vector_load %arg12[%swap3A_367, %swap3A_368, %swap3A_369] {strides = array<i32>} : memref<4x104x64xf32, #tpu.memory_space<vmem>>, vector<16xf32>,
    tpu.vector_store %arg12[%swap3A_367, %swap3A_368, %swap3A_369], %broadcast_in_dim3A_10 {strides = array<i32>} : memref<4x104x64xf32, #tpu.memory_space<vmem>>, vector<16xf32>,
    %swap3A_371 = arith.constant 3 : i32
    %swap3A_372 = arith.constant 103 : i32
    %swap3A_373 = arith.index_cast %swap3A_371 : i32 to index
    %swap3A_374 = arith.index_cast %swap3A_372 : i32 to index
    %swap3A_375 = arith.constant 0 : index
    %swap3A_376 = tpu.vector_load %arg12[%swap3A_373, %swap3A_374, %swap3A_375] {strides = array<i32>} : memref<4x104x64xf32, #tpu.memory_space<vmem>>, vector<16xf32>,
    tpu.vector_store %arg12[%swap3A_373, %swap3A_374, %swap3A_375], %broadcast_in_dim3A_10 {strides = array<i32>} : memref<4x104x64xf32, #tpu.memory_space<vmem>>, vector<16xf32>,
    %swap3A_377 = arith.constant 3 : i32
    %swap3A_378 = arith.constant 103 : i32
    %swap3A_379 = arith.index_cast %swap3A_377 : i32 to index
    %swap3A_380 = arith.index_cast %swap3A_378 : i32 to index
    %swap3A_381 = arith.constant 16 : index
    %swap3A_382 = tpu.vector_load %arg12[%swap3A_379, %swap3A_380, %swap3A_381] {strides = array<i32>} : memref<4x104x64xf32, #tpu.memory_space<vmem>>, vector<16xf32>,
    tpu.vector_store %arg12[%swap3A_379, %swap3A_380, %swap3A_381], %broadcast_in_dim3A_10 {strides = array<i32>} : memref<4x104x64xf32, #tpu.memory_space<vmem>>, vector<16xf32>,
    %swap3A_383 = arith.constant 3 : i32
    %swap3A_384 = arith.constant 103 : i32
    %swap3A_385 = arith.index_cast %swap3A_383 : i32 to index
    %swap3A_386 = arith.index_cast %swap3A_384 : i32 to index
    %swap3A_387 = arith.constant 32 : index
    %swap3A_388 = tpu.vector_load %arg12[%swap3A_385, %swap3A_386, %swap3A_387] {strides = array<i32>} : memref<4x104x64xf32, #tpu.memory_space<vmem>>, vector<16xf32>,
    tpu.vector_store %arg12[%swap3A_385, %swap3A_386, %swap3A_387], %broadcast_in_dim3A_10 {strides = array<i32>} : memref<4x104x64xf32, #tpu.memory_space<vmem>>, vector<16xf32>,
    %swap3A_389 = arith.constant 3 : i32
    %swap3A_390 = arith.constant 103 : i32
    %swap3A_391 = arith.index_cast %swap3A_389 : i32 to index
    %swap3A_392 = arith.index_cast %swap3A_390 : i32 to index
    %swap3A_393 = arith.constant 48 : index
    %swap3A_394 = tpu.vector_load %arg12[%swap3A_391, %swap3A_392, %swap3A_393] {strides = array<i32>} : memref<4x104x64xf32, #tpu.memory_space<vmem>>, vector<16xf32>,
    tpu.vector_store %arg12[%swap3A_391, %swap3A_392, %swap3A_393], %broadcast_in_dim3A_10 {strides = array<i32>} : memref<4x104x64xf32, #tpu.memory_space<vmem>>, vector<16xf32>,
    %iota3A = tpu.iota {dimensions = array<i32: 0>} : vector<16xi32>
    %broadcast_in_dim3A_395 = arith.constant 0.000000e+00 : f32
    %broadcast_in_dim3A_396 = vector.broadcast %broadcast_in_dim3A_395 : f32 to vector<16xf32>
    %broadcast_in_dim3A_397 = arith.constant 0.000000e+00 : f32
    %broadcast_in_dim3A_398 = vector.broadcast %broadcast_in_dim3A_397 : f32 to vector<16xf32>
    %get3A = arith.constant 0 : index
    %get3A_399 = tpu.vector_load %arg15[%get3A] {strides = array<i32>} : memref<768xf32, #tpu.memory_space<vmem>>, vector<16xf32>,
    %get3A_400 = arith.constant 704 : index
    %get3A_401 = tpu.vector_load %arg15[%get3A_400] {strides = array<i32>} : memref<768xf32, #tpu.memory_space<vmem>>, vector<16xf32>,
    %mul3A_402 = arith.mulf %get3A_399, %get3A_401 : vector<16xf32>
    %add3A_403 = arith.addf %broadcast_in_dim3A_398, %mul3A_402 : vector<16xf32>
    %get3A_404 = arith.constant 16 : index
    %get3A_405 = tpu.vector_load %arg15[%get3A_404] {strides = array<i32>} : memref<768xf32, #tpu.memory_space<vmem>>, vector<16xf32>,
    %get3A_406 = arith.constant 720 : index
    %get3A_407 = tpu.vector_load %arg15[%get3A_406] {strides = array<i32>} : memref<768xf32, #tpu.memory_space<vmem>>, vector<16xf32>,
    %mul3A_408 = arith.mulf %get3A_405, %get3A_407 : vector<16xf32>
    %add3A_409 = arith.addf %add3A_403, %mul3A_408 : vector<16xf32>
    %get3A_410 = arith.constant 32 : index
    %get3A_411 = tpu.vector_load %arg15[%get3A_410] {strides = array<i32>} : memref<768xf32, #tpu.memory_space<vmem>>, vector<16xf32>,
    %get3A_412 = arith.constant 736 : index
    %get3A_413 = tpu.vector_load %arg15[%get3A_412] {strides = array<i32>} : memref<768xf32, #tpu.memory_space<vmem>>, vector<16xf32>,
    %mul3A_414 = arith.mulf %get3A_411, %get3A_413 : vector<16xf32>
    %add3A_415 = arith.addf %add3A_409, %mul3A_414 : vector<16xf32>
    %get3A_416 = arith.constant 48 : index
    %get3A_417 = tpu.vector_load %arg15[%get3A_416] {strides = array<i32>} : memref<768xf32, #tpu.memory_space<vmem>>, vector<16xf32>,
    %get3A_418 = arith.constant 752 : index
    %get3A_419 = tpu.vector_load %arg15[%get3A_418] {strides = array<i32>} : memref<768xf32, #tpu.memory_space<vmem>>, vector<16xf32>,
    %mul3A_420 = arith.mulf %get3A_417, %get3A_419 : vector<16xf32>
    %add3A_421 = arith.addf %add3A_415, %mul3A_420 : vector<16xf32>
    %reduce_sum3A = arith.constant true
    %reduce_sum3A_422 = vector.broadcast %reduce_sum3A : i1 to vector<16xi1>
    %reduce_sum3A_423 = tpu.scan <sum>, %add3A_421 masked %reduce_sum3A_422 : vector<16xf32>, vector<16xi1> -> vector<16xf32>
    %reduce_sum3A_424 = vector.extract %reduce_sum3A_423[15] : f32 from vector<16xf32>
    %eq3A = arith.constant 0 : i32
    %eq3A_425 = vector.broadcast %eq3A : i32 to vector<16xi32>
    %eq3A_426 = arith.cmpi eq, %iota3A, %eq3A_425 : vector<16xi32>
    %broadcast_in_dim3A_427 = vector.broadcast %reduce_sum3A_424 : f32 to vector<16xf32>
    %select_n3A = arith.select %eq3A_426, %broadcast_in_dim3A_427, %broadcast_in_dim3A_396 : vector<16xi1>, vector<16xf32>
    %broadcast_in_dim3A_428 = arith.constant 0.000000e+00 : f32
    %broadcast_in_dim3A_429 = vector.broadcast %broadcast_in_dim3A_428 : f32 to vector<16xf32>
    %get3A_430 = arith.constant 64 : index
    %get3A_431 = tpu.vector_load %arg15[%get3A_430] {strides = array<i32>} : memref<768xf32, #tpu.memory_space<vmem>>, vector<16xf32>,
    %get3A_432 = arith.constant 704 : index
    %get3A_433 = tpu.vector_load %arg15[%get3A_432] {strides = array<i32>} : memref<768xf32, #tpu.memory_space<vmem>>, vector<16xf32>,
    %mul3A_434 = arith.mulf %get3A_431, %get3A_433 : vector<16xf32>
    %add3A_435 = arith.addf %broadcast_in_dim3A_429, %mul3A_434 : vector<16xf32>
    %get3A_436 = arith.constant 80 : index
    %get3A_437 = tpu.vector_load %arg15[%get3A_436] {strides = array<i32>} : memref<768xf32, #tpu.memory_space<vmem>>, vector<16xf32>,
    %get3A_438 = arith.constant 720 : index
    %get3A_439 = tpu.vector_load %arg15[%get3A_438] {strides = array<i32>} : memref<768xf32, #tpu.memory_space<vmem>>, vector<16xf32>,
    %mul3A_440 = arith.mulf %get3A_437, %get3A_439 : vector<16xf32>
    %add3A_441 = arith.addf %add3A_435, %mul3A_440 : vector<16xf32>
    %get3A_442 = arith.constant 96 : index
    %get3A_443 = tpu.vector_load %arg15[%get3A_442] {strides = array<i32>} : memref<768xf32, #tpu.memory_space<vmem>>, vector<16xf32>,
    %get3A_444 = arith.constant 736 : index
    %get3A_445 = tpu.vector_load %arg15[%get3A_444] {strides = array<i32>} : memref<768xf32, #tpu.memory_space<vmem>>, vector<16xf32>,
    %mul3A_446 = arith.mulf %get3A_443, %get3A_445 : vector<16xf32>
    %add3A_447 = arith.addf %add3A_441, %mul3A_446 : vector<16xf32>
    %get3A_448 = arith.constant 112 : index
    %get3A_449 = tpu.vector_load %arg15[%get3A_448] {strides = array<i32>} : memref<768xf32, #tpu.memory_space<vmem>>, vector<16xf32>,
    %get3A_450 = arith.constant 752 : index
    %get3A_451 = tpu.vector_load %arg15[%get3A_450] {strides = array<i32>} : memref<768xf32, #tpu.memory_space<vmem>>, vector<16xf32>,
    %mul3A_452 = arith.mulf %get3A_449, %get3A_451 : vector<16xf32>
    %add3A_453 = arith.addf %add3A_447, %mul3A_452 : vector<16xf32>
    %reduce_sum3A_454 = arith.constant true
    %reduce_sum3A_455 = vector.broadcast %reduce_sum3A_454 : i1 to vector<16xi1>
    %reduce_sum3A_456 = tpu.scan <sum>, %add3A_453 masked %reduce_sum3A_455 : vector<16xf32>, vector<16xi1> -> vector<16xf32>
    %reduce_sum3A_457 = vector.extract %reduce_sum3A_456[15] : f32 from vector<16xf32>
    %eq3A_458 = arith.constant 1 : i32
    %eq3A_459 = vector.broadcast %eq3A_458 : i32 to vector<16xi32>
    %eq3A_460 = arith.cmpi eq, %iota3A, %eq3A_459 : vector<16xi32>
    %broadcast_in_dim3A_461 = vector.broadcast %reduce_sum3A_457 : f32 to vector<16xf32>
    %select_n3A_462 = arith.select %eq3A_460, %broadcast_in_dim3A_461, %select_n3A : vector<16xi1>, vector<16xf32>
    %broadcast_in_dim3A_463 = arith.constant 0.000000e+00 : f32
    %broadcast_in_dim3A_464 = vector.broadcast %broadcast_in_dim3A_463 : f32 to vector<16xf32>
    %get3A_465 = arith.constant 128 : index
    %get3A_466 = tpu.vector_load %arg15[%get3A_465] {strides = array<i32>} : memref<768xf32, #tpu.memory_space<vmem>>, vector<16xf32>,
    %get3A_467 = arith.constant 704 : index
    %get3A_468 = tpu.vector_load %arg15[%get3A_467] {strides = array<i32>} : memref<768xf32, #tpu.memory_space<vmem>>, vector<16xf32>,
    %mul3A_469 = arith.mulf %get3A_466, %get3A_468 : vector<16xf32>
    %add3A_470 = arith.addf %broadcast_in_dim3A_464, %mul3A_469 : vector<16xf32>
    %get3A_471 = arith.constant 144 : index
    %get3A_472 = tpu.vector_load %arg15[%get3A_471] {strides = array<i32>} : memref<768xf32, #tpu.memory_space<vmem>>, vector<16xf32>,
    %get3A_473 = arith.constant 720 : index
    %get3A_474 = tpu.vector_load %arg15[%get3A_473] {strides = array<i32>} : memref<768xf32, #tpu.memory_space<vmem>>, vector<16xf32>,
    %mul3A_475 = arith.mulf %get3A_472, %get3A_474 : vector<16xf32>
    %add3A_476 = arith.addf %add3A_470, %mul3A_475 : vector<16xf32>
    %get3A_477 = arith.constant 160 : index
    %get3A_478 = tpu.vector_load %arg15[%get3A_477] {strides = array<i32>} : memref<768xf32, #tpu.memory_space<vmem>>, vector<16xf32>,
    %get3A_479 = arith.constant 736 : index
    %get3A_480 = tpu.vector_load %arg15[%get3A_479] {strides = array<i32>} : memref<768xf32, #tpu.memory_space<vmem>>, vector<16xf32>,
    %mul3A_481 = arith.mulf %get3A_478, %get3A_480 : vector<16xf32>
    %add3A_482 = arith.addf %add3A_476, %mul3A_481 : vector<16xf32>
    %get3A_483 = arith.constant 176 : index
    %get3A_484 = tpu.vector_load %arg15[%get3A_483] {strides = array<i32>} : memref<768xf32, #tpu.memory_space<vmem>>, vector<16xf32>,
    %get3A_485 = arith.constant 752 : index
    %get3A_486 = tpu.vector_load %arg15[%get3A_485] {strides = array<i32>} : memref<768xf32, #tpu.memory_space<vmem>>, vector<16xf32>,
    %mul3A_487 = arith.mulf %get3A_484, %get3A_486 : vector<16xf32>
    %add3A_488 = arith.addf %add3A_482, %mul3A_487 : vector<16xf32>
    %reduce_sum3A_489 = arith.constant true
    %reduce_sum3A_490 = vector.broadcast %reduce_sum3A_489 : i1 to vector<16xi1>
    %reduce_sum3A_491 = tpu.scan <sum>, %add3A_488 masked %reduce_sum3A_490 : vector<16xf32>, vector<16xi1> -> vector<16xf32>
    %reduce_sum3A_492 = vector.extract %reduce_sum3A_491[15] : f32 from vector<16xf32>
    %eq3A_493 = arith.constant 2 : i32
    %eq3A_494 = vector.broadcast %eq3A_493 : i32 to vector<16xi32>
    %eq3A_495 = arith.cmpi eq, %iota3A, %eq3A_494 : vector<16xi32>
    %broadcast_in_dim3A_496 = vector.broadcast %reduce_sum3A_492 : f32 to vector<16xf32>
    %select_n3A_497 = arith.select %eq3A_495, %broadcast_in_dim3A_496, %select_n3A_462 : vector<16xi1>, vector<16xf32>
    %broadcast_in_dim3A_498 = arith.constant 0.000000e+00 : f32
    %broadcast_in_dim3A_499 = vector.broadcast %broadcast_in_dim3A_498 : f32 to vector<16xf32>
    %get3A_500 = arith.constant 192 : index
    %get3A_501 = tpu.vector_load %arg15[%get3A_500] {strides = array<i32>} : memref<768xf32, #tpu.memory_space<vmem>>, vector<16xf32>,
    %get3A_502 = arith.constant 704 : index
    %get3A_503 = tpu.vector_load %arg15[%get3A_502] {strides = array<i32>} : memref<768xf32, #tpu.memory_space<vmem>>, vector<16xf32>,
    %mul3A_504 = arith.mulf %get3A_501, %get3A_503 : vector<16xf32>
    %add3A_505 = arith.addf %broadcast_in_dim3A_499, %mul3A_504 : vector<16xf32>
    %get3A_506 = arith.constant 208 : index
    %get3A_507 = tpu.vector_load %arg15[%get3A_506] {strides = array<i32>} : memref<768xf32, #tpu.memory_space<vmem>>, vector<16xf32>,
    %get3A_508 = arith.constant 720 : index
    %get3A_509 = tpu.vector_load %arg15[%get3A_508] {strides = array<i32>} : memref<768xf32, #tpu.memory_space<vmem>>, vector<16xf32>,
    %mul3A_510 = arith.mulf %get3A_507, %get3A_509 : vector<16xf32>
    %add3A_511 = arith.addf %add3A_505, %mul3A_510 : vector<16xf32>
    %get3A_512 = arith.constant 224 : index
    %get3A_513 = tpu.vector_load %arg15[%get3A_512] {strides = array<i32>} : memref<768xf32, #tpu.memory_space<vmem>>, vector<16xf32>,
    %get3A_514 = arith.constant 736 : index
    %get3A_515 = tpu.vector_load %arg15[%get3A_514] {strides = array<i32>} : memref<768xf32, #tpu.memory_space<vmem>>, vector<16xf32>,
    %mul3A_516 = arith.mulf %get3A_513, %get3A_515 : vector<16xf32>
    %add3A_517 = arith.addf %add3A_511, %mul3A_516 : vector<16xf32>
    %get3A_518 = arith.constant 240 : index
    %get3A_519 = tpu.vector_load %arg15[%get3A_518] {strides = array<i32>} : memref<768xf32, #tpu.memory_space<vmem>>, vector<16xf32>,
    %get3A_520 = arith.constant 752 : index
    %get3A_521 = tpu.vector_load %arg15[%get3A_520] {strides = array<i32>} : memref<768xf32, #tpu.memory_space<vmem>>, vector<16xf32>,
    %mul3A_522 = arith.mulf %get3A_519, %get3A_521 : vector<16xf32>
    %add3A_523 = arith.addf %add3A_517, %mul3A_522 : vector<16xf32>
    %reduce_sum3A_524 = arith.constant true
    %reduce_sum3A_525 = vector.broadcast %reduce_sum3A_524 : i1 to vector<16xi1>
    %reduce_sum3A_526 = tpu.scan <sum>, %add3A_523 masked %reduce_sum3A_525 : vector<16xf32>, vector<16xi1> -> vector<16xf32>
    %reduce_sum3A_527 = vector.extract %reduce_sum3A_526[15] : f32 from vector<16xf32>
    %eq3A_528 = arith.constant 3 : i32
    %eq3A_529 = vector.broadcast %eq3A_528 : i32 to vector<16xi32>
    %eq3A_530 = arith.cmpi eq, %iota3A, %eq3A_529 : vector<16xi32>
    %broadcast_in_dim3A_531 = vector.broadcast %reduce_sum3A_527 : f32 to vector<16xf32>
    %select_n3A_532 = arith.select %eq3A_530, %broadcast_in_dim3A_531, %select_n3A_497 : vector<16xi1>, vector<16xf32>
    %broadcast_in_dim3A_533 = arith.constant 0.000000e+00 : f32
    %broadcast_in_dim3A_534 = vector.broadcast %broadcast_in_dim3A_533 : f32 to vector<16xf32>
    %get3A_535 = arith.constant 256 : index
    %get3A_536 = tpu.vector_load %arg15[%get3A_535] {strides = array<i32>} : memref<768xf32, #tpu.memory_space<vmem>>, vector<16xf32>,
    %get3A_537 = arith.constant 704 : index
    %get3A_538 = tpu.vector_load %arg15[%get3A_537] {strides = array<i32>} : memref<768xf32, #tpu.memory_space<vmem>>, vector<16xf32>,
    %mul3A_539 = arith.mulf %get3A_536, %get3A_538 : vector<16xf32>
    %add3A_540 = arith.addf %broadcast_in_dim3A_534, %mul3A_539 : vector<16xf32>
    %get3A_541 = arith.constant 272 : index
    %get3A_542 = tpu.vector_load %arg15[%get3A_541] {strides = array<i32>} : memref<768xf32, #tpu.memory_space<vmem>>, vector<16xf32>,
    %get3A_543 = arith.constant 720 : index
    %get3A_544 = tpu.vector_load %arg15[%get3A_543] {strides = array<i32>} : memref<768xf32, #tpu.memory_space<vmem>>, vector<16xf32>,
    %mul3A_545 = arith.mulf %get3A_542, %get3A_544 : vector<16xf32>
    %add3A_546 = arith.addf %add3A_540, %mul3A_545 : vector<16xf32>
    %get3A_547 = arith.constant 288 : index
    %get3A_548 = tpu.vector_load %arg15[%get3A_547] {strides = array<i32>} : memref<768xf32, #tpu.memory_space<vmem>>, vector<16xf32>,
    %get3A_549 = arith.constant 736 : index
    %get3A_550 = tpu.vector_load %arg15[%get3A_549] {strides = array<i32>} : memref<768xf32, #tpu.memory_space<vmem>>, vector<16xf32>,
    %mul3A_551 = arith.mulf %get3A_548, %get3A_550 : vector<16xf32>
    %add3A_552 = arith.addf %add3A_546, %mul3A_551 : vector<16xf32>
    %get3A_553 = arith.constant 304 : index
    %get3A_554 = tpu.vector_load %arg15[%get3A_553] {strides = array<i32>} : memref<768xf32, #tpu.memory_space<vmem>>, vector<16xf32>,
    %get3A_555 = arith.constant 752 : index
    %get3A_556 = tpu.vector_load %arg15[%get3A_555] {strides = array<i32>} : memref<768xf32, #tpu.memory_space<vmem>>, vector<16xf32>,
    %mul3A_557 = arith.mulf %get3A_554, %get3A_556 : vector<16xf32>
    %add3A_558 = arith.addf %add3A_552, %mul3A_557 : vector<16xf32>
    %reduce_sum3A_559 = arith.constant true
    %reduce_sum3A_560 = vector.broadcast %reduce_sum3A_559 : i1 to vector<16xi1>
    %reduce_sum3A_561 = tpu.scan <sum>, %add3A_558 masked %reduce_sum3A_560 : vector<16xf32>, vector<16xi1> -> vector<16xf32>
    %reduce_sum3A_562 = vector.extract %reduce_sum3A_561[15] : f32 from vector<16xf32>
    %eq3A_563 = arith.constant 4 : i32
    %eq3A_564 = vector.broadcast %eq3A_563 : i32 to vector<16xi32>
    %eq3A_565 = arith.cmpi eq, %iota3A, %eq3A_564 : vector<16xi32>
    %broadcast_in_dim3A_566 = vector.broadcast %reduce_sum3A_562 : f32 to vector<16xf32>
    %select_n3A_567 = arith.select %eq3A_565, %broadcast_in_dim3A_566, %select_n3A_532 : vector<16xi1>, vector<16xf32>
    %broadcast_in_dim3A_568 = arith.constant 0.000000e+00 : f32
    %broadcast_in_dim3A_569 = vector.broadcast %broadcast_in_dim3A_568 : f32 to vector<16xf32>
    %get3A_570 = arith.constant 320 : index
    %get3A_571 = tpu.vector_load %arg15[%get3A_570] {strides = array<i32>} : memref<768xf32, #tpu.memory_space<vmem>>, vector<16xf32>,
    %get3A_572 = arith.constant 704 : index
    %get3A_573 = tpu.vector_load %arg15[%get3A_572] {strides = array<i32>} : memref<768xf32, #tpu.memory_space<vmem>>, vector<16xf32>,
    %mul3A_574 = arith.mulf %get3A_571, %get3A_573 : vector<16xf32>
    %add3A_575 = arith.addf %broadcast_in_dim3A_569, %mul3A_574 : vector<16xf32>
    %get3A_576 = arith.constant 336 : index
    %get3A_577 = tpu.vector_load %arg15[%get3A_576] {strides = array<i32>} : memref<768xf32, #tpu.memory_space<vmem>>, vector<16xf32>,
    %get3A_578 = arith.constant 720 : index
    %get3A_579 = tpu.vector_load %arg15[%get3A_578] {strides = array<i32>} : memref<768xf32, #tpu.memory_space<vmem>>, vector<16xf32>,
    %mul3A_580 = arith.mulf %get3A_577, %get3A_579 : vector<16xf32>
    %add3A_581 = arith.addf %add3A_575, %mul3A_580 : vector<16xf32>
    %get3A_582 = arith.constant 352 : index
    %get3A_583 = tpu.vector_load %arg15[%get3A_582] {strides = array<i32>} : memref<768xf32, #tpu.memory_space<vmem>>, vector<16xf32>,
    %get3A_584 = arith.constant 736 : index
    %get3A_585 = tpu.vector_load %arg15[%get3A_584] {strides = array<i32>} : memref<768xf32, #tpu.memory_space<vmem>>, vector<16xf32>,
    %mul3A_586 = arith.mulf %get3A_583, %get3A_585 : vector<16xf32>
    %add3A_587 = arith.addf %add3A_581, %mul3A_586 : vector<16xf32>
    %get3A_588 = arith.constant 368 : index
    %get3A_589 = tpu.vector_load %arg15[%get3A_588] {strides = array<i32>} : memref<768xf32, #tpu.memory_space<vmem>>, vector<16xf32>,
    %get3A_590 = arith.constant 752 : index
    %get3A_591 = tpu.vector_load %arg15[%get3A_590] {strides = array<i32>} : memref<768xf32, #tpu.memory_space<vmem>>, vector<16xf32>,
    %mul3A_592 = arith.mulf %get3A_589, %get3A_591 : vector<16xf32>
    %add3A_593 = arith.addf %add3A_587, %mul3A_592 : vector<16xf32>
    %reduce_sum3A_594 = arith.constant true
    %reduce_sum3A_595 = vector.broadcast %reduce_sum3A_594 : i1 to vector<16xi1>
    %reduce_sum3A_596 = tpu.scan <sum>, %add3A_593 masked %reduce_sum3A_595 : vector<16xf32>, vector<16xi1> -> vector<16xf32>
    %reduce_sum3A_597 = vector.extract %reduce_sum3A_596[15] : f32 from vector<16xf32>
    %eq3A_598 = arith.constant 5 : i32
    %eq3A_599 = vector.broadcast %eq3A_598 : i32 to vector<16xi32>
    %eq3A_600 = arith.cmpi eq, %iota3A, %eq3A_599 : vector<16xi32>
    %broadcast_in_dim3A_601 = vector.broadcast %reduce_sum3A_597 : f32 to vector<16xf32>
    %select_n3A_602 = arith.select %eq3A_600, %broadcast_in_dim3A_601, %select_n3A_567 : vector<16xi1>, vector<16xf32>
    %broadcast_in_dim3A_603 = arith.constant 0.000000e+00 : f32
    %broadcast_in_dim3A_604 = vector.broadcast %broadcast_in_dim3A_603 : f32 to vector<16xf32>
    %get3A_605 = arith.constant 384 : index
    %get3A_606 = tpu.vector_load %arg15[%get3A_605] {strides = array<i32>} : memref<768xf32, #tpu.memory_space<vmem>>, vector<16xf32>,
    %get3A_607 = arith.constant 704 : index
    %get3A_608 = tpu.vector_load %arg15[%get3A_607] {strides = array<i32>} : memref<768xf32, #tpu.memory_space<vmem>>, vector<16xf32>,
    %mul3A_609 = arith.mulf %get3A_606, %get3A_608 : vector<16xf32>
    %add3A_610 = arith.addf %broadcast_in_dim3A_604, %mul3A_609 : vector<16xf32>
    %get3A_611 = arith.constant 400 : index
    %get3A_612 = tpu.vector_load %arg15[%get3A_611] {strides = array<i32>} : memref<768xf32, #tpu.memory_space<vmem>>, vector<16xf32>,
    %get3A_613 = arith.constant 720 : index
    %get3A_614 = tpu.vector_load %arg15[%get3A_613] {strides = array<i32>} : memref<768xf32, #tpu.memory_space<vmem>>, vector<16xf32>,
    %mul3A_615 = arith.mulf %get3A_612, %get3A_614 : vector<16xf32>
    %add3A_616 = arith.addf %add3A_610, %mul3A_615 : vector<16xf32>
    %get3A_617 = arith.constant 416 : index
    %get3A_618 = tpu.vector_load %arg15[%get3A_617] {strides = array<i32>} : memref<768xf32, #tpu.memory_space<vmem>>, vector<16xf32>,
    %get3A_619 = arith.constant 736 : index
    %get3A_620 = tpu.vector_load %arg15[%get3A_619] {strides = array<i32>} : memref<768xf32, #tpu.memory_space<vmem>>, vector<16xf32>,
    %mul3A_621 = arith.mulf %get3A_618, %get3A_620 : vector<16xf32>
    %add3A_622 = arith.addf %add3A_616, %mul3A_621 : vector<16xf32>
    %get3A_623 = arith.constant 432 : index
    %get3A_624 = tpu.vector_load %arg15[%get3A_623] {strides = array<i32>} : memref<768xf32, #tpu.memory_space<vmem>>, vector<16xf32>,
    %get3A_625 = arith.constant 752 : index
    %get3A_626 = tpu.vector_load %arg15[%get3A_625] {strides = array<i32>} : memref<768xf32, #tpu.memory_space<vmem>>, vector<16xf32>,
    %mul3A_627 = arith.mulf %get3A_624, %get3A_626 : vector<16xf32>
    %add3A_628 = arith.addf %add3A_622, %mul3A_627 : vector<16xf32>
    %reduce_sum3A_629 = arith.constant true
    %reduce_sum3A_630 = vector.broadcast %reduce_sum3A_629 : i1 to vector<16xi1>
    %reduce_sum3A_631 = tpu.scan <sum>, %add3A_628 masked %reduce_sum3A_630 : vector<16xf32>, vector<16xi1> -> vector<16xf32>
    %reduce_sum3A_632 = vector.extract %reduce_sum3A_631[15] : f32 from vector<16xf32>
    %eq3A_633 = arith.constant 6 : i32
    %eq3A_634 = vector.broadcast %eq3A_633 : i32 to vector<16xi32>
    %eq3A_635 = arith.cmpi eq, %iota3A, %eq3A_634 : vector<16xi32>
    %broadcast_in_dim3A_636 = vector.broadcast %reduce_sum3A_632 : f32 to vector<16xf32>
    %select_n3A_637 = arith.select %eq3A_635, %broadcast_in_dim3A_636, %select_n3A_602 : vector<16xi1>, vector<16xf32>
    %broadcast_in_dim3A_638 = arith.constant 0.000000e+00 : f32
    %broadcast_in_dim3A_639 = vector.broadcast %broadcast_in_dim3A_638 : f32 to vector<16xf32>
    %get3A_640 = arith.constant 448 : index
    %get3A_641 = tpu.vector_load %arg15[%get3A_640] {strides = array<i32>} : memref<768xf32, #tpu.memory_space<vmem>>, vector<16xf32>,
    %get3A_642 = arith.constant 704 : index
    %get3A_643 = tpu.vector_load %arg15[%get3A_642] {strides = array<i32>} : memref<768xf32, #tpu.memory_space<vmem>>, vector<16xf32>,
    %mul3A_644 = arith.mulf %get3A_641, %get3A_643 : vector<16xf32>
    %add3A_645 = arith.addf %broadcast_in_dim3A_639, %mul3A_644 : vector<16xf32>
    %get3A_646 = arith.constant 464 : index
    %get3A_647 = tpu.vector_load %arg15[%get3A_646] {strides = array<i32>} : memref<768xf32, #tpu.memory_space<vmem>>, vector<16xf32>,
    %get3A_648 = arith.constant 720 : index
    %get3A_649 = tpu.vector_load %arg15[%get3A_648] {strides = array<i32>} : memref<768xf32, #tpu.memory_space<vmem>>, vector<16xf32>,
    %mul3A_650 = arith.mulf %get3A_647, %get3A_649 : vector<16xf32>
    %add3A_651 = arith.addf %add3A_645, %mul3A_650 : vector<16xf32>
    %get3A_652 = arith.constant 480 : index
    %get3A_653 = tpu.vector_load %arg15[%get3A_652] {strides = array<i32>} : memref<768xf32, #tpu.memory_space<vmem>>, vector<16xf32>,
    %get3A_654 = arith.constant 736 : index
    %get3A_655 = tpu.vector_load %arg15[%get3A_654] {strides = array<i32>} : memref<768xf32, #tpu.memory_space<vmem>>, vector<16xf32>,
    %mul3A_656 = arith.mulf %get3A_653, %get3A_655 : vector<16xf32>
    %add3A_657 = arith.addf %add3A_651, %mul3A_656 : vector<16xf32>
    %get3A_658 = arith.constant 496 : index
    %get3A_659 = tpu.vector_load %arg15[%get3A_658] {strides = array<i32>} : memref<768xf32, #tpu.memory_space<vmem>>, vector<16xf32>,
    %get3A_660 = arith.constant 752 : index
    %get3A_661 = tpu.vector_load %arg15[%get3A_660] {strides = array<i32>} : memref<768xf32, #tpu.memory_space<vmem>>, vector<16xf32>,
    %mul3A_662 = arith.mulf %get3A_659, %get3A_661 : vector<16xf32>
    %add3A_663 = arith.addf %add3A_657, %mul3A_662 : vector<16xf32>
    %reduce_sum3A_664 = arith.constant true
    %reduce_sum3A_665 = vector.broadcast %reduce_sum3A_664 : i1 to vector<16xi1>
    %reduce_sum3A_666 = tpu.scan <sum>, %add3A_663 masked %reduce_sum3A_665 : vector<16xf32>, vector<16xi1> -> vector<16xf32>
    %reduce_sum3A_667 = vector.extract %reduce_sum3A_666[15] : f32 from vector<16xf32>
    %eq3A_668 = arith.constant 7 : i32
    %eq3A_669 = vector.broadcast %eq3A_668 : i32 to vector<16xi32>
    %eq3A_670 = arith.cmpi eq, %iota3A, %eq3A_669 : vector<16xi32>
    %broadcast_in_dim3A_671 = vector.broadcast %reduce_sum3A_667 : f32 to vector<16xf32>
    %select_n3A_672 = arith.select %eq3A_670, %broadcast_in_dim3A_671, %select_n3A_637 : vector<16xi1>, vector<16xf32>
    %broadcast_in_dim3A_673 = arith.constant 0.000000e+00 : f32
    %broadcast_in_dim3A_674 = vector.broadcast %broadcast_in_dim3A_673 : f32 to vector<16xf32>
    %get3A_675 = arith.constant 512 : index
    %get3A_676 = tpu.vector_load %arg15[%get3A_675] {strides = array<i32>} : memref<768xf32, #tpu.memory_space<vmem>>, vector<16xf32>,
    %get3A_677 = arith.constant 704 : index
    %get3A_678 = tpu.vector_load %arg15[%get3A_677] {strides = array<i32>} : memref<768xf32, #tpu.memory_space<vmem>>, vector<16xf32>,
    %mul3A_679 = arith.mulf %get3A_676, %get3A_678 : vector<16xf32>
    %add3A_680 = arith.addf %broadcast_in_dim3A_674, %mul3A_679 : vector<16xf32>
    %get3A_681 = arith.constant 528 : index
    %get3A_682 = tpu.vector_load %arg15[%get3A_681] {strides = array<i32>} : memref<768xf32, #tpu.memory_space<vmem>>, vector<16xf32>,
    %get3A_683 = arith.constant 720 : index
    %get3A_684 = tpu.vector_load %arg15[%get3A_683] {strides = array<i32>} : memref<768xf32, #tpu.memory_space<vmem>>, vector<16xf32>,
    %mul3A_685 = arith.mulf %get3A_682, %get3A_684 : vector<16xf32>
    %add3A_686 = arith.addf %add3A_680, %mul3A_685 : vector<16xf32>
    %get3A_687 = arith.constant 544 : index
    %get3A_688 = tpu.vector_load %arg15[%get3A_687] {strides = array<i32>} : memref<768xf32, #tpu.memory_space<vmem>>, vector<16xf32>,
    %get3A_689 = arith.constant 736 : index
    %get3A_690 = tpu.vector_load %arg15[%get3A_689] {strides = array<i32>} : memref<768xf32, #tpu.memory_space<vmem>>, vector<16xf32>,
    %mul3A_691 = arith.mulf %get3A_688, %get3A_690 : vector<16xf32>
    %add3A_692 = arith.addf %add3A_686, %mul3A_691 : vector<16xf32>
    %get3A_693 = arith.constant 560 : index
    %get3A_694 = tpu.vector_load %arg15[%get3A_693] {strides = array<i32>} : memref<768xf32, #tpu.memory_space<vmem>>, vector<16xf32>,
    %get3A_695 = arith.constant 752 : index
    %get3A_696 = tpu.vector_load %arg15[%get3A_695] {strides = array<i32>} : memref<768xf32, #tpu.memory_space<vmem>>, vector<16xf32>,
    %mul3A_697 = arith.mulf %get3A_694, %get3A_696 : vector<16xf32>
    %add3A_698 = arith.addf %add3A_692, %mul3A_697 : vector<16xf32>
    %reduce_sum3A_699 = arith.constant true
    %reduce_sum3A_700 = vector.broadcast %reduce_sum3A_699 : i1 to vector<16xi1>
    %reduce_sum3A_701 = tpu.scan <sum>, %add3A_698 masked %reduce_sum3A_700 : vector<16xf32>, vector<16xi1> -> vector<16xf32>
    %reduce_sum3A_702 = vector.extract %reduce_sum3A_701[15] : f32 from vector<16xf32>
    %eq3A_703 = arith.constant 8 : i32
    %eq3A_704 = vector.broadcast %eq3A_703 : i32 to vector<16xi32>
    %eq3A_705 = arith.cmpi eq, %iota3A, %eq3A_704 : vector<16xi32>
    %broadcast_in_dim3A_706 = vector.broadcast %reduce_sum3A_702 : f32 to vector<16xf32>
    %select_n3A_707 = arith.select %eq3A_705, %broadcast_in_dim3A_706, %select_n3A_672 : vector<16xi1>, vector<16xf32>
    %broadcast_in_dim3A_708 = arith.constant 0.000000e+00 : f32
    %broadcast_in_dim3A_709 = vector.broadcast %broadcast_in_dim3A_708 : f32 to vector<16xf32>
    %get3A_710 = arith.constant 576 : index
    %get3A_711 = tpu.vector_load %arg15[%get3A_710] {strides = array<i32>} : memref<768xf32, #tpu.memory_space<vmem>>, vector<16xf32>,
    %get3A_712 = arith.constant 704 : index
    %get3A_713 = tpu.vector_load %arg15[%get3A_712] {strides = array<i32>} : memref<768xf32, #tpu.memory_space<vmem>>, vector<16xf32>,
    %mul3A_714 = arith.mulf %get3A_711, %get3A_713 : vector<16xf32>
    %add3A_715 = arith.addf %broadcast_in_dim3A_709, %mul3A_714 : vector<16xf32>
    %get3A_716 = arith.constant 592 : index
    %get3A_717 = tpu.vector_load %arg15[%get3A_716] {strides = array<i32>} : memref<768xf32, #tpu.memory_space<vmem>>, vector<16xf32>,
    %get3A_718 = arith.constant 720 : index
    %get3A_719 = tpu.vector_load %arg15[%get3A_718] {strides = array<i32>} : memref<768xf32, #tpu.memory_space<vmem>>, vector<16xf32>,
    %mul3A_720 = arith.mulf %get3A_717, %get3A_719 : vector<16xf32>
    %add3A_721 = arith.addf %add3A_715, %mul3A_720 : vector<16xf32>
    %get3A_722 = arith.constant 608 : index
    %get3A_723 = tpu.vector_load %arg15[%get3A_722] {strides = array<i32>} : memref<768xf32, #tpu.memory_space<vmem>>, vector<16xf32>,
    %get3A_724 = arith.constant 736 : index
    %get3A_725 = tpu.vector_load %arg15[%get3A_724] {strides = array<i32>} : memref<768xf32, #tpu.memory_space<vmem>>, vector<16xf32>,
    %mul3A_726 = arith.mulf %get3A_723, %get3A_725 : vector<16xf32>
    %add3A_727 = arith.addf %add3A_721, %mul3A_726 : vector<16xf32>
    %get3A_728 = arith.constant 624 : index
    %get3A_729 = tpu.vector_load %arg15[%get3A_728] {strides = array<i32>} : memref<768xf32, #tpu.memory_space<vmem>>, vector<16xf32>,
    %get3A_730 = arith.constant 752 : index
    %get3A_731 = tpu.vector_load %arg15[%get3A_730] {strides = array<i32>} : memref<768xf32, #tpu.memory_space<vmem>>, vector<16xf32>,
    %mul3A_732 = arith.mulf %get3A_729, %get3A_731 : vector<16xf32>
    %add3A_733 = arith.addf %add3A_727, %mul3A_732 : vector<16xf32>
    %reduce_sum3A_734 = arith.constant true
    %reduce_sum3A_735 = vector.broadcast %reduce_sum3A_734 : i1 to vector<16xi1>
    %reduce_sum3A_736 = tpu.scan <sum>, %add3A_733 masked %reduce_sum3A_735 : vector<16xf32>, vector<16xi1> -> vector<16xf32>
    %reduce_sum3A_737 = vector.extract %reduce_sum3A_736[15] : f32 from vector<16xf32>
    %eq3A_738 = arith.constant 9 : i32
    %eq3A_739 = vector.broadcast %eq3A_738 : i32 to vector<16xi32>
    %eq3A_740 = arith.cmpi eq, %iota3A, %eq3A_739 : vector<16xi32>
    %broadcast_in_dim3A_741 = vector.broadcast %reduce_sum3A_737 : f32 to vector<16xf32>
    %select_n3A_742 = arith.select %eq3A_740, %broadcast_in_dim3A_741, %select_n3A_707 : vector<16xi1>, vector<16xf32>
    %swap3A_743 = arith.constant 0 : index
    %swap3A_744 = tpu.vector_load %arg14[%swap3A_743] {strides = array<i32>} : memref<16xf32, #tpu.memory_space<vmem>>, vector<16xf32>,
    tpu.vector_store %arg14[%swap3A_743], %select_n3A_742 {strides = array<i32>} : memref<16xf32, #tpu.memory_space<vmem>>, vector<16xf32>,
    %broadcast_in_dim3A_745 = vector.broadcast %reduce_sum3A_737 : f32 to vector<16xf32>
    %broadcast_in_dim3A_746 = arith.constant -1.000000e+30 : f32
    %broadcast_in_dim3A_747 = vector.broadcast %broadcast_in_dim3A_746 : f32 to vector<16xf32>
    %dma_start3A = arith.constant 0 : i32
    %dma_start3A_748 = arith.constant 0 : i32
    %dma_start3A_749 = arith.constant 0 : i32
    %dma_start3A_750 = tpu.memref_slice %arg12[%dma_start3A, %dma_start3A_748, %dma_start3A_749] : memref<4x104x64xf32, #tpu.memory_space<vmem>> -> memref<1x50x64xf32, #tpu.memory_space<vmem>>
    %dma_start3A_751 = tpu.memref_squeeze %dma_start3A_750 : memref<1x50x64xf32, #tpu.memory_space<vmem>> -> memref<50x64xf32, #tpu.memory_space<vmem>>
    %dma_start3A_752 = arith.constant 0 : i32
    %dma_start3A_753 = tpu.memref_slice %arg10[%dma_start3A_752] : memref<3584xi32, #tpu.memory_space<vmem>> -> memref<50xi32, #tpu.memory_space<vmem>>
    %dma_start3A_754 = arith.constant 0 : i32
    %dma_start3A_755 = arith.constant 0 : i32
    %dma_start3A_756 = tpu.memref_slice %arg4[%dma_start3A_754, %dma_start3A_755] : memref<100000x64xf32, #tpu.memory_space<hbm>> -> memref<100000x64xf32, #tpu.memory_space<hbm>>
    tpu.enqueue_indirect_dma source(%dma_start3A_756 : memref<100000x64xf32, #tpu.memory_space<hbm>>) target(%dma_start3A_751 : memref<50x64xf32, #tpu.memory_space<vmem>>) offsets(%dma_start3A_753 : memref<50xi32, #tpu.memory_space<vmem>>) semaphore(%arg16 : memref<!tpu.dma_semaphore, #tpu.memory_space<semaphore_mem>>)
    %dma_start3A_757 = arith.constant 0 : i32
    %dma_start3A_758 = arith.constant 50 : i32
    %dma_start3A_759 = arith.constant 0 : i32
    %dma_start3A_760 = tpu.memref_slice %arg12[%dma_start3A_757, %dma_start3A_758, %dma_start3A_759] : memref<4x104x64xf32, #tpu.memory_space<vmem>> -> memref<1x50x64xf32, #tpu.memory_space<vmem>>
    %dma_start3A_761 = tpu.memref_squeeze %dma_start3A_760 : memref<1x50x64xf32, #tpu.memory_space<vmem>> -> memref<50x64xf32, #tpu.memory_space<vmem>>
    %dma_start3A_762 = arith.constant 56 : i32
    %dma_start3A_763 = tpu.memref_slice %arg10[%dma_start3A_762] : memref<3584xi32, #tpu.memory_space<vmem>> -> memref<50xi32, #tpu.memory_space<vmem>>
    %dma_start3A_764 = arith.constant 0 : i32
    %dma_start3A_765 = arith.constant 0 : i32
    %dma_start3A_766 = tpu.memref_slice %arg5[%dma_start3A_764, %dma_start3A_765] : memref<100000x64xf32, #tpu.memory_space<hbm>> -> memref<100000x64xf32, #tpu.memory_space<hbm>>
    tpu.enqueue_indirect_dma source(%dma_start3A_766 : memref<100000x64xf32, #tpu.memory_space<hbm>>) target(%dma_start3A_761 : memref<50x64xf32, #tpu.memory_space<vmem>>) offsets(%dma_start3A_763 : memref<50xi32, #tpu.memory_space<vmem>>) semaphore(%arg16 : memref<!tpu.dma_semaphore, #tpu.memory_space<semaphore_mem>>)
    %dma_start3A_767 = arith.constant 1 : i32
    %dma_start3A_768 = arith.constant 0 : i32
    %dma_start3A_769 = arith.constant 0 : i32
    %dma_start3A_770 = tpu.memref_slice %arg12[%dma_start3A_767, %dma_start3A_768, %dma_start3A_769] : memref<4x104x64xf32, #tpu.memory_space<vmem>> -> memref<1x50x64xf32, #tpu.memory_space<vmem>>
    %dma_start3A_771 = tpu.memref_squeeze %dma_start3A_770 : memref<1x50x64xf32, #tpu.memory_space<vmem>> -> memref<50x64xf32, #tpu.memory_space<vmem>>
    %dma_start3A_772 = arith.constant 112 : i32
    %dma_start3A_773 = tpu.memref_slice %arg10[%dma_start3A_772] : memref<3584xi32, #tpu.memory_space<vmem>> -> memref<50xi32, #tpu.memory_space<vmem>>
    %dma_start3A_774 = arith.constant 0 : i32
    %dma_start3A_775 = arith.constant 0 : i32
    %dma_start3A_776 = tpu.memref_slice %arg4[%dma_start3A_774, %dma_start3A_775] : memref<100000x64xf32, #tpu.memory_space<hbm>> -> memref<100000x64xf32, #tpu.memory_space<hbm>>
    tpu.enqueue_indirect_dma source(%dma_start3A_776 : memref<100000x64xf32, #tpu.memory_space<hbm>>) target(%dma_start3A_771 : memref<50x64xf32, #tpu.memory_space<vmem>>) offsets(%dma_start3A_773 : memref<50xi32, #tpu.memory_space<vmem>>) semaphore(%arg17 : memref<!tpu.dma_semaphore, #tpu.memory_space<semaphore_mem>>)
    %dma_start3A_777 = arith.constant 1 : i32
    %dma_start3A_778 = arith.constant 50 : i32
    %dma_start3A_779 = arith.constant 0 : i32
    %dma_start3A_780 = tpu.memref_slice %arg12[%dma_start3A_777, %dma_start3A_778, %dma_start3A_779] : memref<4x104x64xf32, #tpu.memory_space<vmem>> -> memref<1x50x64xf32, #tpu.memory_space<vmem>>
    %dma_start3A_781 = tpu.memref_squeeze %dma_start3A_780 : memref<1x50x64xf32, #tpu.memory_space<vmem>> -> memref<50x64xf32, #tpu.memory_space<vmem>>
    %dma_start3A_782 = arith.constant 168 : i32
    %dma_start3A_783 = tpu.memref_slice %arg10[%dma_start3A_782] : memref<3584xi32, #tpu.memory_space<vmem>> -> memref<50xi32, #tpu.memory_space<vmem>>
    %dma_start3A_784 = arith.constant 0 : i32
    %dma_start3A_785 = arith.constant 0 : i32
    %dma_start3A_786 = tpu.memref_slice %arg5[%dma_start3A_784, %dma_start3A_785] : memref<100000x64xf32, #tpu.memory_space<hbm>> -> memref<100000x64xf32, #tpu.memory_space<hbm>>
    tpu.enqueue_indirect_dma source(%dma_start3A_786 : memref<100000x64xf32, #tpu.memory_space<hbm>>) target(%dma_start3A_781 : memref<50x64xf32, #tpu.memory_space<vmem>>) offsets(%dma_start3A_783 : memref<50xi32, #tpu.memory_space<vmem>>) semaphore(%arg17 : memref<!tpu.dma_semaphore, #tpu.memory_space<semaphore_mem>>)
    %scan3A = arith.constant 0 : i32
    %scan3A_787 = arith.constant 0 : i32
    %scan3A_788 = arith.constant 8 : i32
    %scan3A_789 = arith.addi %scan3A_787, %scan3A_788 : i32
    %scan3A_790 = arith.constant 1 : i32
    scf.for %scan3A_911 = %scan3A_787 to %scan3A_789 step %scan3A_790  : i32 {
      %mul3A_912 = arith.constant 4 : i32
      %mul3A_913 = arith.muli %mul3A_912, %scan3A_911 : i32
      %add3A_914 = arith.constant 0 : i32
      %add3A_915 = arith.addi %mul3A_913, %add3A_914 : i32
      %lt3A = arith.constant 30 : i32
      %lt3A_916 = arith.cmpi slt, %add3A_915, %lt3A : i32
      %convert_element_type3A = arith.extui %lt3A_916 : i1 to i32
      %cond3A = arith.constant 0 : i32
      %cond3A_917 = arith.cmpi ne, %convert_element_type3A, %cond3A : i32
      scf.if %cond3A_917 {
        %ge3A = arith.constant 2 : i32
        %ge3A_1427 = arith.cmpi sge, %add3A_915, %ge3A : i32
        %convert_element_type3A_1428 = arith.extui %ge3A_1427 : i1 to i32
        %cond3A_1429 = arith.constant 0 : i32
        %cond3A_1430 = arith.cmpi ne, %convert_element_type3A_1428, %cond3A_1429 : i32
        scf.if %cond3A_1430 {
          %dma_wait3A_1457 = arith.constant 2 : i32
          %dma_wait3A_1458 = arith.constant 0 : i32
          %dma_wait3A_1459 = arith.constant 0 : i32
          %dma_wait3A_1460 = tpu.memref_slice %arg12[%dma_wait3A_1457, %dma_wait3A_1458, %dma_wait3A_1459] : memref<4x104x64xf32, #tpu.memory_space<vmem>> -> memref<1x52x64xf32, #tpu.memory_space<vmem>>
          %dma_wait3A_1461 = tpu.memref_squeeze %dma_wait3A_1460 : memref<1x52x64xf32, #tpu.memory_space<vmem>> -> memref<52x64xf32, #tpu.memory_space<vmem>>
          %dma_wait3A_1462 = arith.constant 0 : i32
          %dma_wait3A_1463 = arith.constant 0 : i32
          %dma_wait3A_1464 = tpu.memref_slice %arg8[%dma_wait3A_1462, %dma_wait3A_1463] : memref<53248x128xf32, #tpu.memory_space<hbm>> -> memref<52x64xf32, #tpu.memory_space<hbm>>
          %dma_wait3A_1465 = arith.constant 0 : i32
          %dma_wait3A_1466 = arith.constant 0 : i32
          %dma_wait3A_1467 = tpu.memref_slice %arg8[%dma_wait3A_1465, %dma_wait3A_1466] : memref<53248x128xf32, #tpu.memory_space<hbm>> -> memref<52x64xf32, #tpu.memory_space<hbm>>
          %dma_wait3A_1468 = arith.constant 0 : i32
          %dma_wait3A_1469 = arith.constant 0 : i32
          %dma_wait3A_1470 = tpu.memref_slice %arg12[%dma_wait3A_1457, %dma_wait3A_1468, %dma_wait3A_1469] : memref<4x104x64xf32, #tpu.memory_space<vmem>> -> memref<1x52x64xf32, #tpu.memory_space<vmem>>
          %dma_wait3A_1471 = tpu.memref_squeeze %dma_wait3A_1470 : memref<1x52x64xf32, #tpu.memory_space<vmem>> -> memref<52x64xf32, #tpu.memory_space<vmem>>
          tpu.wait_dma2 semaphore(%arg22 : memref<!tpu.dma_semaphore, #tpu.memory_space<semaphore_mem>>) src(%dma_wait3A_1471 : memref<52x64xf32, #tpu.memory_space<vmem>>) dst(%dma_wait3A_1467 : memref<52x64xf32, #tpu.memory_space<hbm>>)
          %dma_wait3A_1472 = arith.constant 2 : i32
          %dma_wait3A_1473 = arith.constant 52 : i32
          %dma_wait3A_1474 = arith.constant 0 : i32
          %dma_wait3A_1475 = tpu.memref_slice %arg12[%dma_wait3A_1472, %dma_wait3A_1473, %dma_wait3A_1474] : memref<4x104x64xf32, #tpu.memory_space<vmem>> -> memref<1x52x64xf32, #tpu.memory_space<vmem>>
          %dma_wait3A_1476 = tpu.memref_squeeze %dma_wait3A_1475 : memref<1x52x64xf32, #tpu.memory_space<vmem>> -> memref<52x64xf32, #tpu.memory_space<vmem>>
          %dma_wait3A_1477 = arith.constant 0 : i32
          %dma_wait3A_1478 = arith.constant 64 : i32
          %dma_wait3A_1479 = tpu.memref_slice %arg8[%dma_wait3A_1477, %dma_wait3A_1478] : memref<53248x128xf32, #tpu.memory_space<hbm>> -> memref<52x64xf32, #tpu.memory_space<hbm>>
          %dma_wait3A_1480 = arith.constant 0 : i32
          %dma_wait3A_1481 = arith.constant 64 : i32
          %dma_wait3A_1482 = tpu.memref_slice %arg8[%dma_wait3A_1480, %dma_wait3A_1481] : memref<53248x128xf32, #tpu.memory_space<hbm>> -> memref<52x64xf32, #tpu.memory_space<hbm>>
          %dma_wait3A_1483 = arith.constant 52 : i32
          %dma_wait3A_1484 = arith.constant 0 : i32
          %dma_wait3A_1485 = tpu.memref_slice %arg12[%dma_wait3A_1472, %dma_wait3A_1483, %dma_wait3A_1484] : memref<4x104x64xf32, #tpu.memory_space<vmem>> -> memref<1x52x64xf32, #tpu.memory_space<vmem>>
          %dma_wait3A_1486 = tpu.memref_squeeze %dma_wait3A_1485 : memref<1x52x64xf32, #tpu.memory_space<vmem>> -> memref<52x64xf32, #tpu.memory_space<vmem>>
          tpu.wait_dma2 semaphore(%arg22 : memref<!tpu.dma_semaphore, #tpu.memory_space<semaphore_mem>>) src(%dma_wait3A_1486 : memref<52x64xf32, #tpu.memory_space<vmem>>) dst(%dma_wait3A_1482 : memref<52x64xf32, #tpu.memory_space<hbm>>)
        } else {
        }
        %add3A_1431 = arith.constant 2 : i32
        %add3A_1432 = arith.addi %add3A_915, %add3A_1431 : i32
        %mul3A_1433 = arith.constant 112 : i32
        %mul3A_1434 = arith.muli %add3A_1432, %mul3A_1433 : i32
        %dma_start3A_1435 = arith.constant 2 : i32
        %dma_start3A_1436 = arith.constant 0 : i32
        %dma_start3A_1437 = arith.constant 0 : i32
        %dma_start3A_1438 = tpu.memref_slice %arg12[%dma_start3A_1435, %dma_start3A_1436, %dma_start3A_1437] : memref<4x104x64xf32, #tpu.memory_space<vmem>> -> memref<1x50x64xf32, #tpu.memory_space<vmem>>
        %dma_start3A_1439 = tpu.memref_squeeze %dma_start3A_1438 : memref<1x50x64xf32, #tpu.memory_space<vmem>> -> memref<50x64xf32, #tpu.memory_space<vmem>>
        %dma_start3A_1440 = tpu.memref_slice %arg10[%mul3A_1434] : memref<3584xi32, #tpu.memory_space<vmem>> -> memref<50xi32, #tpu.memory_space<vmem>>
        %dma_start3A_1441 = arith.constant 0 : i32
        %dma_start3A_1442 = arith.constant 0 : i32
        %dma_start3A_1443 = tpu.memref_slice %arg4[%dma_start3A_1441, %dma_start3A_1442] : memref<100000x64xf32, #tpu.memory_space<hbm>> -> memref<100000x64xf32, #tpu.memory_space<hbm>>
        tpu.enqueue_indirect_dma source(%dma_start3A_1443 : memref<100000x64xf32, #tpu.memory_space<hbm>>) target(%dma_start3A_1439 : memref<50x64xf32, #tpu.memory_space<vmem>>) offsets(%dma_start3A_1440 : memref<50xi32, #tpu.memory_space<vmem>>) semaphore(%arg18 : memref<!tpu.dma_semaphore, #tpu.memory_space<semaphore_mem>>)
        %mul3A_1444 = arith.constant 112 : i32
        %mul3A_1445 = arith.muli %add3A_1432, %mul3A_1444 : i32
        %add3A_1446 = arith.constant 56 : i32
        %add3A_1447 = arith.addi %mul3A_1445, %add3A_1446 : i32
        %dma_start3A_1448 = arith.constant 2 : i32
        %dma_start3A_1449 = arith.constant 50 : i32
        %dma_start3A_1450 = arith.constant 0 : i32
        %dma_start3A_1451 = tpu.memref_slice %arg12[%dma_start3A_1448, %dma_start3A_1449, %dma_start3A_1450] : memref<4x104x64xf32, #tpu.memory_space<vmem>> -> memref<1x50x64xf32, #tpu.memory_space<vmem>>
        %dma_start3A_1452 = tpu.memref_squeeze %dma_start3A_1451 : memref<1x50x64xf32, #tpu.memory_space<vmem>> -> memref<50x64xf32, #tpu.memory_space<vmem>>
        %dma_start3A_1453 = tpu.memref_slice %arg10[%add3A_1447] : memref<3584xi32, #tpu.memory_space<vmem>> -> memref<50xi32, #tpu.memory_space<vmem>>
        %dma_start3A_1454 = arith.constant 0 : i32
        %dma_start3A_1455 = arith.constant 0 : i32
        %dma_start3A_1456 = tpu.memref_slice %arg5[%dma_start3A_1454, %dma_start3A_1455] : memref<100000x64xf32, #tpu.memory_space<hbm>> -> memref<100000x64xf32, #tpu.memory_space<hbm>>
        tpu.enqueue_indirect_dma source(%dma_start3A_1456 : memref<100000x64xf32, #tpu.memory_space<hbm>>) target(%dma_start3A_1452 : memref<50x64xf32, #tpu.memory_space<vmem>>) offsets(%dma_start3A_1453 : memref<50xi32, #tpu.memory_space<vmem>>) semaphore(%arg18 : memref<!tpu.dma_semaphore, #tpu.memory_space<semaphore_mem>>)
      } else {
      }
      %dma_wait3A_918 = arith.constant 0 : i32
      %dma_wait3A_919 = arith.constant 0 : i32
      %dma_wait3A_920 = arith.constant 0 : i32
      %dma_wait3A_921 = tpu.memref_slice %arg12[%dma_wait3A_918, %dma_wait3A_919, %dma_wait3A_920] : memref<4x104x64xf32, #tpu.memory_space<vmem>> -> memref<1x50x64xf32, #tpu.memory_space<vmem>>
      %dma_wait3A_922 = tpu.memref_squeeze %dma_wait3A_921 : memref<1x50x64xf32, #tpu.memory_space<vmem>> -> memref<50x64xf32, #tpu.memory_space<vmem>>
      %dma_wait3A_923 = arith.constant 0 : i32
      %dma_wait3A_924 = tpu.memref_slice %arg10[%dma_wait3A_923] : memref<3584xi32, #tpu.memory_space<vmem>> -> memref<50xi32, #tpu.memory_space<vmem>>
      %dma_wait3A_925 = arith.constant 0 : i32
      %dma_wait3A_926 = arith.constant 0 : i32
      %dma_wait3A_927 = tpu.memref_slice %arg4[%dma_wait3A_925, %dma_wait3A_926] : memref<100000x64xf32, #tpu.memory_space<hbm>> -> memref<100000x64xf32, #tpu.memory_space<hbm>>
      tpu.wait_indirect_dma semaphore(%arg16 : memref<!tpu.dma_semaphore, #tpu.memory_space<semaphore_mem>>) src(%dma_wait3A_927 : memref<100000x64xf32, #tpu.memory_space<hbm>>) dst(%dma_wait3A_922 : memref<50x64xf32, #tpu.memory_space<vmem>>)
      %dma_wait3A_928 = arith.constant 0 : i32
      %dma_wait3A_929 = arith.constant 50 : i32
      %dma_wait3A_930 = arith.constant 0 : i32
      %dma_wait3A_931 = tpu.memref_slice %arg12[%dma_wait3A_928, %dma_wait3A_929, %dma_wait3A_930] : memref<4x104x64xf32, #tpu.memory_space<vmem>> -> memref<1x50x64xf32, #tpu.memory_space<vmem>>
      %dma_wait3A_932 = tpu.memref_squeeze %dma_wait3A_931 : memref<1x50x64xf32, #tpu.memory_space<vmem>> -> memref<50x64xf32, #tpu.memory_space<vmem>>
      %dma_wait3A_933 = arith.constant 0 : i32
      %dma_wait3A_934 = tpu.memref_slice %arg10[%dma_wait3A_933] : memref<3584xi32, #tpu.memory_space<vmem>> -> memref<50xi32, #tpu.memory_space<vmem>>
      %dma_wait3A_935 = arith.constant 0 : i32
      %dma_wait3A_936 = arith.constant 0 : i32
      %dma_wait3A_937 = tpu.memref_slice %arg5[%dma_wait3A_935, %dma_wait3A_936] : memref<100000x64xf32, #tpu.memory_space<hbm>> -> memref<100000x64xf32, #tpu.memory_space<hbm>>
      tpu.wait_indirect_dma semaphore(%arg16 : memref<!tpu.dma_semaphore, #tpu.memory_space<semaphore_mem>>) src(%dma_wait3A_937 : memref<100000x64xf32, #tpu.memory_space<hbm>>) dst(%dma_wait3A_932 : memref<50x64xf32, #tpu.memory_space<vmem>>)
      %mul3A_938 = arith.constant 56 : i32
      %mul3A_939 = arith.muli %add3A_915, %mul3A_938 : i32
      %add3A_940 = arith.constant 0 : i32
      %add3A_941 = arith.addi %mul3A_939, %add3A_940 : i32
      %get3A_942 = arith.index_cast %add3A_941 : i32 to index
      %get3A_943 = tpu.vector_load %arg11[%get3A_942] {strides = array<i32>} : memref<1808xi32, #tpu.memory_space<vmem>>, vector<16xi32>,
      %and3A = arith.constant 15 : i32
      %and3A_944 = vector.broadcast %and3A : i32 to vector<16xi32>
      %and3A_945 = arith.andi %get3A_943, %and3A_944 : vector<16xi32>
      %gather3A = tpu.vector_load_idx %arg14[%and3A_945] : memref<16xf32, #tpu.memory_space<vmem>>[vector<16xi32>], vector<16xf32>,
      %swap3A_946 = arith.index_cast %add3A_915 : i32 to index
      %swap3A_947 = arith.constant 0 : index
      %swap3A_948 = tpu.vector_load %arg13[%swap3A_946, %swap3A_947] {strides = array<i32>} : memref<32x128xf32, #tpu.memory_space<vmem>>, vector<16xf32>,
      tpu.vector_store %arg13[%swap3A_946, %swap3A_947], %gather3A {strides = array<i32>} : memref<32x128xf32, #tpu.memory_space<vmem>>, vector<16xf32>,
      %mul3A_949 = arith.constant 56 : i32
      %mul3A_950 = arith.muli %add3A_915, %mul3A_949 : i32
      %add3A_951 = arith.constant 16 : i32
      %add3A_952 = arith.addi %mul3A_950, %add3A_951 : i32
      %get3A_953 = arith.index_cast %add3A_952 : i32 to index
      %get3A_954 = tpu.vector_load %arg11[%get3A_953] {strides = array<i32>} : memref<1808xi32, #tpu.memory_space<vmem>>, vector<16xi32>,
      %and3A_955 = arith.constant 15 : i32
      %and3A_956 = vector.broadcast %and3A_955 : i32 to vector<16xi32>
      %and3A_957 = arith.andi %get3A_954, %and3A_956 : vector<16xi32>
      %gather3A_958 = tpu.vector_load_idx %arg14[%and3A_957] : memref<16xf32, #tpu.memory_space<vmem>>[vector<16xi32>], vector<16xf32>,
      %swap3A_959 = arith.index_cast %add3A_915 : i32 to index
      %swap3A_960 = arith.constant 16 : index
      %swap3A_961 = tpu.vector_load %arg13[%swap3A_959, %swap3A_960] {strides = array<i32>} : memref<32x128xf32, #tpu.memory_space<vmem>>, vector<16xf32>,
      tpu.vector_store %arg13[%swap3A_959, %swap3A_960], %gather3A_958 {strides = array<i32>} : memref<32x128xf32, #tpu.memory_space<vmem>>, vector<16xf32>,
      %mul3A_962 = arith.constant 56 : i32
      %mul3A_963 = arith.muli %add3A_915, %mul3A_962 : i32
      %add3A_964 = arith.constant 32 : i32
      %add3A_965 = arith.addi %mul3A_963, %add3A_964 : i32
      %get3A_966 = arith.index_cast %add3A_965 : i32 to index
      %get3A_967 = tpu.vector_load %arg11[%get3A_966] {strides = array<i32>} : memref<1808xi32, #tpu.memory_space<vmem>>, vector<16xi32>,
      %and3A_968 = arith.constant 15 : i32
      %and3A_969 = vector.broadcast %and3A_968 : i32 to vector<16xi32>
      %and3A_970 = arith.andi %get3A_967, %and3A_969 : vector<16xi32>
      %gather3A_971 = tpu.vector_load_idx %arg14[%and3A_970] : memref<16xf32, #tpu.memory_space<vmem>>[vector<16xi32>], vector<16xf32>,
      %swap3A_972 = arith.index_cast %add3A_915 : i32 to index
      %swap3A_973 = arith.constant 32 : index
      %swap3A_974 = tpu.vector_load %arg13[%swap3A_972, %swap3A_973] {strides = array<i32>} : memref<32x128xf32, #tpu.memory_space<vmem>>, vector<16xf32>,
      tpu.vector_store %arg13[%swap3A_972, %swap3A_973], %gather3A_971 {strides = array<i32>} : memref<32x128xf32, #tpu.memory_space<vmem>>, vector<16xf32>,
      %mul3A_975 = arith.constant 56 : i32
      %mul3A_976 = arith.muli %add3A_915, %mul3A_975 : i32
      %add3A_977 = arith.constant 48 : i32
      %add3A_978 = arith.addi %mul3A_976, %add3A_977 : i32
      %get3A_979 = arith.index_cast %add3A_978 : i32 to index
      %get3A_980 = tpu.vector_load %arg11[%get3A_979] {strides = array<i32>} : memref<1808xi32, #tpu.memory_space<vmem>>, vector<16xi32>,
      %and3A_981 = arith.constant 15 : i32
      %and3A_982 = vector.broadcast %and3A_981 : i32 to vector<16xi32>
      %and3A_983 = arith.andi %get3A_980, %and3A_982 : vector<16xi32>
      %gather3A_984 = tpu.vector_load_idx %arg14[%and3A_983] : memref<16xf32, #tpu.memory_space<vmem>>[vector<16xi32>], vector<16xf32>,
      %lt3A_985 = arith.constant 2 : i32
      %lt3A_986 = vector.broadcast %lt3A_985 : i32 to vector<16xi32>
      %lt3A_987 = arith.cmpi slt, %iota3A, %lt3A_986 : vector<16xi32>
      %lt3A_988 = arith.constant 4 : i32
      %lt3A_989 = vector.broadcast %lt3A_988 : i32 to vector<16xi32>
      %lt3A_990 = arith.cmpi slt, %iota3A, %lt3A_989 : vector<16xi32>
      %select_n3A_991 = arith.select %lt3A_990, %broadcast_in_dim3A_745, %broadcast_in_dim3A_747 : vector<16xi1>, vector<16xf32>
      %select_n3A_992 = arith.select %lt3A_987, %gather3A_984, %select_n3A_991 : vector<16xi1>, vector<16xf32>
      %swap3A_993 = arith.index_cast %add3A_915 : i32 to index
      %swap3A_994 = arith.constant 48 : index
      %swap3A_995 = tpu.vector_load %arg13[%swap3A_993, %swap3A_994] {strides = array<i32>} : memref<32x128xf32, #tpu.memory_space<vmem>>, vector<16xf32>,
      tpu.vector_store %arg13[%swap3A_993, %swap3A_994], %select_n3A_992 {strides = array<i32>} : memref<32x128xf32, #tpu.memory_space<vmem>>, vector<16xf32>,
      %swap3A_996 = arith.index_cast %add3A_915 : i32 to index
      %swap3A_997 = arith.constant 64 : index
      %swap3A_998 = tpu.vector_load %arg13[%swap3A_996, %swap3A_997] {strides = array<i32>} : memref<32x128xf32, #tpu.memory_space<vmem>>, vector<16xf32>,
      tpu.vector_store %arg13[%swap3A_996, %swap3A_997], %broadcast_in_dim3A_745 {strides = array<i32>} : memref<32x128xf32, #tpu.memory_space<vmem>>, vector<16xf32>,
      %swap3A_999 = arith.index_cast %add3A_915 : i32 to index
      %swap3A_1000 = arith.constant 80 : index
      %swap3A_1001 = tpu.vector_load %arg13[%swap3A_999, %swap3A_1000] {strides = array<i32>} : memref<32x128xf32, #tpu.memory_space<vmem>>, vector<16xf32>,
      tpu.vector_store %arg13[%swap3A_999, %swap3A_1000], %broadcast_in_dim3A_745 {strides = array<i32>} : memref<32x128xf32, #tpu.memory_space<vmem>>, vector<16xf32>,
      %swap3A_1002 = arith.index_cast %add3A_915 : i32 to index
      %swap3A_1003 = arith.constant 96 : index
      %swap3A_1004 = tpu.vector_load %arg13[%swap3A_1002, %swap3A_1003] {strides = array<i32>} : memref<32x128xf32, #tpu.memory_space<vmem>>, vector<16xf32>,
      tpu.vector_store %arg13[%swap3A_1002, %swap3A_1003], %broadcast_in_dim3A_745 {strides = array<i32>} : memref<32x128xf32, #tpu.memory_space<vmem>>, vector<16xf32>,
      %swap3A_1005 = arith.index_cast %add3A_915 : i32 to index
      %swap3A_1006 = arith.constant 112 : index
      %swap3A_1007 = tpu.vector_load %arg13[%swap3A_1005, %swap3A_1006] {strides = array<i32>} : memref<32x128xf32, #tpu.memory_space<vmem>>, vector<16xf32>,
      tpu.vector_store %arg13[%swap3A_1005, %swap3A_1006], %broadcast_in_dim3A_747 {strides = array<i32>} : memref<32x128xf32, #tpu.memory_space<vmem>>, vector<16xf32>,
      %add3A_1008 = arith.addi %mul3A_2, %add3A_915 : i32
      %mul3A_1009 = arith.constant 52 : i32
      %mul3A_1010 = arith.muli %add3A_1008, %mul3A_1009 : i32
      %dma_start3A_1011 = arith.constant 0 : i32
      %dma_start3A_1012 = arith.constant 0 : i32
      %dma_start3A_1013 = arith.constant 0 : i32
      %dma_start3A_1014 = tpu.memref_slice %arg12[%dma_start3A_1011, %dma_start3A_1012, %dma_start3A_1013] : memref<4x104x64xf32, #tpu.memory_space<vmem>> -> memref<1x52x64xf32, #tpu.memory_space<vmem>>
      %dma_start3A_1015 = tpu.memref_squeeze %dma_start3A_1014 : memref<1x52x64xf32, #tpu.memory_space<vmem>> -> memref<52x64xf32, #tpu.memory_space<vmem>>
      %dma_start3A_1016 = arith.constant 0 : i32
      %dma_start3A_1017 = tpu.memref_slice %arg8[%mul3A_1010, %dma_start3A_1016] : memref<53248x128xf32, #tpu.memory_space<hbm>> -> memref<52x64xf32, #tpu.memory_space<hbm>>
      %dma_start3A_1018 = arith.constant 0 : i32
      %dma_start3A_1019 = tpu.memref_slice %arg8[%mul3A_1010, %dma_start3A_1018] : memref<53248x128xf32, #tpu.memory_space<hbm>> -> memref<52x64xf32, #tpu.memory_space<hbm>>
      %dma_start3A_1020 = arith.constant 0 : i32
      %dma_start3A_1021 = arith.constant 0 : i32
      %dma_start3A_1022 = tpu.memref_slice %arg12[%dma_start3A_1011, %dma_start3A_1020, %dma_start3A_1021] : memref<4x104x64xf32, #tpu.memory_space<vmem>> -> memref<1x52x64xf32, #tpu.memory_space<vmem>>
      %dma_start3A_1023 = tpu.memref_squeeze %dma_start3A_1022 : memref<1x52x64xf32, #tpu.memory_space<vmem>> -> memref<52x64xf32, #tpu.memory_space<vmem>>
      tpu.enqueue_dma source(%dma_start3A_1023 : memref<52x64xf32, #tpu.memory_space<vmem>>) target(%dma_start3A_1019 : memref<52x64xf32, #tpu.memory_space<hbm>>) target_semaphore(%arg20 : memref<!tpu.dma_semaphore, #tpu.memory_space<semaphore_mem>>)
      %dma_start3A_1024 = arith.constant 0 : i32
      %dma_start3A_1025 = arith.constant 52 : i32
      %dma_start3A_1026 = arith.constant 0 : i32
      %dma_start3A_1027 = tpu.memref_slice %arg12[%dma_start3A_1024, %dma_start3A_1025, %dma_start3A_1026] : memref<4x104x64xf32, #tpu.memory_space<vmem>> -> memref<1x52x64xf32, #tpu.memory_space<vmem>>
      %dma_start3A_1028 = tpu.memref_squeeze %dma_start3A_1027 : memref<1x52x64xf32, #tpu.memory_space<vmem>> -> memref<52x64xf32, #tpu.memory_space<vmem>>
      %dma_start3A_1029 = arith.constant 64 : i32
      %dma_start3A_1030 = tpu.memref_slice %arg8[%mul3A_1010, %dma_start3A_1029] : memref<53248x128xf32, #tpu.memory_space<hbm>> -> memref<52x64xf32, #tpu.memory_space<hbm>>
      %dma_start3A_1031 = arith.constant 64 : i32
      %dma_start3A_1032 = tpu.memref_slice %arg8[%mul3A_1010, %dma_start3A_1031] : memref<53248x128xf32, #tpu.memory_space<hbm>> -> memref<52x64xf32, #tpu.memory_space<hbm>>
      %dma_start3A_1033 = arith.constant 52 : i32
      %dma_start3A_1034 = arith.constant 0 : i32
      %dma_start3A_1035 = tpu.memref_slice %arg12[%dma_start3A_1024, %dma_start3A_1033, %dma_start3A_1034] : memref<4x104x64xf32, #tpu.memory_space<vmem>> -> memref<1x52x64xf32, #tpu.memory_space<vmem>>
      %dma_start3A_1036 = tpu.memref_squeeze %dma_start3A_1035 : memref<1x52x64xf32, #tpu.memory_space<vmem>> -> memref<52x64xf32, #tpu.memory_space<vmem>>
      tpu.enqueue_dma source(%dma_start3A_1036 : memref<52x64xf32, #tpu.memory_space<vmem>>) target(%dma_start3A_1032 : memref<52x64xf32, #tpu.memory_space<hbm>>) target_semaphore(%arg20 : memref<!tpu.dma_semaphore, #tpu.memory_space<semaphore_mem>>)
      %mul3A_1037 = arith.constant 4 : i32
      %mul3A_1038 = arith.muli %mul3A_1037, %scan3A_911 : i32
      %add3A_1039 = arith.constant 1 : i32
      %add3A_1040 = arith.addi %mul3A_1038, %add3A_1039 : i32
      %lt3A_1041 = arith.constant 30 : i32
      %lt3A_1042 = arith.cmpi slt, %add3A_1040, %lt3A_1041 : i32
      %convert_element_type3A_1043 = arith.extui %lt3A_1042 : i1 to i32
      %cond3A_1044 = arith.constant 0 : i32
      %cond3A_1045 = arith.cmpi ne, %convert_element_type3A_1043, %cond3A_1044 : i32
      scf.if %cond3A_1045 {
        %ge3A = arith.constant 2 : i32
        %ge3A_1427 = arith.cmpi sge, %add3A_1040, %ge3A : i32
        %convert_element_type3A_1428 = arith.extui %ge3A_1427 : i1 to i32
        %cond3A_1429 = arith.constant 0 : i32
        %cond3A_1430 = arith.cmpi ne, %convert_element_type3A_1428, %cond3A_1429 : i32
        scf.if %cond3A_1430 {
          %dma_wait3A_1457 = arith.constant 3 : i32
          %dma_wait3A_1458 = arith.constant 0 : i32
          %dma_wait3A_1459 = arith.constant 0 : i32
          %dma_wait3A_1460 = tpu.memref_slice %arg12[%dma_wait3A_1457, %dma_wait3A_1458, %dma_wait3A_1459] : memref<4x104x64xf32, #tpu.memory_space<vmem>> -> memref<1x52x64xf32, #tpu.memory_space<vmem>>
          %dma_wait3A_1461 = tpu.memref_squeeze %dma_wait3A_1460 : memref<1x52x64xf32, #tpu.memory_space<vmem>> -> memref<52x64xf32, #tpu.memory_space<vmem>>
          %dma_wait3A_1462 = arith.constant 0 : i32
          %dma_wait3A_1463 = arith.constant 0 : i32
          %dma_wait3A_1464 = tpu.memref_slice %arg8[%dma_wait3A_1462, %dma_wait3A_1463] : memref<53248x128xf32, #tpu.memory_space<hbm>> -> memref<52x64xf32, #tpu.memory_space<hbm>>
          %dma_wait3A_1465 = arith.constant 0 : i32
          %dma_wait3A_1466 = arith.constant 0 : i32
          %dma_wait3A_1467 = tpu.memref_slice %arg8[%dma_wait3A_1465, %dma_wait3A_1466] : memref<53248x128xf32, #tpu.memory_space<hbm>> -> memref<52x64xf32, #tpu.memory_space<hbm>>
          %dma_wait3A_1468 = arith.constant 0 : i32
          %dma_wait3A_1469 = arith.constant 0 : i32
          %dma_wait3A_1470 = tpu.memref_slice %arg12[%dma_wait3A_1457, %dma_wait3A_1468, %dma_wait3A_1469] : memref<4x104x64xf32, #tpu.memory_space<vmem>> -> memref<1x52x64xf32, #tpu.memory_space<vmem>>
          %dma_wait3A_1471 = tpu.memref_squeeze %dma_wait3A_1470 : memref<1x52x64xf32, #tpu.memory_space<vmem>> -> memref<52x64xf32, #tpu.memory_space<vmem>>
          tpu.wait_dma2 semaphore(%arg23 : memref<!tpu.dma_semaphore, #tpu.memory_space<semaphore_mem>>) src(%dma_wait3A_1471 : memref<52x64xf32, #tpu.memory_space<vmem>>) dst(%dma_wait3A_1467 : memref<52x64xf32, #tpu.memory_space<hbm>>)
          %dma_wait3A_1472 = arith.constant 3 : i32
          %dma_wait3A_1473 = arith.constant 52 : i32
          %dma_wait3A_1474 = arith.constant 0 : i32
          %dma_wait3A_1475 = tpu.memref_slice %arg12[%dma_wait3A_1472, %dma_wait3A_1473, %dma_wait3A_1474] : memref<4x104x64xf32, #tpu.memory_space<vmem>> -> memref<1x52x64xf32, #tpu.memory_space<vmem>>
          %dma_wait3A_1476 = tpu.memref_squeeze %dma_wait3A_1475 : memref<1x52x64xf32, #tpu.memory_space<vmem>> -> memref<52x64xf32, #tpu.memory_space<vmem>>
          %dma_wait3A_1477 = arith.constant 0 : i32
          %dma_wait3A_1478 = arith.constant 64 : i32
          %dma_wait3A_1479 = tpu.memref_slice %arg8[%dma_wait3A_1477, %dma_wait3A_1478] : memref<53248x128xf32, #tpu.memory_space<hbm>> -> memref<52x64xf32, #tpu.memory_space<hbm>>
          %dma_wait3A_1480 = arith.constant 0 : i32
          %dma_wait3A_1481 = arith.constant 64 : i32
          %dma_wait3A_1482 = tpu.memref_slice %arg8[%dma_wait3A_1480, %dma_wait3A_1481] : memref<53248x128xf32, #tpu.memory_space<hbm>> -> memref<52x64xf32, #tpu.memory_space<hbm>>
          %dma_wait3A_1483 = arith.constant 52 : i32
          %dma_wait3A_1484 = arith.constant 0 : i32
          %dma_wait3A_1485 = tpu.memref_slice %arg12[%dma_wait3A_1472, %dma_wait3A_1483, %dma_wait3A_1484] : memref<4x104x64xf32, #tpu.memory_space<vmem>> -> memref<1x52x64xf32, #tpu.memory_space<vmem>>
          %dma_wait3A_1486 = tpu.memref_squeeze %dma_wait3A_1485 : memref<1x52x64xf32, #tpu.memory_space<vmem>> -> memref<52x64xf32, #tpu.memory_space<vmem>>
          tpu.wait_dma2 semaphore(%arg23 : memref<!tpu.dma_semaphore, #tpu.memory_space<semaphore_mem>>) src(%dma_wait3A_1486 : memref<52x64xf32, #tpu.memory_space<vmem>>) dst(%dma_wait3A_1482 : memref<52x64xf32, #tpu.memory_space<hbm>>)
        } else {
        }
        %add3A_1431 = arith.constant 2 : i32
        %add3A_1432 = arith.addi %add3A_1040, %add3A_1431 : i32
        %mul3A_1433 = arith.constant 112 : i32
        %mul3A_1434 = arith.muli %add3A_1432, %mul3A_1433 : i32
        %dma_start3A_1435 = arith.constant 3 : i32
        %dma_start3A_1436 = arith.constant 0 : i32
        %dma_start3A_1437 = arith.constant 0 : i32
        %dma_start3A_1438 = tpu.memref_slice %arg12[%dma_start3A_1435, %dma_start3A_1436, %dma_start3A_1437] : memref<4x104x64xf32, #tpu.memory_space<vmem>> -> memref<1x50x64xf32, #tpu.memory_space<vmem>>
        %dma_start3A_1439 = tpu.memref_squeeze %dma_start3A_1438 : memref<1x50x64xf32, #tpu.memory_space<vmem>> -> memref<50x64xf32, #tpu.memory_space<vmem>>
        %dma_start3A_1440 = tpu.memref_slice %arg10[%mul3A_1434] : memref<3584xi32, #tpu.memory_space<vmem>> -> memref<50xi32, #tpu.memory_space<vmem>>
        %dma_start3A_1441 = arith.constant 0 : i32
        %dma_start3A_1442 = arith.constant 0 : i32
        %dma_start3A_1443 = tpu.memref_slice %arg4[%dma_start3A_1441, %dma_start3A_1442] : memref<100000x64xf32, #tpu.memory_space<hbm>> -> memref<100000x64xf32, #tpu.memory_space<hbm>>
        tpu.enqueue_indirect_dma source(%dma_start3A_1443 : memref<100000x64xf32, #tpu.memory_space<hbm>>) target(%dma_start3A_1439 : memref<50x64xf32, #tpu.memory_space<vmem>>) offsets(%dma_start3A_1440 : memref<50xi32, #tpu.memory_space<vmem>>) semaphore(%arg19 : memref<!tpu.dma_semaphore, #tpu.memory_space<semaphore_mem>>)
        %mul3A_1444 = arith.constant 112 : i32
        %mul3A_1445 = arith.muli %add3A_1432, %mul3A_1444 : i32
        %add3A_1446 = arith.constant 56 : i32
        %add3A_1447 = arith.addi %mul3A_1445, %add3A_1446 : i32
        %dma_start3A_1448 = arith.constant 3 : i32
        %dma_start3A_1449 = arith.constant 50 : i32
        %dma_start3A_1450 = arith.constant 0 : i32
        %dma_start3A_1451 = tpu.memref_slice %arg12[%dma_start3A_1448, %dma_start3A_1449, %dma_start3A_1450] : memref<4x104x64xf32, #tpu.memory_space<vmem>> -> memref<1x50x64xf32, #tpu.memory_space<vmem>>
        %dma_start3A_1452 = tpu.memref_squeeze %dma_start3A_1451 : memref<1x50x64xf32, #tpu.memory_space<vmem>> -> memref<50x64xf32, #tpu.memory_space<vmem>>
        %dma_start3A_1453 = tpu.memref_slice %arg10[%add3A_1447] : memref<3584xi32, #tpu.memory_space<vmem>> -> memref<50xi32, #tpu.memory_space<vmem>>
        %dma_start3A_1454 = arith.constant 0 : i32
        %dma_start3A_1455 = arith.constant 0 : i32
        %dma_start3A_1456 = tpu.memref_slice %arg5[%dma_start3A_1454, %dma_start3A_1455] : memref<100000x64xf32, #tpu.memory_space<hbm>> -> memref<100000x64xf32, #tpu.memory_space<hbm>>
        tpu.enqueue_indirect_dma source(%dma_start3A_1456 : memref<100000x64xf32, #tpu.memory_space<hbm>>) target(%dma_start3A_1452 : memref<50x64xf32, #tpu.memory_space<vmem>>) offsets(%dma_start3A_1453 : memref<50xi32, #tpu.memory_space<vmem>>) semaphore(%arg19 : memref<!tpu.dma_semaphore, #tpu.memory_space<semaphore_mem>>)
      } else {
      }
      %dma_wait3A_1046 = arith.constant 1 : i32
      %dma_wait3A_1047 = arith.constant 0 : i32
      %dma_wait3A_1048 = arith.constant 0 : i32
      %dma_wait3A_1049 = tpu.memref_slice %arg12[%dma_wait3A_1046, %dma_wait3A_1047, %dma_wait3A_1048] : memref<4x104x64xf32, #tpu.memory_space<vmem>> -> memref<1x50x64xf32, #tpu.memory_space<vmem>>
      %dma_wait3A_1050 = tpu.memref_squeeze %dma_wait3A_1049 : memref<1x50x64xf32, #tpu.memory_space<vmem>> -> memref<50x64xf32, #tpu.memory_space<vmem>>
      %dma_wait3A_1051 = arith.constant 0 : i32
      %dma_wait3A_1052 = tpu.memref_slice %arg10[%dma_wait3A_1051] : memref<3584xi32, #tpu.memory_space<vmem>> -> memref<50xi32, #tpu.memory_space<vmem>>
      %dma_wait3A_1053 = arith.constant 0 : i32
      %dma_wait3A_1054 = arith.constant 0 : i32
      %dma_wait3A_1055 = tpu.memref_slice %arg4[%dma_wait3A_1053, %dma_wait3A_1054] : memref<100000x64xf32, #tpu.memory_space<hbm>> -> memref<100000x64xf32, #tpu.memory_space<hbm>>
      tpu.wait_indirect_dma semaphore(%arg17 : memref<!tpu.dma_semaphore, #tpu.memory_space<semaphore_mem>>) src(%dma_wait3A_1055 : memref<100000x64xf32, #tpu.memory_space<hbm>>) dst(%dma_wait3A_1050 : memref<50x64xf32, #tpu.memory_space<vmem>>)
      %dma_wait3A_1056 = arith.constant 1 : i32
      %dma_wait3A_1057 = arith.constant 50 : i32
      %dma_wait3A_1058 = arith.constant 0 : i32
      %dma_wait3A_1059 = tpu.memref_slice %arg12[%dma_wait3A_1056, %dma_wait3A_1057, %dma_wait3A_1058] : memref<4x104x64xf32, #tpu.memory_space<vmem>> -> memref<1x50x64xf32, #tpu.memory_space<vmem>>
      %dma_wait3A_1060 = tpu.memref_squeeze %dma_wait3A_1059 : memref<1x50x64xf32, #tpu.memory_space<vmem>> -> memref<50x64xf32, #tpu.memory_space<vmem>>
      %dma_wait3A_1061 = arith.constant 0 : i32
      %dma_wait3A_1062 = tpu.memref_slice %arg10[%dma_wait3A_1061] : memref<3584xi32, #tpu.memory_space<vmem>> -> memref<50xi32, #tpu.memory_space<vmem>>
      %dma_wait3A_1063 = arith.constant 0 : i32
      %dma_wait3A_1064 = arith.constant 0 : i32
      %dma_wait3A_1065 = tpu.memref_slice %arg5[%dma_wait3A_1063, %dma_wait3A_1064] : memref<100000x64xf32, #tpu.memory_space<hbm>> -> memref<100000x64xf32, #tpu.memory_space<hbm>>
      tpu.wait_indirect_dma semaphore(%arg17 : memref<!tpu.dma_semaphore, #tpu.memory_space<semaphore_mem>>) src(%dma_wait3A_1065 : memref<100000x64xf32, #tpu.memory_space<hbm>>) dst(%dma_wait3A_1060 : memref<50x64xf32, #tpu.memory_space<vmem>>)
      %mul3A_1066 = arith.constant 56 : i32
      %mul3A_1067 = arith.muli %add3A_1040, %mul3A_1066 : i32
      %add3A_1068 = arith.constant 0 : i32
      %add3A_1069 = arith.addi %mul3A_1067, %add3A_1068 : i32
      %get3A_1070 = arith.index_cast %add3A_1069 : i32 to index
      %get3A_1071 = tpu.vector_load %arg11[%get3A_1070] {strides = array<i32>} : memref<1808xi32, #tpu.memory_space<vmem>>, vector<16xi32>,
      %and3A_1072 = arith.constant 15 : i32
      %and3A_1073 = vector.broadcast %and3A_1072 : i32 to vector<16xi32>
      %and3A_1074 = arith.andi %get3A_1071, %and3A_1073 : vector<16xi32>
      %gather3A_1075 = tpu.vector_load_idx %arg14[%and3A_1074] : memref<16xf32, #tpu.memory_space<vmem>>[vector<16xi32>], vector<16xf32>,
      %swap3A_1076 = arith.index_cast %add3A_1040 : i32 to index
      %swap3A_1077 = arith.constant 0 : index
      %swap3A_1078 = tpu.vector_load %arg13[%swap3A_1076, %swap3A_1077] {strides = array<i32>} : memref<32x128xf32, #tpu.memory_space<vmem>>, vector<16xf32>,
      tpu.vector_store %arg13[%swap3A_1076, %swap3A_1077], %gather3A_1075 {strides = array<i32>} : memref<32x128xf32, #tpu.memory_space<vmem>>, vector<16xf32>,
      %mul3A_1079 = arith.constant 56 : i32
      %mul3A_1080 = arith.muli %add3A_1040, %mul3A_1079 : i32
      %add3A_1081 = arith.constant 16 : i32
      %add3A_1082 = arith.addi %mul3A_1080, %add3A_1081 : i32
      %get3A_1083 = arith.index_cast %add3A_1082 : i32 to index
      %get3A_1084 = tpu.vector_load %arg11[%get3A_1083] {strides = array<i32>} : memref<1808xi32, #tpu.memory_space<vmem>>, vector<16xi32>,
      %and3A_1085 = arith.constant 15 : i32
      %and3A_1086 = vector.broadcast %and3A_1085 : i32 to vector<16xi32>
      %and3A_1087 = arith.andi %get3A_1084, %and3A_1086 : vector<16xi32>
      %gather3A_1088 = tpu.vector_load_idx %arg14[%and3A_1087] : memref<16xf32, #tpu.memory_space<vmem>>[vector<16xi32>], vector<16xf32>,
      %swap3A_1089 = arith.index_cast %add3A_1040 : i32 to index
      %swap3A_1090 = arith.constant 16 : index
      %swap3A_1091 = tpu.vector_load %arg13[%swap3A_1089, %swap3A_1090] {strides = array<i32>} : memref<32x128xf32, #tpu.memory_space<vmem>>, vector<16xf32>,
      tpu.vector_store %arg13[%swap3A_1089, %swap3A_1090], %gather3A_1088 {strides = array<i32>} : memref<32x128xf32, #tpu.memory_space<vmem>>, vector<16xf32>,
      %mul3A_1092 = arith.constant 56 : i32
      %mul3A_1093 = arith.muli %add3A_1040, %mul3A_1092 : i32
      %add3A_1094 = arith.constant 32 : i32
      %add3A_1095 = arith.addi %mul3A_1093, %add3A_1094 : i32
      %get3A_1096 = arith.index_cast %add3A_1095 : i32 to index
      %get3A_1097 = tpu.vector_load %arg11[%get3A_1096] {strides = array<i32>} : memref<1808xi32, #tpu.memory_space<vmem>>, vector<16xi32>,
      %and3A_1098 = arith.constant 15 : i32
      %and3A_1099 = vector.broadcast %and3A_1098 : i32 to vector<16xi32>
      %and3A_1100 = arith.andi %get3A_1097, %and3A_1099 : vector<16xi32>
      %gather3A_1101 = tpu.vector_load_idx %arg14[%and3A_1100] : memref<16xf32, #tpu.memory_space<vmem>>[vector<16xi32>], vector<16xf32>,
      %swap3A_1102 = arith.index_cast %add3A_1040 : i32 to index
      %swap3A_1103 = arith.constant 32 : index
      %swap3A_1104 = tpu.vector_load %arg13[%swap3A_1102, %swap3A_1103] {strides = array<i32>} : memref<32x128xf32, #tpu.memory_space<vmem>>, vector<16xf32>,
      tpu.vector_store %arg13[%swap3A_1102, %swap3A_1103], %gather3A_1101 {strides = array<i32>} : memref<32x128xf32, #tpu.memory_space<vmem>>, vector<16xf32>,
      %mul3A_1105 = arith.constant 56 : i32
      %mul3A_1106 = arith.muli %add3A_1040, %mul3A_1105 : i32
      %add3A_1107 = arith.constant 48 : i32
      %add3A_1108 = arith.addi %mul3A_1106, %add3A_1107 : i32
      %get3A_1109 = arith.index_cast %add3A_1108 : i32 to index
      %get3A_1110 = tpu.vector_load %arg11[%get3A_1109] {strides = array<i32>} : memref<1808xi32, #tpu.memory_space<vmem>>, vector<16xi32>,
      %and3A_1111 = arith.constant 15 : i32
      %and3A_1112 = vector.broadcast %and3A_1111 : i32 to vector<16xi32>
      %and3A_1113 = arith.andi %get3A_1110, %and3A_1112 : vector<16xi32>
      %gather3A_1114 = tpu.vector_load_idx %arg14[%and3A_1113] : memref<16xf32, #tpu.memory_space<vmem>>[vector<16xi32>], vector<16xf32>,
      %lt3A_1115 = arith.constant 2 : i32
      %lt3A_1116 = vector.broadcast %lt3A_1115 : i32 to vector<16xi32>
      %lt3A_1117 = arith.cmpi slt, %iota3A, %lt3A_1116 : vector<16xi32>
      %lt3A_1118 = arith.constant 4 : i32
      %lt3A_1119 = vector.broadcast %lt3A_1118 : i32 to vector<16xi32>
      %lt3A_1120 = arith.cmpi slt, %iota3A, %lt3A_1119 : vector<16xi32>
      %select_n3A_1121 = arith.select %lt3A_1120, %broadcast_in_dim3A_745, %broadcast_in_dim3A_747 : vector<16xi1>, vector<16xf32>
      %select_n3A_1122 = arith.select %lt3A_1117, %gather3A_1114, %select_n3A_1121 : vector<16xi1>, vector<16xf32>
      %swap3A_1123 = arith.index_cast %add3A_1040 : i32 to index
      %swap3A_1124 = arith.constant 48 : index
      %swap3A_1125 = tpu.vector_load %arg13[%swap3A_1123, %swap3A_1124] {strides = array<i32>} : memref<32x128xf32, #tpu.memory_space<vmem>>, vector<16xf32>,
      tpu.vector_store %arg13[%swap3A_1123, %swap3A_1124], %select_n3A_1122 {strides = array<i32>} : memref<32x128xf32, #tpu.memory_space<vmem>>, vector<16xf32>,
      %swap3A_1126 = arith.index_cast %add3A_1040 : i32 to index
      %swap3A_1127 = arith.constant 64 : index
      %swap3A_1128 = tpu.vector_load %arg13[%swap3A_1126, %swap3A_1127] {strides = array<i32>} : memref<32x128xf32, #tpu.memory_space<vmem>>, vector<16xf32>,
      tpu.vector_store %arg13[%swap3A_1126, %swap3A_1127], %broadcast_in_dim3A_745 {strides = array<i32>} : memref<32x128xf32, #tpu.memory_space<vmem>>, vector<16xf32>,
      %swap3A_1129 = arith.index_cast %add3A_1040 : i32 to index
      %swap3A_1130 = arith.constant 80 : index
      %swap3A_1131 = tpu.vector_load %arg13[%swap3A_1129, %swap3A_1130] {strides = array<i32>} : memref<32x128xf32, #tpu.memory_space<vmem>>, vector<16xf32>,
      tpu.vector_store %arg13[%swap3A_1129, %swap3A_1130], %broadcast_in_dim3A_745 {strides = array<i32>} : memref<32x128xf32, #tpu.memory_space<vmem>>, vector<16xf32>,
      %swap3A_1132 = arith.index_cast %add3A_1040 : i32 to index
      %swap3A_1133 = arith.constant 96 : index
      %swap3A_1134 = tpu.vector_load %arg13[%swap3A_1132, %swap3A_1133] {strides = array<i32>} : memref<32x128xf32, #tpu.memory_space<vmem>>, vector<16xf32>,
      tpu.vector_store %arg13[%swap3A_1132, %swap3A_1133], %broadcast_in_dim3A_745 {strides = array<i32>} : memref<32x128xf32, #tpu.memory_space<vmem>>, vector<16xf32>,
      %swap3A_1135 = arith.index_cast %add3A_1040 : i32 to index
      %swap3A_1136 = arith.constant 112 : index
      %swap3A_1137 = tpu.vector_load %arg13[%swap3A_1135, %swap3A_1136] {strides = array<i32>} : memref<32x128xf32, #tpu.memory_space<vmem>>, vector<16xf32>,
      tpu.vector_store %arg13[%swap3A_1135, %swap3A_1136], %broadcast_in_dim3A_747 {strides = array<i32>} : memref<32x128xf32, #tpu.memory_space<vmem>>, vector<16xf32>,
      %add3A_1138 = arith.addi %mul3A_2, %add3A_1040 : i32
      %mul3A_1139 = arith.constant 52 : i32
      %mul3A_1140 = arith.muli %add3A_1138, %mul3A_1139 : i32
      %dma_start3A_1141 = arith.constant 1 : i32
      %dma_start3A_1142 = arith.constant 0 : i32
      %dma_start3A_1143 = arith.constant 0 : i32
      %dma_start3A_1144 = tpu.memref_slice %arg12[%dma_start3A_1141, %dma_start3A_1142, %dma_start3A_1143] : memref<4x104x64xf32, #tpu.memory_space<vmem>> -> memref<1x52x64xf32, #tpu.memory_space<vmem>>
      %dma_start3A_1145 = tpu.memref_squeeze %dma_start3A_1144 : memref<1x52x64xf32, #tpu.memory_space<vmem>> -> memref<52x64xf32, #tpu.memory_space<vmem>>
      %dma_start3A_1146 = arith.constant 0 : i32
      %dma_start3A_1147 = tpu.memref_slice %arg8[%mul3A_1140, %dma_start3A_1146] : memref<53248x128xf32, #tpu.memory_space<hbm>> -> memref<52x64xf32, #tpu.memory_space<hbm>>
      %dma_start3A_1148 = arith.constant 0 : i32
      %dma_start3A_1149 = tpu.memref_slice %arg8[%mul3A_1140, %dma_start3A_1148] : memref<53248x128xf32, #tpu.memory_space<hbm>> -> memref<52x64xf32, #tpu.memory_space<hbm>>
      %dma_start3A_1150 = arith.constant 0 : i32
      %dma_start3A_1151 = arith.constant 0 : i32
      %dma_start3A_1152 = tpu.memref_slice %arg12[%dma_start3A_1141, %dma_start3A_1150, %dma_start3A_1151] : memref<4x104x64xf32, #tpu.memory_space<vmem>> -> memref<1x52x64xf32, #tpu.memory_space<vmem>>
      %dma_start3A_1153 = tpu.memref_squeeze %dma_start3A_1152 : memref<1x52x64xf32, #tpu.memory_space<vmem>> -> memref<52x64xf32, #tpu.memory_space<vmem>>
      tpu.enqueue_dma source(%dma_start3A_1153 : memref<52x64xf32, #tpu.memory_space<vmem>>) target(%dma_start3A_1149 : memref<52x64xf32, #tpu.memory_space<hbm>>) target_semaphore(%arg21 : memref<!tpu.dma_semaphore, #tpu.memory_space<semaphore_mem>>)
      %dma_start3A_1154 = arith.constant 1 : i32
      %dma_start3A_1155 = arith.constant 52 : i32
      %dma_start3A_1156 = arith.constant 0 : i32
      %dma_start3A_1157 = tpu.memref_slice %arg12[%dma_start3A_1154, %dma_start3A_1155, %dma_start3A_1156] : memref<4x104x64xf32, #tpu.memory_space<vmem>> -> memref<1x52x64xf32, #tpu.memory_space<vmem>>
      %dma_start3A_1158 = tpu.memref_squeeze %dma_start3A_1157 : memref<1x52x64xf32, #tpu.memory_space<vmem>> -> memref<52x64xf32, #tpu.memory_space<vmem>>
      %dma_start3A_1159 = arith.constant 64 : i32
      %dma_start3A_1160 = tpu.memref_slice %arg8[%mul3A_1140, %dma_start3A_1159] : memref<53248x128xf32, #tpu.memory_space<hbm>> -> memref<52x64xf32, #tpu.memory_space<hbm>>
      %dma_start3A_1161 = arith.constant 64 : i32
      %dma_start3A_1162 = tpu.memref_slice %arg8[%mul3A_1140, %dma_start3A_1161] : memref<53248x128xf32, #tpu.memory_space<hbm>> -> memref<52x64xf32, #tpu.memory_space<hbm>>
      %dma_start3A_1163 = arith.constant 52 : i32
      %dma_start3A_1164 = arith.constant 0 : i32
      %dma_start3A_1165 = tpu.memref_slice %arg12[%dma_start3A_1154, %dma_start3A_1163, %dma_start3A_1164] : memref<4x104x64xf32, #tpu.memory_space<vmem>> -> memref<1x52x64xf32, #tpu.memory_space<vmem>>
      %dma_start3A_1166 = tpu.memref_squeeze %dma_start3A_1165 : memref<1x52x64xf32, #tpu.memory_space<vmem>> -> memref<52x64xf32, #tpu.memory_space<vmem>>
      tpu.enqueue_dma source(%dma_start3A_1166 : memref<52x64xf32, #tpu.memory_space<vmem>>) target(%dma_start3A_1162 : memref<52x64xf32, #tpu.memory_space<hbm>>) target_semaphore(%arg21 : memref<!tpu.dma_semaphore, #tpu.memory_space<semaphore_mem>>)
      %mul3A_1167 = arith.constant 4 : i32
      %mul3A_1168 = arith.muli %mul3A_1167, %scan3A_911 : i32
      %add3A_1169 = arith.constant 2 : i32
      %add3A_1170 = arith.addi %mul3A_1168, %add3A_1169 : i32
      %lt3A_1171 = arith.constant 30 : i32
      %lt3A_1172 = arith.cmpi slt, %add3A_1170, %lt3A_1171 : i32
      %convert_element_type3A_1173 = arith.extui %lt3A_1172 : i1 to i32
      %cond3A_1174 = arith.constant 0 : i32
      %cond3A_1175 = arith.cmpi ne, %convert_element_type3A_1173, %cond3A_1174 : i32
      scf.if %cond3A_1175 {
        %ge3A = arith.constant 2 : i32
        %ge3A_1427 = arith.cmpi sge, %add3A_1170, %ge3A : i32
        %convert_element_type3A_1428 = arith.extui %ge3A_1427 : i1 to i32
        %cond3A_1429 = arith.constant 0 : i32
        %cond3A_1430 = arith.cmpi ne, %convert_element_type3A_1428, %cond3A_1429 : i32
        scf.if %cond3A_1430 {
          %dma_wait3A_1457 = arith.constant 0 : i32
          %dma_wait3A_1458 = arith.constant 0 : i32
          %dma_wait3A_1459 = arith.constant 0 : i32
          %dma_wait3A_1460 = tpu.memref_slice %arg12[%dma_wait3A_1457, %dma_wait3A_1458, %dma_wait3A_1459] : memref<4x104x64xf32, #tpu.memory_space<vmem>> -> memref<1x52x64xf32, #tpu.memory_space<vmem>>
          %dma_wait3A_1461 = tpu.memref_squeeze %dma_wait3A_1460 : memref<1x52x64xf32, #tpu.memory_space<vmem>> -> memref<52x64xf32, #tpu.memory_space<vmem>>
          %dma_wait3A_1462 = arith.constant 0 : i32
          %dma_wait3A_1463 = arith.constant 0 : i32
          %dma_wait3A_1464 = tpu.memref_slice %arg8[%dma_wait3A_1462, %dma_wait3A_1463] : memref<53248x128xf32, #tpu.memory_space<hbm>> -> memref<52x64xf32, #tpu.memory_space<hbm>>
          %dma_wait3A_1465 = arith.constant 0 : i32
          %dma_wait3A_1466 = arith.constant 0 : i32
          %dma_wait3A_1467 = tpu.memref_slice %arg8[%dma_wait3A_1465, %dma_wait3A_1466] : memref<53248x128xf32, #tpu.memory_space<hbm>> -> memref<52x64xf32, #tpu.memory_space<hbm>>
          %dma_wait3A_1468 = arith.constant 0 : i32
          %dma_wait3A_1469 = arith.constant 0 : i32
          %dma_wait3A_1470 = tpu.memref_slice %arg12[%dma_wait3A_1457, %dma_wait3A_1468, %dma_wait3A_1469] : memref<4x104x64xf32, #tpu.memory_space<vmem>> -> memref<1x52x64xf32, #tpu.memory_space<vmem>>
          %dma_wait3A_1471 = tpu.memref_squeeze %dma_wait3A_1470 : memref<1x52x64xf32, #tpu.memory_space<vmem>> -> memref<52x64xf32, #tpu.memory_space<vmem>>
          tpu.wait_dma2 semaphore(%arg20 : memref<!tpu.dma_semaphore, #tpu.memory_space<semaphore_mem>>) src(%dma_wait3A_1471 : memref<52x64xf32, #tpu.memory_space<vmem>>) dst(%dma_wait3A_1467 : memref<52x64xf32, #tpu.memory_space<hbm>>)
          %dma_wait3A_1472 = arith.constant 0 : i32
          %dma_wait3A_1473 = arith.constant 52 : i32
          %dma_wait3A_1474 = arith.constant 0 : i32
          %dma_wait3A_1475 = tpu.memref_slice %arg12[%dma_wait3A_1472, %dma_wait3A_1473, %dma_wait3A_1474] : memref<4x104x64xf32, #tpu.memory_space<vmem>> -> memref<1x52x64xf32, #tpu.memory_space<vmem>>
          %dma_wait3A_1476 = tpu.memref_squeeze %dma_wait3A_1475 : memref<1x52x64xf32, #tpu.memory_space<vmem>> -> memref<52x64xf32, #tpu.memory_space<vmem>>
          %dma_wait3A_1477 = arith.constant 0 : i32
          %dma_wait3A_1478 = arith.constant 64 : i32
          %dma_wait3A_1479 = tpu.memref_slice %arg8[%dma_wait3A_1477, %dma_wait3A_1478] : memref<53248x128xf32, #tpu.memory_space<hbm>> -> memref<52x64xf32, #tpu.memory_space<hbm>>
          %dma_wait3A_1480 = arith.constant 0 : i32
          %dma_wait3A_1481 = arith.constant 64 : i32
          %dma_wait3A_1482 = tpu.memref_slice %arg8[%dma_wait3A_1480, %dma_wait3A_1481] : memref<53248x128xf32, #tpu.memory_space<hbm>> -> memref<52x64xf32, #tpu.memory_space<hbm>>
          %dma_wait3A_1483 = arith.constant 52 : i32
          %dma_wait3A_1484 = arith.constant 0 : i32
          %dma_wait3A_1485 = tpu.memref_slice %arg12[%dma_wait3A_1472, %dma_wait3A_1483, %dma_wait3A_1484] : memref<4x104x64xf32, #tpu.memory_space<vmem>> -> memref<1x52x64xf32, #tpu.memory_space<vmem>>
          %dma_wait3A_1486 = tpu.memref_squeeze %dma_wait3A_1485 : memref<1x52x64xf32, #tpu.memory_space<vmem>> -> memref<52x64xf32, #tpu.memory_space<vmem>>
          tpu.wait_dma2 semaphore(%arg20 : memref<!tpu.dma_semaphore, #tpu.memory_space<semaphore_mem>>) src(%dma_wait3A_1486 : memref<52x64xf32, #tpu.memory_space<vmem>>) dst(%dma_wait3A_1482 : memref<52x64xf32, #tpu.memory_space<hbm>>)
        } else {
        }
        %add3A_1431 = arith.constant 2 : i32
        %add3A_1432 = arith.addi %add3A_1170, %add3A_1431 : i32
        %mul3A_1433 = arith.constant 112 : i32
        %mul3A_1434 = arith.muli %add3A_1432, %mul3A_1433 : i32
        %dma_start3A_1435 = arith.constant 0 : i32
        %dma_start3A_1436 = arith.constant 0 : i32
        %dma_start3A_1437 = arith.constant 0 : i32
        %dma_start3A_1438 = tpu.memref_slice %arg12[%dma_start3A_1435, %dma_start3A_1436, %dma_start3A_1437] : memref<4x104x64xf32, #tpu.memory_space<vmem>> -> memref<1x50x64xf32, #tpu.memory_space<vmem>>
        %dma_start3A_1439 = tpu.memref_squeeze %dma_start3A_1438 : memref<1x50x64xf32, #tpu.memory_space<vmem>> -> memref<50x64xf32, #tpu.memory_space<vmem>>
        %dma_start3A_1440 = tpu.memref_slice %arg10[%mul3A_1434] : memref<3584xi32, #tpu.memory_space<vmem>> -> memref<50xi32, #tpu.memory_space<vmem>>
        %dma_start3A_1441 = arith.constant 0 : i32
        %dma_start3A_1442 = arith.constant 0 : i32
        %dma_start3A_1443 = tpu.memref_slice %arg4[%dma_start3A_1441, %dma_start3A_1442] : memref<100000x64xf32, #tpu.memory_space<hbm>> -> memref<100000x64xf32, #tpu.memory_space<hbm>>
        tpu.enqueue_indirect_dma source(%dma_start3A_1443 : memref<100000x64xf32, #tpu.memory_space<hbm>>) target(%dma_start3A_1439 : memref<50x64xf32, #tpu.memory_space<vmem>>) offsets(%dma_start3A_1440 : memref<50xi32, #tpu.memory_space<vmem>>) semaphore(%arg16 : memref<!tpu.dma_semaphore, #tpu.memory_space<semaphore_mem>>)
        %mul3A_1444 = arith.constant 112 : i32
        %mul3A_1445 = arith.muli %add3A_1432, %mul3A_1444 : i32
        %add3A_1446 = arith.constant 56 : i32
        %add3A_1447 = arith.addi %mul3A_1445, %add3A_1446 : i32
        %dma_start3A_1448 = arith.constant 0 : i32
        %dma_start3A_1449 = arith.constant 50 : i32
        %dma_start3A_1450 = arith.constant 0 : i32
        %dma_start3A_1451 = tpu.memref_slice %arg12[%dma_start3A_1448, %dma_start3A_1449, %dma_start3A_1450] : memref<4x104x64xf32, #tpu.memory_space<vmem>> -> memref<1x50x64xf32, #tpu.memory_space<vmem>>
        %dma_start3A_1452 = tpu.memref_squeeze %dma_start3A_1451 : memref<1x50x64xf32, #tpu.memory_space<vmem>> -> memref<50x64xf32, #tpu.memory_space<vmem>>
        %dma_start3A_1453 = tpu.memref_slice %arg10[%add3A_1447] : memref<3584xi32, #tpu.memory_space<vmem>> -> memref<50xi32, #tpu.memory_space<vmem>>
        %dma_start3A_1454 = arith.constant 0 : i32
        %dma_start3A_1455 = arith.constant 0 : i32
        %dma_start3A_1456 = tpu.memref_slice %arg5[%dma_start3A_1454, %dma_start3A_1455] : memref<100000x64xf32, #tpu.memory_space<hbm>> -> memref<100000x64xf32, #tpu.memory_space<hbm>>
        tpu.enqueue_indirect_dma source(%dma_start3A_1456 : memref<100000x64xf32, #tpu.memory_space<hbm>>) target(%dma_start3A_1452 : memref<50x64xf32, #tpu.memory_space<vmem>>) offsets(%dma_start3A_1453 : memref<50xi32, #tpu.memory_space<vmem>>) semaphore(%arg16 : memref<!tpu.dma_semaphore, #tpu.memory_space<semaphore_mem>>)
      } else {
      }
      %dma_wait3A_1176 = arith.constant 2 : i32
      %dma_wait3A_1177 = arith.constant 0 : i32
      %dma_wait3A_1178 = arith.constant 0 : i32
      %dma_wait3A_1179 = tpu.memref_slice %arg12[%dma_wait3A_1176, %dma_wait3A_1177, %dma_wait3A_1178] : memref<4x104x64xf32, #tpu.memory_space<vmem>> -> memref<1x50x64xf32, #tpu.memory_space<vmem>>
      %dma_wait3A_1180 = tpu.memref_squeeze %dma_wait3A_1179 : memref<1x50x64xf32, #tpu.memory_space<vmem>> -> memref<50x64xf32, #tpu.memory_space<vmem>>
      %dma_wait3A_1181 = arith.constant 0 : i32
      %dma_wait3A_1182 = tpu.memref_slice %arg10[%dma_wait3A_1181] : memref<3584xi32, #tpu.memory_space<vmem>> -> memref<50xi32, #tpu.memory_space<vmem>>
      %dma_wait3A_1183 = arith.constant 0 : i32
      %dma_wait3A_1184 = arith.constant 0 : i32
      %dma_wait3A_1185 = tpu.memref_slice %arg4[%dma_wait3A_1183, %dma_wait3A_1184] : memref<100000x64xf32, #tpu.memory_space<hbm>> -> memref<100000x64xf32, #tpu.memory_space<hbm>>
      tpu.wait_indirect_dma semaphore(%arg18 : memref<!tpu.dma_semaphore, #tpu.memory_space<semaphore_mem>>) src(%dma_wait3A_1185 : memref<100000x64xf32, #tpu.memory_space<hbm>>) dst(%dma_wait3A_1180 : memref<50x64xf32, #tpu.memory_space<vmem>>)
      %dma_wait3A_1186 = arith.constant 2 : i32
      %dma_wait3A_1187 = arith.constant 50 : i32
      %dma_wait3A_1188 = arith.constant 0 : i32
      %dma_wait3A_1189 = tpu.memref_slice %arg12[%dma_wait3A_1186, %dma_wait3A_1187, %dma_wait3A_1188] : memref<4x104x64xf32, #tpu.memory_space<vmem>> -> memref<1x50x64xf32, #tpu.memory_space<vmem>>
      %dma_wait3A_1190 = tpu.memref_squeeze %dma_wait3A_1189 : memref<1x50x64xf32, #tpu.memory_space<vmem>> -> memref<50x64xf32, #tpu.memory_space<vmem>>
      %dma_wait3A_1191 = arith.constant 0 : i32
      %dma_wait3A_1192 = tpu.memref_slice %arg10[%dma_wait3A_1191] : memref<3584xi32, #tpu.memory_space<vmem>> -> memref<50xi32, #tpu.memory_space<vmem>>
      %dma_wait3A_1193 = arith.constant 0 : i32
      %dma_wait3A_1194 = arith.constant 0 : i32
      %dma_wait3A_1195 = tpu.memref_slice %arg5[%dma_wait3A_1193, %dma_wait3A_1194] : memref<100000x64xf32, #tpu.memory_space<hbm>> -> memref<100000x64xf32, #tpu.memory_space<hbm>>
      tpu.wait_indirect_dma semaphore(%arg18 : memref<!tpu.dma_semaphore, #tpu.memory_space<semaphore_mem>>) src(%dma_wait3A_1195 : memref<100000x64xf32, #tpu.memory_space<hbm>>) dst(%dma_wait3A_1190 : memref<50x64xf32, #tpu.memory_space<vmem>>)
      %mul3A_1196 = arith.constant 56 : i32
      %mul3A_1197 = arith.muli %add3A_1170, %mul3A_1196 : i32
      %add3A_1198 = arith.constant 0 : i32
      %add3A_1199 = arith.addi %mul3A_1197, %add3A_1198 : i32
      %get3A_1200 = arith.index_cast %add3A_1199 : i32 to index
      %get3A_1201 = tpu.vector_load %arg11[%get3A_1200] {strides = array<i32>} : memref<1808xi32, #tpu.memory_space<vmem>>, vector<16xi32>,
      %and3A_1202 = arith.constant 15 : i32
      %and3A_1203 = vector.broadcast %and3A_1202 : i32 to vector<16xi32>
      %and3A_1204 = arith.andi %get3A_1201, %and3A_1203 : vector<16xi32>
      %gather3A_1205 = tpu.vector_load_idx %arg14[%and3A_1204] : memref<16xf32, #tpu.memory_space<vmem>>[vector<16xi32>], vector<16xf32>,
      %swap3A_1206 = arith.index_cast %add3A_1170 : i32 to index
      %swap3A_1207 = arith.constant 0 : index
      %swap3A_1208 = tpu.vector_load %arg13[%swap3A_1206, %swap3A_1207] {strides = array<i32>} : memref<32x128xf32, #tpu.memory_space<vmem>>, vector<16xf32>,
      tpu.vector_store %arg13[%swap3A_1206, %swap3A_1207], %gather3A_1205 {strides = array<i32>} : memref<32x128xf32, #tpu.memory_space<vmem>>, vector<16xf32>,
      %mul3A_1209 = arith.constant 56 : i32
      %mul3A_1210 = arith.muli %add3A_1170, %mul3A_1209 : i32
      %add3A_1211 = arith.constant 16 : i32
      %add3A_1212 = arith.addi %mul3A_1210, %add3A_1211 : i32
      %get3A_1213 = arith.index_cast %add3A_1212 : i32 to index
      %get3A_1214 = tpu.vector_load %arg11[%get3A_1213] {strides = array<i32>} : memref<1808xi32, #tpu.memory_space<vmem>>, vector<16xi32>,
      %and3A_1215 = arith.constant 15 : i32
      %and3A_1216 = vector.broadcast %and3A_1215 : i32 to vector<16xi32>
      %and3A_1217 = arith.andi %get3A_1214, %and3A_1216 : vector<16xi32>
      %gather3A_1218 = tpu.vector_load_idx %arg14[%and3A_1217] : memref<16xf32, #tpu.memory_space<vmem>>[vector<16xi32>], vector<16xf32>,
      %swap3A_1219 = arith.index_cast %add3A_1170 : i32 to index
      %swap3A_1220 = arith.constant 16 : index
      %swap3A_1221 = tpu.vector_load %arg13[%swap3A_1219, %swap3A_1220] {strides = array<i32>} : memref<32x128xf32, #tpu.memory_space<vmem>>, vector<16xf32>,
      tpu.vector_store %arg13[%swap3A_1219, %swap3A_1220], %gather3A_1218 {strides = array<i32>} : memref<32x128xf32, #tpu.memory_space<vmem>>, vector<16xf32>,
      %mul3A_1222 = arith.constant 56 : i32
      %mul3A_1223 = arith.muli %add3A_1170, %mul3A_1222 : i32
      %add3A_1224 = arith.constant 32 : i32
      %add3A_1225 = arith.addi %mul3A_1223, %add3A_1224 : i32
      %get3A_1226 = arith.index_cast %add3A_1225 : i32 to index
      %get3A_1227 = tpu.vector_load %arg11[%get3A_1226] {strides = array<i32>} : memref<1808xi32, #tpu.memory_space<vmem>>, vector<16xi32>,
      %and3A_1228 = arith.constant 15 : i32
      %and3A_1229 = vector.broadcast %and3A_1228 : i32 to vector<16xi32>
      %and3A_1230 = arith.andi %get3A_1227, %and3A_1229 : vector<16xi32>
      %gather3A_1231 = tpu.vector_load_idx %arg14[%and3A_1230] : memref<16xf32, #tpu.memory_space<vmem>>[vector<16xi32>], vector<16xf32>,
      %swap3A_1232 = arith.index_cast %add3A_1170 : i32 to index
      %swap3A_1233 = arith.constant 32 : index
      %swap3A_1234 = tpu.vector_load %arg13[%swap3A_1232, %swap3A_1233] {strides = array<i32>} : memref<32x128xf32, #tpu.memory_space<vmem>>, vector<16xf32>,
      tpu.vector_store %arg13[%swap3A_1232, %swap3A_1233], %gather3A_1231 {strides = array<i32>} : memref<32x128xf32, #tpu.memory_space<vmem>>, vector<16xf32>,
      %mul3A_1235 = arith.constant 56 : i32
      %mul3A_1236 = arith.muli %add3A_1170, %mul3A_1235 : i32
      %add3A_1237 = arith.constant 48 : i32
      %add3A_1238 = arith.addi %mul3A_1236, %add3A_1237 : i32
      %get3A_1239 = arith.index_cast %add3A_1238 : i32 to index
      %get3A_1240 = tpu.vector_load %arg11[%get3A_1239] {strides = array<i32>} : memref<1808xi32, #tpu.memory_space<vmem>>, vector<16xi32>,
      %and3A_1241 = arith.constant 15 : i32
      %and3A_1242 = vector.broadcast %and3A_1241 : i32 to vector<16xi32>
      %and3A_1243 = arith.andi %get3A_1240, %and3A_1242 : vector<16xi32>
      %gather3A_1244 = tpu.vector_load_idx %arg14[%and3A_1243] : memref<16xf32, #tpu.memory_space<vmem>>[vector<16xi32>], vector<16xf32>,
      %lt3A_1245 = arith.constant 2 : i32
      %lt3A_1246 = vector.broadcast %lt3A_1245 : i32 to vector<16xi32>
      %lt3A_1247 = arith.cmpi slt, %iota3A, %lt3A_1246 : vector<16xi32>
      %lt3A_1248 = arith.constant 4 : i32
      %lt3A_1249 = vector.broadcast %lt3A_1248 : i32 to vector<16xi32>
      %lt3A_1250 = arith.cmpi slt, %iota3A, %lt3A_1249 : vector<16xi32>
      %select_n3A_1251 = arith.select %lt3A_1250, %broadcast_in_dim3A_745, %broadcast_in_dim3A_747 : vector<16xi1>, vector<16xf32>
      %select_n3A_1252 = arith.select %lt3A_1247, %gather3A_1244, %select_n3A_1251 : vector<16xi1>, vector<16xf32>
      %swap3A_1253 = arith.index_cast %add3A_1170 : i32 to index
      %swap3A_1254 = arith.constant 48 : index
      %swap3A_1255 = tpu.vector_load %arg13[%swap3A_1253, %swap3A_1254] {strides = array<i32>} : memref<32x128xf32, #tpu.memory_space<vmem>>, vector<16xf32>,
      tpu.vector_store %arg13[%swap3A_1253, %swap3A_1254], %select_n3A_1252 {strides = array<i32>} : memref<32x128xf32, #tpu.memory_space<vmem>>, vector<16xf32>,
      %swap3A_1256 = arith.index_cast %add3A_1170 : i32 to index
      %swap3A_1257 = arith.constant 64 : index
      %swap3A_1258 = tpu.vector_load %arg13[%swap3A_1256, %swap3A_1257] {strides = array<i32>} : memref<32x128xf32, #tpu.memory_space<vmem>>, vector<16xf32>,
      tpu.vector_store %arg13[%swap3A_1256, %swap3A_1257], %broadcast_in_dim3A_745 {strides = array<i32>} : memref<32x128xf32, #tpu.memory_space<vmem>>, vector<16xf32>,
      %swap3A_1259 = arith.index_cast %add3A_1170 : i32 to index
      %swap3A_1260 = arith.constant 80 : index
      %swap3A_1261 = tpu.vector_load %arg13[%swap3A_1259, %swap3A_1260] {strides = array<i32>} : memref<32x128xf32, #tpu.memory_space<vmem>>, vector<16xf32>,
      tpu.vector_store %arg13[%swap3A_1259, %swap3A_1260], %broadcast_in_dim3A_745 {strides = array<i32>} : memref<32x128xf32, #tpu.memory_space<vmem>>, vector<16xf32>,
      %swap3A_1262 = arith.index_cast %add3A_1170 : i32 to index
      %swap3A_1263 = arith.constant 96 : index
      %swap3A_1264 = tpu.vector_load %arg13[%swap3A_1262, %swap3A_1263] {strides = array<i32>} : memref<32x128xf32, #tpu.memory_space<vmem>>, vector<16xf32>,
      tpu.vector_store %arg13[%swap3A_1262, %swap3A_1263], %broadcast_in_dim3A_745 {strides = array<i32>} : memref<32x128xf32, #tpu.memory_space<vmem>>, vector<16xf32>,
      %swap3A_1265 = arith.index_cast %add3A_1170 : i32 to index
      %swap3A_1266 = arith.constant 112 : index
      %swap3A_1267 = tpu.vector_load %arg13[%swap3A_1265, %swap3A_1266] {strides = array<i32>} : memref<32x128xf32, #tpu.memory_space<vmem>>, vector<16xf32>,
      tpu.vector_store %arg13[%swap3A_1265, %swap3A_1266], %broadcast_in_dim3A_747 {strides = array<i32>} : memref<32x128xf32, #tpu.memory_space<vmem>>, vector<16xf32>,
      %add3A_1268 = arith.addi %mul3A_2, %add3A_1170 : i32
      %mul3A_1269 = arith.constant 52 : i32
      %mul3A_1270 = arith.muli %add3A_1268, %mul3A_1269 : i32
      %dma_start3A_1271 = arith.constant 2 : i32
      %dma_start3A_1272 = arith.constant 0 : i32
      %dma_start3A_1273 = arith.constant 0 : i32
      %dma_start3A_1274 = tpu.memref_slice %arg12[%dma_start3A_1271, %dma_start3A_1272, %dma_start3A_1273] : memref<4x104x64xf32, #tpu.memory_space<vmem>> -> memref<1x52x64xf32, #tpu.memory_space<vmem>>
      %dma_start3A_1275 = tpu.memref_squeeze %dma_start3A_1274 : memref<1x52x64xf32, #tpu.memory_space<vmem>> -> memref<52x64xf32, #tpu.memory_space<vmem>>
      %dma_start3A_1276 = arith.constant 0 : i32
      %dma_start3A_1277 = tpu.memref_slice %arg8[%mul3A_1270, %dma_start3A_1276] : memref<53248x128xf32, #tpu.memory_space<hbm>> -> memref<52x64xf32, #tpu.memory_space<hbm>>
      %dma_start3A_1278 = arith.constant 0 : i32
      %dma_start3A_1279 = tpu.memref_slice %arg8[%mul3A_1270, %dma_start3A_1278] : memref<53248x128xf32, #tpu.memory_space<hbm>> -> memref<52x64xf32, #tpu.memory_space<hbm>>
      %dma_start3A_1280 = arith.constant 0 : i32
      %dma_start3A_1281 = arith.constant 0 : i32
      %dma_start3A_1282 = tpu.memref_slice %arg12[%dma_start3A_1271, %dma_start3A_1280, %dma_start3A_1281] : memref<4x104x64xf32, #tpu.memory_space<vmem>> -> memref<1x52x64xf32, #tpu.memory_space<vmem>>
      %dma_start3A_1283 = tpu.memref_squeeze %dma_start3A_1282 : memref<1x52x64xf32, #tpu.memory_space<vmem>> -> memref<52x64xf32, #tpu.memory_space<vmem>>
      tpu.enqueue_dma source(%dma_start3A_1283 : memref<52x64xf32, #tpu.memory_space<vmem>>) target(%dma_start3A_1279 : memref<52x64xf32, #tpu.memory_space<hbm>>) target_semaphore(%arg22 : memref<!tpu.dma_semaphore, #tpu.memory_space<semaphore_mem>>)
      %dma_start3A_1284 = arith.constant 2 : i32
      %dma_start3A_1285 = arith.constant 52 : i32
      %dma_start3A_1286 = arith.constant 0 : i32
      %dma_start3A_1287 = tpu.memref_slice %arg12[%dma_start3A_1284, %dma_start3A_1285, %dma_start3A_1286] : memref<4x104x64xf32, #tpu.memory_space<vmem>> -> memref<1x52x64xf32, #tpu.memory_space<vmem>>
      %dma_start3A_1288 = tpu.memref_squeeze %dma_start3A_1287 : memref<1x52x64xf32, #tpu.memory_space<vmem>> -> memref<52x64xf32, #tpu.memory_space<vmem>>
      %dma_start3A_1289 = arith.constant 64 : i32
      %dma_start3A_1290 = tpu.memref_slice %arg8[%mul3A_1270, %dma_start3A_1289] : memref<53248x128xf32, #tpu.memory_space<hbm>> -> memref<52x64xf32, #tpu.memory_space<hbm>>
      %dma_start3A_1291 = arith.constant 64 : i32
      %dma_start3A_1292 = tpu.memref_slice %arg8[%mul3A_1270, %dma_start3A_1291] : memref<53248x128xf32, #tpu.memory_space<hbm>> -> memref<52x64xf32, #tpu.memory_space<hbm>>
      %dma_start3A_1293 = arith.constant 52 : i32
      %dma_start3A_1294 = arith.constant 0 : i32
      %dma_start3A_1295 = tpu.memref_slice %arg12[%dma_start3A_1284, %dma_start3A_1293, %dma_start3A_1294] : memref<4x104x64xf32, #tpu.memory_space<vmem>> -> memref<1x52x64xf32, #tpu.memory_space<vmem>>
      %dma_start3A_1296 = tpu.memref_squeeze %dma_start3A_1295 : memref<1x52x64xf32, #tpu.memory_space<vmem>> -> memref<52x64xf32, #tpu.memory_space<vmem>>
      tpu.enqueue_dma source(%dma_start3A_1296 : memref<52x64xf32, #tpu.memory_space<vmem>>) target(%dma_start3A_1292 : memref<52x64xf32, #tpu.memory_space<hbm>>) target_semaphore(%arg22 : memref<!tpu.dma_semaphore, #tpu.memory_space<semaphore_mem>>)
      %mul3A_1297 = arith.constant 4 : i32
      %mul3A_1298 = arith.muli %mul3A_1297, %scan3A_911 : i32
      %add3A_1299 = arith.constant 3 : i32
      %add3A_1300 = arith.addi %mul3A_1298, %add3A_1299 : i32
      %lt3A_1301 = arith.constant 30 : i32
      %lt3A_1302 = arith.cmpi slt, %add3A_1300, %lt3A_1301 : i32
      %convert_element_type3A_1303 = arith.extui %lt3A_1302 : i1 to i32
      %cond3A_1304 = arith.constant 0 : i32
      %cond3A_1305 = arith.cmpi ne, %convert_element_type3A_1303, %cond3A_1304 : i32
      scf.if %cond3A_1305 {
        %ge3A = arith.constant 2 : i32
        %ge3A_1427 = arith.cmpi sge, %add3A_1300, %ge3A : i32
        %convert_element_type3A_1428 = arith.extui %ge3A_1427 : i1 to i32
        %cond3A_1429 = arith.constant 0 : i32
        %cond3A_1430 = arith.cmpi ne, %convert_element_type3A_1428, %cond3A_1429 : i32
        scf.if %cond3A_1430 {
          %dma_wait3A_1457 = arith.constant 1 : i32
          %dma_wait3A_1458 = arith.constant 0 : i32
          %dma_wait3A_1459 = arith.constant 0 : i32
          %dma_wait3A_1460 = tpu.memref_slice %arg12[%dma_wait3A_1457, %dma_wait3A_1458, %dma_wait3A_1459] : memref<4x104x64xf32, #tpu.memory_space<vmem>> -> memref<1x52x64xf32, #tpu.memory_space<vmem>>
          %dma_wait3A_1461 = tpu.memref_squeeze %dma_wait3A_1460 : memref<1x52x64xf32, #tpu.memory_space<vmem>> -> memref<52x64xf32, #tpu.memory_space<vmem>>
          %dma_wait3A_1462 = arith.constant 0 : i32
          %dma_wait3A_1463 = arith.constant 0 : i32
          %dma_wait3A_1464 = tpu.memref_slice %arg8[%dma_wait3A_1462, %dma_wait3A_1463] : memref<53248x128xf32, #tpu.memory_space<hbm>> -> memref<52x64xf32, #tpu.memory_space<hbm>>
          %dma_wait3A_1465 = arith.constant 0 : i32
          %dma_wait3A_1466 = arith.constant 0 : i32
          %dma_wait3A_1467 = tpu.memref_slice %arg8[%dma_wait3A_1465, %dma_wait3A_1466] : memref<53248x128xf32, #tpu.memory_space<hbm>> -> memref<52x64xf32, #tpu.memory_space<hbm>>
          %dma_wait3A_1468 = arith.constant 0 : i32
          %dma_wait3A_1469 = arith.constant 0 : i32
          %dma_wait3A_1470 = tpu.memref_slice %arg12[%dma_wait3A_1457, %dma_wait3A_1468, %dma_wait3A_1469] : memref<4x104x64xf32, #tpu.memory_space<vmem>> -> memref<1x52x64xf32, #tpu.memory_space<vmem>>
          %dma_wait3A_1471 = tpu.memref_squeeze %dma_wait3A_1470 : memref<1x52x64xf32, #tpu.memory_space<vmem>> -> memref<52x64xf32, #tpu.memory_space<vmem>>
          tpu.wait_dma2 semaphore(%arg21 : memref<!tpu.dma_semaphore, #tpu.memory_space<semaphore_mem>>) src(%dma_wait3A_1471 : memref<52x64xf32, #tpu.memory_space<vmem>>) dst(%dma_wait3A_1467 : memref<52x64xf32, #tpu.memory_space<hbm>>)
          %dma_wait3A_1472 = arith.constant 1 : i32
          %dma_wait3A_1473 = arith.constant 52 : i32
          %dma_wait3A_1474 = arith.constant 0 : i32
          %dma_wait3A_1475 = tpu.memref_slice %arg12[%dma_wait3A_1472, %dma_wait3A_1473, %dma_wait3A_1474] : memref<4x104x64xf32, #tpu.memory_space<vmem>> -> memref<1x52x64xf32, #tpu.memory_space<vmem>>
          %dma_wait3A_1476 = tpu.memref_squeeze %dma_wait3A_1475 : memref<1x52x64xf32, #tpu.memory_space<vmem>> -> memref<52x64xf32, #tpu.memory_space<vmem>>
          %dma_wait3A_1477 = arith.constant 0 : i32
          %dma_wait3A_1478 = arith.constant 64 : i32
          %dma_wait3A_1479 = tpu.memref_slice %arg8[%dma_wait3A_1477, %dma_wait3A_1478] : memref<53248x128xf32, #tpu.memory_space<hbm>> -> memref<52x64xf32, #tpu.memory_space<hbm>>
          %dma_wait3A_1480 = arith.constant 0 : i32
          %dma_wait3A_1481 = arith.constant 64 : i32
          %dma_wait3A_1482 = tpu.memref_slice %arg8[%dma_wait3A_1480, %dma_wait3A_1481] : memref<53248x128xf32, #tpu.memory_space<hbm>> -> memref<52x64xf32, #tpu.memory_space<hbm>>
          %dma_wait3A_1483 = arith.constant 52 : i32
          %dma_wait3A_1484 = arith.constant 0 : i32
          %dma_wait3A_1485 = tpu.memref_slice %arg12[%dma_wait3A_1472, %dma_wait3A_1483, %dma_wait3A_1484] : memref<4x104x64xf32, #tpu.memory_space<vmem>> -> memref<1x52x64xf32, #tpu.memory_space<vmem>>
          %dma_wait3A_1486 = tpu.memref_squeeze %dma_wait3A_1485 : memref<1x52x64xf32, #tpu.memory_space<vmem>> -> memref<52x64xf32, #tpu.memory_space<vmem>>
          tpu.wait_dma2 semaphore(%arg21 : memref<!tpu.dma_semaphore, #tpu.memory_space<semaphore_mem>>) src(%dma_wait3A_1486 : memref<52x64xf32, #tpu.memory_space<vmem>>) dst(%dma_wait3A_1482 : memref<52x64xf32, #tpu.memory_space<hbm>>)
        } else {
        }
        %add3A_1431 = arith.constant 2 : i32
        %add3A_1432 = arith.addi %add3A_1300, %add3A_1431 : i32
        %mul3A_1433 = arith.constant 112 : i32
        %mul3A_1434 = arith.muli %add3A_1432, %mul3A_1433 : i32
        %dma_start3A_1435 = arith.constant 1 : i32
        %dma_start3A_1436 = arith.constant 0 : i32
        %dma_start3A_1437 = arith.constant 0 : i32
        %dma_start3A_1438 = tpu.memref_slice %arg12[%dma_start3A_1435, %dma_start3A_1436, %dma_start3A_1437] : memref<4x104x64xf32, #tpu.memory_space<vmem>> -> memref<1x50x64xf32, #tpu.memory_space<vmem>>
        %dma_start3A_1439 = tpu.memref_squeeze %dma_start3A_1438 : memref<1x50x64xf32, #tpu.memory_space<vmem>> -> memref<50x64xf32, #tpu.memory_space<vmem>>
        %dma_start3A_1440 = tpu.memref_slice %arg10[%mul3A_1434] : memref<3584xi32, #tpu.memory_space<vmem>> -> memref<50xi32, #tpu.memory_space<vmem>>
        %dma_start3A_1441 = arith.constant 0 : i32
        %dma_start3A_1442 = arith.constant 0 : i32
        %dma_start3A_1443 = tpu.memref_slice %arg4[%dma_start3A_1441, %dma_start3A_1442] : memref<100000x64xf32, #tpu.memory_space<hbm>> -> memref<100000x64xf32, #tpu.memory_space<hbm>>
        tpu.enqueue_indirect_dma source(%dma_start3A_1443 : memref<100000x64xf32, #tpu.memory_space<hbm>>) target(%dma_start3A_1439 : memref<50x64xf32, #tpu.memory_space<vmem>>) offsets(%dma_start3A_1440 : memref<50xi32, #tpu.memory_space<vmem>>) semaphore(%arg17 : memref<!tpu.dma_semaphore, #tpu.memory_space<semaphore_mem>>)
        %mul3A_1444 = arith.constant 112 : i32
        %mul3A_1445 = arith.muli %add3A_1432, %mul3A_1444 : i32
        %add3A_1446 = arith.constant 56 : i32
        %add3A_1447 = arith.addi %mul3A_1445, %add3A_1446 : i32
        %dma_start3A_1448 = arith.constant 1 : i32
        %dma_start3A_1449 = arith.constant 50 : i32
        %dma_start3A_1450 = arith.constant 0 : i32
        %dma_start3A_1451 = tpu.memref_slice %arg12[%dma_start3A_1448, %dma_start3A_1449, %dma_start3A_1450] : memref<4x104x64xf32, #tpu.memory_space<vmem>> -> memref<1x50x64xf32, #tpu.memory_space<vmem>>
        %dma_start3A_1452 = tpu.memref_squeeze %dma_start3A_1451 : memref<1x50x64xf32, #tpu.memory_space<vmem>> -> memref<50x64xf32, #tpu.memory_space<vmem>>
        %dma_start3A_1453 = tpu.memref_slice %arg10[%add3A_1447] : memref<3584xi32, #tpu.memory_space<vmem>> -> memref<50xi32, #tpu.memory_space<vmem>>
        %dma_start3A_1454 = arith.constant 0 : i32
        %dma_start3A_1455 = arith.constant 0 : i32
        %dma_start3A_1456 = tpu.memref_slice %arg5[%dma_start3A_1454, %dma_start3A_1455] : memref<100000x64xf32, #tpu.memory_space<hbm>> -> memref<100000x64xf32, #tpu.memory_space<hbm>>
        tpu.enqueue_indirect_dma source(%dma_start3A_1456 : memref<100000x64xf32, #tpu.memory_space<hbm>>) target(%dma_start3A_1452 : memref<50x64xf32, #tpu.memory_space<vmem>>) offsets(%dma_start3A_1453 : memref<50xi32, #tpu.memory_space<vmem>>) semaphore(%arg17 : memref<!tpu.dma_semaphore, #tpu.memory_space<semaphore_mem>>)
      } else {
      }
      %dma_wait3A_1306 = arith.constant 3 : i32
      %dma_wait3A_1307 = arith.constant 0 : i32
      %dma_wait3A_1308 = arith.constant 0 : i32
      %dma_wait3A_1309 = tpu.memref_slice %arg12[%dma_wait3A_1306, %dma_wait3A_1307, %dma_wait3A_1308] : memref<4x104x64xf32, #tpu.memory_space<vmem>> -> memref<1x50x64xf32, #tpu.memory_space<vmem>>
      %dma_wait3A_1310 = tpu.memref_squeeze %dma_wait3A_1309 : memref<1x50x64xf32, #tpu.memory_space<vmem>> -> memref<50x64xf32, #tpu.memory_space<vmem>>
      %dma_wait3A_1311 = arith.constant 0 : i32
      %dma_wait3A_1312 = tpu.memref_slice %arg10[%dma_wait3A_1311] : memref<3584xi32, #tpu.memory_space<vmem>> -> memref<50xi32, #tpu.memory_space<vmem>>
      %dma_wait3A_1313 = arith.constant 0 : i32
      %dma_wait3A_1314 = arith.constant 0 : i32
      %dma_wait3A_1315 = tpu.memref_slice %arg4[%dma_wait3A_1313, %dma_wait3A_1314] : memref<100000x64xf32, #tpu.memory_space<hbm>> -> memref<100000x64xf32, #tpu.memory_space<hbm>>
      tpu.wait_indirect_dma semaphore(%arg19 : memref<!tpu.dma_semaphore, #tpu.memory_space<semaphore_mem>>) src(%dma_wait3A_1315 : memref<100000x64xf32, #tpu.memory_space<hbm>>) dst(%dma_wait3A_1310 : memref<50x64xf32, #tpu.memory_space<vmem>>)
      %dma_wait3A_1316 = arith.constant 3 : i32
      %dma_wait3A_1317 = arith.constant 50 : i32
      %dma_wait3A_1318 = arith.constant 0 : i32
      %dma_wait3A_1319 = tpu.memref_slice %arg12[%dma_wait3A_1316, %dma_wait3A_1317, %dma_wait3A_1318] : memref<4x104x64xf32, #tpu.memory_space<vmem>> -> memref<1x50x64xf32, #tpu.memory_space<vmem>>
      %dma_wait3A_1320 = tpu.memref_squeeze %dma_wait3A_1319 : memref<1x50x64xf32, #tpu.memory_space<vmem>> -> memref<50x64xf32, #tpu.memory_space<vmem>>
      %dma_wait3A_1321 = arith.constant 0 : i32
      %dma_wait3A_1322 = tpu.memref_slice %arg10[%dma_wait3A_1321] : memref<3584xi32, #tpu.memory_space<vmem>> -> memref<50xi32, #tpu.memory_space<vmem>>
      %dma_wait3A_1323 = arith.constant 0 : i32
      %dma_wait3A_1324 = arith.constant 0 : i32
      %dma_wait3A_1325 = tpu.memref_slice %arg5[%dma_wait3A_1323, %dma_wait3A_1324] : memref<100000x64xf32, #tpu.memory_space<hbm>> -> memref<100000x64xf32, #tpu.memory_space<hbm>>
      tpu.wait_indirect_dma semaphore(%arg19 : memref<!tpu.dma_semaphore, #tpu.memory_space<semaphore_mem>>) src(%dma_wait3A_1325 : memref<100000x64xf32, #tpu.memory_space<hbm>>) dst(%dma_wait3A_1320 : memref<50x64xf32, #tpu.memory_space<vmem>>)
      %mul3A_1326 = arith.constant 56 : i32
      %mul3A_1327 = arith.muli %add3A_1300, %mul3A_1326 : i32
      %add3A_1328 = arith.constant 0 : i32
      %add3A_1329 = arith.addi %mul3A_1327, %add3A_1328 : i32
      %get3A_1330 = arith.index_cast %add3A_1329 : i32 to index
      %get3A_1331 = tpu.vector_load %arg11[%get3A_1330] {strides = array<i32>} : memref<1808xi32, #tpu.memory_space<vmem>>, vector<16xi32>,
      %and3A_1332 = arith.constant 15 : i32
      %and3A_1333 = vector.broadcast %and3A_1332 : i32 to vector<16xi32>
      %and3A_1334 = arith.andi %get3A_1331, %and3A_1333 : vector<16xi32>
      %gather3A_1335 = tpu.vector_load_idx %arg14[%and3A_1334] : memref<16xf32, #tpu.memory_space<vmem>>[vector<16xi32>], vector<16xf32>,
      %swap3A_1336 = arith.index_cast %add3A_1300 : i32 to index
      %swap3A_1337 = arith.constant 0 : index
      %swap3A_1338 = tpu.vector_load %arg13[%swap3A_1336, %swap3A_1337] {strides = array<i32>} : memref<32x128xf32, #tpu.memory_space<vmem>>, vector<16xf32>,
      tpu.vector_store %arg13[%swap3A_1336, %swap3A_1337], %gather3A_1335 {strides = array<i32>} : memref<32x128xf32, #tpu.memory_space<vmem>>, vector<16xf32>,
      %mul3A_1339 = arith.constant 56 : i32
      %mul3A_1340 = arith.muli %add3A_1300, %mul3A_1339 : i32
      %add3A_1341 = arith.constant 16 : i32
      %add3A_1342 = arith.addi %mul3A_1340, %add3A_1341 : i32
      %get3A_1343 = arith.index_cast %add3A_1342 : i32 to index
      %get3A_1344 = tpu.vector_load %arg11[%get3A_1343] {strides = array<i32>} : memref<1808xi32, #tpu.memory_space<vmem>>, vector<16xi32>,
      %and3A_1345 = arith.constant 15 : i32
      %and3A_1346 = vector.broadcast %and3A_1345 : i32 to vector<16xi32>
      %and3A_1347 = arith.andi %get3A_1344, %and3A_1346 : vector<16xi32>
      %gather3A_1348 = tpu.vector_load_idx %arg14[%and3A_1347] : memref<16xf32, #tpu.memory_space<vmem>>[vector<16xi32>], vector<16xf32>,
      %swap3A_1349 = arith.index_cast %add3A_1300 : i32 to index
      %swap3A_1350 = arith.constant 16 : index
      %swap3A_1351 = tpu.vector_load %arg13[%swap3A_1349, %swap3A_1350] {strides = array<i32>} : memref<32x128xf32, #tpu.memory_space<vmem>>, vector<16xf32>,
      tpu.vector_store %arg13[%swap3A_1349, %swap3A_1350], %gather3A_1348 {strides = array<i32>} : memref<32x128xf32, #tpu.memory_space<vmem>>, vector<16xf32>,
      %mul3A_1352 = arith.constant 56 : i32
      %mul3A_1353 = arith.muli %add3A_1300, %mul3A_1352 : i32
      %add3A_1354 = arith.constant 32 : i32
      %add3A_1355 = arith.addi %mul3A_1353, %add3A_1354 : i32
      %get3A_1356 = arith.index_cast %add3A_1355 : i32 to index
      %get3A_1357 = tpu.vector_load %arg11[%get3A_1356] {strides = array<i32>} : memref<1808xi32, #tpu.memory_space<vmem>>, vector<16xi32>,
      %and3A_1358 = arith.constant 15 : i32
      %and3A_1359 = vector.broadcast %and3A_1358 : i32 to vector<16xi32>
      %and3A_1360 = arith.andi %get3A_1357, %and3A_1359 : vector<16xi32>
      %gather3A_1361 = tpu.vector_load_idx %arg14[%and3A_1360] : memref<16xf32, #tpu.memory_space<vmem>>[vector<16xi32>], vector<16xf32>,
      %swap3A_1362 = arith.index_cast %add3A_1300 : i32 to index
      %swap3A_1363 = arith.constant 32 : index
      %swap3A_1364 = tpu.vector_load %arg13[%swap3A_1362, %swap3A_1363] {strides = array<i32>} : memref<32x128xf32, #tpu.memory_space<vmem>>, vector<16xf32>,
      tpu.vector_store %arg13[%swap3A_1362, %swap3A_1363], %gather3A_1361 {strides = array<i32>} : memref<32x128xf32, #tpu.memory_space<vmem>>, vector<16xf32>,
      %mul3A_1365 = arith.constant 56 : i32
      %mul3A_1366 = arith.muli %add3A_1300, %mul3A_1365 : i32
      %add3A_1367 = arith.constant 48 : i32
      %add3A_1368 = arith.addi %mul3A_1366, %add3A_1367 : i32
      %get3A_1369 = arith.index_cast %add3A_1368 : i32 to index
      %get3A_1370 = tpu.vector_load %arg11[%get3A_1369] {strides = array<i32>} : memref<1808xi32, #tpu.memory_space<vmem>>, vector<16xi32>,
      %and3A_1371 = arith.constant 15 : i32
      %and3A_1372 = vector.broadcast %and3A_1371 : i32 to vector<16xi32>
      %and3A_1373 = arith.andi %get3A_1370, %and3A_1372 : vector<16xi32>
      %gather3A_1374 = tpu.vector_load_idx %arg14[%and3A_1373] : memref<16xf32, #tpu.memory_space<vmem>>[vector<16xi32>], vector<16xf32>,
      %lt3A_1375 = arith.constant 2 : i32
      %lt3A_1376 = vector.broadcast %lt3A_1375 : i32 to vector<16xi32>
      %lt3A_1377 = arith.cmpi slt, %iota3A, %lt3A_1376 : vector<16xi32>
      %lt3A_1378 = arith.constant 4 : i32
      %lt3A_1379 = vector.broadcast %lt3A_1378 : i32 to vector<16xi32>
      %lt3A_1380 = arith.cmpi slt, %iota3A, %lt3A_1379 : vector<16xi32>
      %select_n3A_1381 = arith.select %lt3A_1380, %broadcast_in_dim3A_745, %broadcast_in_dim3A_747 : vector<16xi1>, vector<16xf32>
      %select_n3A_1382 = arith.select %lt3A_1377, %gather3A_1374, %select_n3A_1381 : vector<16xi1>, vector<16xf32>
      %swap3A_1383 = arith.index_cast %add3A_1300 : i32 to index
      %swap3A_1384 = arith.constant 48 : index
      %swap3A_1385 = tpu.vector_load %arg13[%swap3A_1383, %swap3A_1384] {strides = array<i32>} : memref<32x128xf32, #tpu.memory_space<vmem>>, vector<16xf32>,
      tpu.vector_store %arg13[%swap3A_1383, %swap3A_1384], %select_n3A_1382 {strides = array<i32>} : memref<32x128xf32, #tpu.memory_space<vmem>>, vector<16xf32>,
      %swap3A_1386 = arith.index_cast %add3A_1300 : i32 to index
      %swap3A_1387 = arith.constant 64 : index
      %swap3A_1388 = tpu.vector_load %arg13[%swap3A_1386, %swap3A_1387] {strides = array<i32>} : memref<32x128xf32, #tpu.memory_space<vmem>>, vector<16xf32>,
      tpu.vector_store %arg13[%swap3A_1386, %swap3A_1387], %broadcast_in_dim3A_745 {strides = array<i32>} : memref<32x128xf32, #tpu.memory_space<vmem>>, vector<16xf32>,
      %swap3A_1389 = arith.index_cast %add3A_1300 : i32 to index
      %swap3A_1390 = arith.constant 80 : index
      %swap3A_1391 = tpu.vector_load %arg13[%swap3A_1389, %swap3A_1390] {strides = array<i32>} : memref<32x128xf32, #tpu.memory_space<vmem>>, vector<16xf32>,
      tpu.vector_store %arg13[%swap3A_1389, %swap3A_1390], %broadcast_in_dim3A_745 {strides = array<i32>} : memref<32x128xf32, #tpu.memory_space<vmem>>, vector<16xf32>,
      %swap3A_1392 = arith.index_cast %add3A_1300 : i32 to index
      %swap3A_1393 = arith.constant 96 : index
      %swap3A_1394 = tpu.vector_load %arg13[%swap3A_1392, %swap3A_1393] {strides = array<i32>} : memref<32x128xf32, #tpu.memory_space<vmem>>, vector<16xf32>,
      tpu.vector_store %arg13[%swap3A_1392, %swap3A_1393], %broadcast_in_dim3A_745 {strides = array<i32>} : memref<32x128xf32, #tpu.memory_space<vmem>>, vector<16xf32>,
      %swap3A_1395 = arith.index_cast %add3A_1300 : i32 to index
      %swap3A_1396 = arith.constant 112 : index
      %swap3A_1397 = tpu.vector_load %arg13[%swap3A_1395, %swap3A_1396] {strides = array<i32>} : memref<32x128xf32, #tpu.memory_space<vmem>>, vector<16xf32>,
      tpu.vector_store %arg13[%swap3A_1395, %swap3A_1396], %broadcast_in_dim3A_747 {strides = array<i32>} : memref<32x128xf32, #tpu.memory_space<vmem>>, vector<16xf32>,
      %add3A_1398 = arith.addi %mul3A_2, %add3A_1300 : i32
      %mul3A_1399 = arith.constant 52 : i32
      %mul3A_1400 = arith.muli %add3A_1398, %mul3A_1399 : i32
      %dma_start3A_1401 = arith.constant 3 : i32
      %dma_start3A_1402 = arith.constant 0 : i32
      %dma_start3A_1403 = arith.constant 0 : i32
      %dma_start3A_1404 = tpu.memref_slice %arg12[%dma_start3A_1401, %dma_start3A_1402, %dma_start3A_1403] : memref<4x104x64xf32, #tpu.memory_space<vmem>> -> memref<1x52x64xf32, #tpu.memory_space<vmem>>
      %dma_start3A_1405 = tpu.memref_squeeze %dma_start3A_1404 : memref<1x52x64xf32, #tpu.memory_space<vmem>> -> memref<52x64xf32, #tpu.memory_space<vmem>>
      %dma_start3A_1406 = arith.constant 0 : i32
      %dma_start3A_1407 = tpu.memref_slice %arg8[%mul3A_1400, %dma_start3A_1406] : memref<53248x128xf32, #tpu.memory_space<hbm>> -> memref<52x64xf32, #tpu.memory_space<hbm>>
      %dma_start3A_1408 = arith.constant 0 : i32
      %dma_start3A_1409 = tpu.memref_slice %arg8[%mul3A_1400, %dma_start3A_1408] : memref<53248x128xf32, #tpu.memory_space<hbm>> -> memref<52x64xf32, #tpu.memory_space<hbm>>
      %dma_start3A_1410 = arith.constant 0 : i32
      %dma_start3A_1411 = arith.constant 0 : i32
      %dma_start3A_1412 = tpu.memref_slice %arg12[%dma_start3A_1401, %dma_start3A_1410, %dma_start3A_1411] : memref<4x104x64xf32, #tpu.memory_space<vmem>> -> memref<1x52x64xf32, #tpu.memory_space<vmem>>
      %dma_start3A_1413 = tpu.memref_squeeze %dma_start3A_1412 : memref<1x52x64xf32, #tpu.memory_space<vmem>> -> memref<52x64xf32, #tpu.memory_space<vmem>>
      tpu.enqueue_dma source(%dma_start3A_1413 : memref<52x64xf32, #tpu.memory_space<vmem>>) target(%dma_start3A_1409 : memref<52x64xf32, #tpu.memory_space<hbm>>) target_semaphore(%arg23 : memref<!tpu.dma_semaphore, #tpu.memory_space<semaphore_mem>>)
      %dma_start3A_1414 = arith.constant 3 : i32
      %dma_start3A_1415 = arith.constant 52 : i32
      %dma_start3A_1416 = arith.constant 0 : i32
      %dma_start3A_1417 = tpu.memref_slice %arg12[%dma_start3A_1414, %dma_start3A_1415, %dma_start3A_1416] : memref<4x104x64xf32, #tpu.memory_space<vmem>> -> memref<1x52x64xf32, #tpu.memory_space<vmem>>
      %dma_start3A_1418 = tpu.memref_squeeze %dma_start3A_1417 : memref<1x52x64xf32, #tpu.memory_space<vmem>> -> memref<52x64xf32, #tpu.memory_space<vmem>>
      %dma_start3A_1419 = arith.constant 64 : i32
      %dma_start3A_1420 = tpu.memref_slice %arg8[%mul3A_1400, %dma_start3A_1419] : memref<53248x128xf32, #tpu.memory_space<hbm>> -> memref<52x64xf32, #tpu.memory_space<hbm>>
      %dma_start3A_1421 = arith.constant 64 : i32
      %dma_start3A_1422 = tpu.memref_slice %arg8[%mul3A_1400, %dma_start3A_1421] : memref<53248x128xf32, #tpu.memory_space<hbm>> -> memref<52x64xf32, #tpu.memory_space<hbm>>
      %dma_start3A_1423 = arith.constant 52 : i32
      %dma_start3A_1424 = arith.constant 0 : i32
      %dma_start3A_1425 = tpu.memref_slice %arg12[%dma_start3A_1414, %dma_start3A_1423, %dma_start3A_1424] : memref<4x104x64xf32, #tpu.memory_space<vmem>> -> memref<1x52x64xf32, #tpu.memory_space<vmem>>
      %dma_start3A_1426 = tpu.memref_squeeze %dma_start3A_1425 : memref<1x52x64xf32, #tpu.memory_space<vmem>> -> memref<52x64xf32, #tpu.memory_space<vmem>>
      tpu.enqueue_dma source(%dma_start3A_1426 : memref<52x64xf32, #tpu.memory_space<vmem>>) target(%dma_start3A_1422 : memref<52x64xf32, #tpu.memory_space<hbm>>) target_semaphore(%arg23 : memref<!tpu.dma_semaphore, #tpu.memory_space<semaphore_mem>>)
    }
    %scan3A_791 = arith.constant 8 : i32
    %dma_wait3A = arith.constant 0 : i32
    %dma_wait3A_792 = arith.constant 0 : i32
    %dma_wait3A_793 = arith.constant 0 : i32
    %dma_wait3A_794 = tpu.memref_slice %arg12[%dma_wait3A, %dma_wait3A_792, %dma_wait3A_793] : memref<4x104x64xf32, #tpu.memory_space<vmem>> -> memref<1x52x64xf32, #tpu.memory_space<vmem>>
    %dma_wait3A_795 = tpu.memref_squeeze %dma_wait3A_794 : memref<1x52x64xf32, #tpu.memory_space<vmem>> -> memref<52x64xf32, #tpu.memory_space<vmem>>
    %dma_wait3A_796 = arith.constant 0 : i32
    %dma_wait3A_797 = arith.constant 0 : i32
    %dma_wait3A_798 = tpu.memref_slice %arg8[%dma_wait3A_796, %dma_wait3A_797] : memref<53248x128xf32, #tpu.memory_space<hbm>> -> memref<52x64xf32, #tpu.memory_space<hbm>>
    %dma_wait3A_799 = arith.constant 0 : i32
    %dma_wait3A_800 = arith.constant 0 : i32
    %dma_wait3A_801 = tpu.memref_slice %arg8[%dma_wait3A_799, %dma_wait3A_800] : memref<53248x128xf32, #tpu.memory_space<hbm>> -> memref<52x64xf32, #tpu.memory_space<hbm>>
    %dma_wait3A_802 = arith.constant 0 : i32
    %dma_wait3A_803 = arith.constant 0 : i32
    %dma_wait3A_804 = tpu.memref_slice %arg12[%dma_wait3A, %dma_wait3A_802, %dma_wait3A_803] : memref<4x104x64xf32, #tpu.memory_space<vmem>> -> memref<1x52x64xf32, #tpu.memory_space<vmem>>
    %dma_wait3A_805 = tpu.memref_squeeze %dma_wait3A_804 : memref<1x52x64xf32, #tpu.memory_space<vmem>> -> memref<52x64xf32, #tpu.memory_space<vmem>>
    tpu.wait_dma2 semaphore(%arg20 : memref<!tpu.dma_semaphore, #tpu.memory_space<semaphore_mem>>) src(%dma_wait3A_805 : memref<52x64xf32, #tpu.memory_space<vmem>>) dst(%dma_wait3A_801 : memref<52x64xf32, #tpu.memory_space<hbm>>)
    %dma_wait3A_806 = arith.constant 0 : i32
    %dma_wait3A_807 = arith.constant 52 : i32
    %dma_wait3A_808 = arith.constant 0 : i32
    %dma_wait3A_809 = tpu.memref_slice %arg12[%dma_wait3A_806, %dma_wait3A_807, %dma_wait3A_808] : memref<4x104x64xf32, #tpu.memory_space<vmem>> -> memref<1x52x64xf32, #tpu.memory_space<vmem>>
    %dma_wait3A_810 = tpu.memref_squeeze %dma_wait3A_809 : memref<1x52x64xf32, #tpu.memory_space<vmem>> -> memref<52x64xf32, #tpu.memory_space<vmem>>
    %dma_wait3A_811 = arith.constant 0 : i32
    %dma_wait3A_812 = arith.constant 64 : i32
    %dma_wait3A_813 = tpu.memref_slice %arg8[%dma_wait3A_811, %dma_wait3A_812] : memref<53248x128xf32, #tpu.memory_space<hbm>> -> memref<52x64xf32, #tpu.memory_space<hbm>>
    %dma_wait3A_814 = arith.constant 0 : i32
    %dma_wait3A_815 = arith.constant 64 : i32
    %dma_wait3A_816 = tpu.memref_slice %arg8[%dma_wait3A_814, %dma_wait3A_815] : memref<53248x128xf32, #tpu.memory_space<hbm>> -> memref<52x64xf32, #tpu.memory_space<hbm>>
    %dma_wait3A_817 = arith.constant 52 : i32
    %dma_wait3A_818 = arith.constant 0 : i32
    %dma_wait3A_819 = tpu.memref_slice %arg12[%dma_wait3A_806, %dma_wait3A_817, %dma_wait3A_818] : memref<4x104x64xf32, #tpu.memory_space<vmem>> -> memref<1x52x64xf32, #tpu.memory_space<vmem>>
    %dma_wait3A_820 = tpu.memref_squeeze %dma_wait3A_819 : memref<1x52x64xf32, #tpu.memory_space<vmem>> -> memref<52x64xf32, #tpu.memory_space<vmem>>
    tpu.wait_dma2 semaphore(%arg20 : memref<!tpu.dma_semaphore, #tpu.memory_space<semaphore_mem>>) src(%dma_wait3A_820 : memref<52x64xf32, #tpu.memory_space<vmem>>) dst(%dma_wait3A_816 : memref<52x64xf32, #tpu.memory_space<hbm>>)
    %dma_wait3A_821 = arith.constant 1 : i32
    %dma_wait3A_822 = arith.constant 0 : i32
    %dma_wait3A_823 = arith.constant 0 : i32
    %dma_wait3A_824 = tpu.memref_slice %arg12[%dma_wait3A_821, %dma_wait3A_822, %dma_wait3A_823] : memref<4x104x64xf32, #tpu.memory_space<vmem>> -> memref<1x52x64xf32, #tpu.memory_space<vmem>>
    %dma_wait3A_825 = tpu.memref_squeeze %dma_wait3A_824 : memref<1x52x64xf32, #tpu.memory_space<vmem>> -> memref<52x64xf32, #tpu.memory_space<vmem>>
    %dma_wait3A_826 = arith.constant 0 : i32
    %dma_wait3A_827 = arith.constant 0 : i32
    %dma_wait3A_828 = tpu.memref_slice %arg8[%dma_wait3A_826, %dma_wait3A_827] : memref<53248x128xf32, #tpu.memory_space<hbm>> -> memref<52x64xf32, #tpu.memory_space<hbm>>
    %dma_wait3A_829 = arith.constant 0 : i32
    %dma_wait3A_830 = arith.constant 0 : i32
    %dma_wait3A_831 = tpu.memref_slice %arg8[%dma_wait3A_829, %dma_wait3A_830] : memref<53248x128xf32, #tpu.memory_space<hbm>> -> memref<52x64xf32, #tpu.memory_space<hbm>>
    %dma_wait3A_832 = arith.constant 0 : i32
    %dma_wait3A_833 = arith.constant 0 : i32
    %dma_wait3A_834 = tpu.memref_slice %arg12[%dma_wait3A_821, %dma_wait3A_832, %dma_wait3A_833] : memref<4x104x64xf32, #tpu.memory_space<vmem>> -> memref<1x52x64xf32, #tpu.memory_space<vmem>>
    %dma_wait3A_835 = tpu.memref_squeeze %dma_wait3A_834 : memref<1x52x64xf32, #tpu.memory_space<vmem>> -> memref<52x64xf32, #tpu.memory_space<vmem>>
    tpu.wait_dma2 semaphore(%arg21 : memref<!tpu.dma_semaphore, #tpu.memory_space<semaphore_mem>>) src(%dma_wait3A_835 : memref<52x64xf32, #tpu.memory_space<vmem>>) dst(%dma_wait3A_831 : memref<52x64xf32, #tpu.memory_space<hbm>>)
    %dma_wait3A_836 = arith.constant 1 : i32
    %dma_wait3A_837 = arith.constant 52 : i32
    %dma_wait3A_838 = arith.constant 0 : i32
    %dma_wait3A_839 = tpu.memref_slice %arg12[%dma_wait3A_836, %dma_wait3A_837, %dma_wait3A_838] : memref<4x104x64xf32, #tpu.memory_space<vmem>> -> memref<1x52x64xf32, #tpu.memory_space<vmem>>
    %dma_wait3A_840 = tpu.memref_squeeze %dma_wait3A_839 : memref<1x52x64xf32, #tpu.memory_space<vmem>> -> memref<52x64xf32, #tpu.memory_space<vmem>>
    %dma_wait3A_841 = arith.constant 0 : i32
    %dma_wait3A_842 = arith.constant 64 : i32
    %dma_wait3A_843 = tpu.memref_slice %arg8[%dma_wait3A_841, %dma_wait3A_842] : memref<53248x128xf32, #tpu.memory_space<hbm>> -> memref<52x64xf32, #tpu.memory_space<hbm>>
    %dma_wait3A_844 = arith.constant 0 : i32
    %dma_wait3A_845 = arith.constant 64 : i32
    %dma_wait3A_846 = tpu.memref_slice %arg8[%dma_wait3A_844, %dma_wait3A_845] : memref<53248x128xf32, #tpu.memory_space<hbm>> -> memref<52x64xf32, #tpu.memory_space<hbm>>
    %dma_wait3A_847 = arith.constant 52 : i32
    %dma_wait3A_848 = arith.constant 0 : i32
    %dma_wait3A_849 = tpu.memref_slice %arg12[%dma_wait3A_836, %dma_wait3A_847, %dma_wait3A_848] : memref<4x104x64xf32, #tpu.memory_space<vmem>> -> memref<1x52x64xf32, #tpu.memory_space<vmem>>
    %dma_wait3A_850 = tpu.memref_squeeze %dma_wait3A_849 : memref<1x52x64xf32, #tpu.memory_space<vmem>> -> memref<52x64xf32, #tpu.memory_space<vmem>>
    tpu.wait_dma2 semaphore(%arg21 : memref<!tpu.dma_semaphore, #tpu.memory_space<semaphore_mem>>) src(%dma_wait3A_850 : memref<52x64xf32, #tpu.memory_space<vmem>>) dst(%dma_wait3A_846 : memref<52x64xf32, #tpu.memory_space<hbm>>)
    %dma_wait3A_851 = arith.constant 2 : i32
    %dma_wait3A_852 = arith.constant 0 : i32
    %dma_wait3A_853 = arith.constant 0 : i32
    %dma_wait3A_854 = tpu.memref_slice %arg12[%dma_wait3A_851, %dma_wait3A_852, %dma_wait3A_853] : memref<4x104x64xf32, #tpu.memory_space<vmem>> -> memref<1x52x64xf32, #tpu.memory_space<vmem>>
    %dma_wait3A_855 = tpu.memref_squeeze %dma_wait3A_854 : memref<1x52x64xf32, #tpu.memory_space<vmem>> -> memref<52x64xf32, #tpu.memory_space<vmem>>
    %dma_wait3A_856 = arith.constant 0 : i32
    %dma_wait3A_857 = arith.constant 0 : i32
    %dma_wait3A_858 = tpu.memref_slice %arg8[%dma_wait3A_856, %dma_wait3A_857] : memref<53248x128xf32, #tpu.memory_space<hbm>> -> memref<52x64xf32, #tpu.memory_space<hbm>>
    %dma_wait3A_859 = arith.constant 0 : i32
    %dma_wait3A_860 = arith.constant 0 : i32
    %dma_wait3A_861 = tpu.memref_slice %arg8[%dma_wait3A_859, %dma_wait3A_860] : memref<53248x128xf32, #tpu.memory_space<hbm>> -> memref<52x64xf32, #tpu.memory_space<hbm>>
    %dma_wait3A_862 = arith.constant 0 : i32
    %dma_wait3A_863 = arith.constant 0 : i32
    %dma_wait3A_864 = tpu.memref_slice %arg12[%dma_wait3A_851, %dma_wait3A_862, %dma_wait3A_863] : memref<4x104x64xf32, #tpu.memory_space<vmem>> -> memref<1x52x64xf32, #tpu.memory_space<vmem>>
    %dma_wait3A_865 = tpu.memref_squeeze %dma_wait3A_864 : memref<1x52x64xf32, #tpu.memory_space<vmem>> -> memref<52x64xf32, #tpu.memory_space<vmem>>
    tpu.wait_dma2 semaphore(%arg22 : memref<!tpu.dma_semaphore, #tpu.memory_space<semaphore_mem>>) src(%dma_wait3A_865 : memref<52x64xf32, #tpu.memory_space<vmem>>) dst(%dma_wait3A_861 : memref<52x64xf32, #tpu.memory_space<hbm>>)
    %dma_wait3A_866 = arith.constant 2 : i32
    %dma_wait3A_867 = arith.constant 52 : i32
    %dma_wait3A_868 = arith.constant 0 : i32
    %dma_wait3A_869 = tpu.memref_slice %arg12[%dma_wait3A_866, %dma_wait3A_867, %dma_wait3A_868] : memref<4x104x64xf32, #tpu.memory_space<vmem>> -> memref<1x52x64xf32, #tpu.memory_space<vmem>>
    %dma_wait3A_870 = tpu.memref_squeeze %dma_wait3A_869 : memref<1x52x64xf32, #tpu.memory_space<vmem>> -> memref<52x64xf32, #tpu.memory_space<vmem>>
    %dma_wait3A_871 = arith.constant 0 : i32
    %dma_wait3A_872 = arith.constant 64 : i32
    %dma_wait3A_873 = tpu.memref_slice %arg8[%dma_wait3A_871, %dma_wait3A_872] : memref<53248x128xf32, #tpu.memory_space<hbm>> -> memref<52x64xf32, #tpu.memory_space<hbm>>
    %dma_wait3A_874 = arith.constant 0 : i32
    %dma_wait3A_875 = arith.constant 64 : i32
    %dma_wait3A_876 = tpu.memref_slice %arg8[%dma_wait3A_874, %dma_wait3A_875] : memref<53248x128xf32, #tpu.memory_space<hbm>> -> memref<52x64xf32, #tpu.memory_space<hbm>>
    %dma_wait3A_877 = arith.constant 52 : i32
    %dma_wait3A_878 = arith.constant 0 : i32
    %dma_wait3A_879 = tpu.memref_slice %arg12[%dma_wait3A_866, %dma_wait3A_877, %dma_wait3A_878] : memref<4x104x64xf32, #tpu.memory_space<vmem>> -> memref<1x52x64xf32, #tpu.memory_space<vmem>>
    %dma_wait3A_880 = tpu.memref_squeeze %dma_wait3A_879 : memref<1x52x64xf32, #tpu.memory_space<vmem>> -> memref<52x64xf32, #tpu.memory_space<vmem>>
    tpu.wait_dma2 semaphore(%arg22 : memref<!tpu.dma_semaphore, #tpu.memory_space<semaphore_mem>>) src(%dma_wait3A_880 : memref<52x64xf32, #tpu.memory_space<vmem>>) dst(%dma_wait3A_876 : memref<52x64xf32, #tpu.memory_space<hbm>>)
    %dma_wait3A_881 = arith.constant 3 : i32
    %dma_wait3A_882 = arith.constant 0 : i32
    %dma_wait3A_883 = arith.constant 0 : i32
    %dma_wait3A_884 = tpu.memref_slice %arg12[%dma_wait3A_881, %dma_wait3A_882, %dma_wait3A_883] : memref<4x104x64xf32, #tpu.memory_space<vmem>> -> memref<1x52x64xf32, #tpu.memory_space<vmem>>
    %dma_wait3A_885 = tpu.memref_squeeze %dma_wait3A_884 : memref<1x52x64xf32, #tpu.memory_space<vmem>> -> memref<52x64xf32, #tpu.memory_space<vmem>>
    %dma_wait3A_886 = arith.constant 0 : i32
    %dma_wait3A_887 = arith.constant 0 : i32
    %dma_wait3A_888 = tpu.memref_slice %arg8[%dma_wait3A_886, %dma_wait3A_887] : memref<53248x128xf32, #tpu.memory_space<hbm>> -> memref<52x64xf32, #tpu.memory_space<hbm>>
    %dma_wait3A_889 = arith.constant 0 : i32
    %dma_wait3A_890 = arith.constant 0 : i32
    %dma_wait3A_891 = tpu.memref_slice %arg8[%dma_wait3A_889, %dma_wait3A_890] : memref<53248x128xf32, #tpu.memory_space<hbm>> -> memref<52x64xf32, #tpu.memory_space<hbm>>
    %dma_wait3A_892 = arith.constant 0 : i32
    %dma_wait3A_893 = arith.constant 0 : i32
    %dma_wait3A_894 = tpu.memref_slice %arg12[%dma_wait3A_881, %dma_wait3A_892, %dma_wait3A_893] : memref<4x104x64xf32, #tpu.memory_space<vmem>> -> memref<1x52x64xf32, #tpu.memory_space<vmem>>
    %dma_wait3A_895 = tpu.memref_squeeze %dma_wait3A_894 : memref<1x52x64xf32, #tpu.memory_space<vmem>> -> memref<52x64xf32, #tpu.memory_space<vmem>>
    tpu.wait_dma2 semaphore(%arg23 : memref<!tpu.dma_semaphore, #tpu.memory_space<semaphore_mem>>) src(%dma_wait3A_895 : memref<52x64xf32, #tpu.memory_space<vmem>>) dst(%dma_wait3A_891 : memref<52x64xf32, #tpu.memory_space<hbm>>)
    %dma_wait3A_896 = arith.constant 3 : i32
    %dma_wait3A_897 = arith.constant 52 : i32
    %dma_wait3A_898 = arith.constant 0 : i32
    %dma_wait3A_899 = tpu.memref_slice %arg12[%dma_wait3A_896, %dma_wait3A_897, %dma_wait3A_898] : memref<4x104x64xf32, #tpu.memory_space<vmem>> -> memref<1x52x64xf32, #tpu.memory_space<vmem>>
    %dma_wait3A_900 = tpu.memref_squeeze %dma_wait3A_899 : memref<1x52x64xf32, #tpu.memory_space<vmem>> -> memref<52x64xf32, #tpu.memory_space<vmem>>
    %dma_wait3A_901 = arith.constant 0 : i32
    %dma_wait3A_902 = arith.constant 64 : i32
    %dma_wait3A_903 = tpu.memref_slice %arg8[%dma_wait3A_901, %dma_wait3A_902] : memref<53248x128xf32, #tpu.memory_space<hbm>> -> memref<52x64xf32, #tpu.memory_space<hbm>>
    %dma_wait3A_904 = arith.constant 0 : i32
    %dma_wait3A_905 = arith.constant 64 : i32
    %dma_wait3A_906 = tpu.memref_slice %arg8[%dma_wait3A_904, %dma_wait3A_905] : memref<53248x128xf32, #tpu.memory_space<hbm>> -> memref<52x64xf32, #tpu.memory_space<hbm>>
    %dma_wait3A_907 = arith.constant 52 : i32
    %dma_wait3A_908 = arith.constant 0 : i32
    %dma_wait3A_909 = tpu.memref_slice %arg12[%dma_wait3A_896, %dma_wait3A_907, %dma_wait3A_908] : memref<4x104x64xf32, #tpu.memory_space<vmem>> -> memref<1x52x64xf32, #tpu.memory_space<vmem>>
    %dma_wait3A_910 = tpu.memref_squeeze %dma_wait3A_909 : memref<1x52x64xf32, #tpu.memory_space<vmem>> -> memref<52x64xf32, #tpu.memory_space<vmem>>
    tpu.wait_dma2 semaphore(%arg23 : memref<!tpu.dma_semaphore, #tpu.memory_space<semaphore_mem>>) src(%dma_wait3A_910 : memref<52x64xf32, #tpu.memory_space<vmem>>) dst(%dma_wait3A_906 : memref<52x64xf32, #tpu.memory_space<hbm>>)
    "tpu.region"() ({
      %run_scoped3A = tpu.sem_alloc : memref<!tpu.dma_semaphore, #tpu.memory_space<semaphore_mem>>
      %dma_start3A_911 = arith.constant 0 : i32
      %dma_start3A_912 = tpu.memref_slice %arg9[%mul3A_2, %dma_start3A_911] : memref<1024x128xf32, #tpu.memory_space<hbm>> -> memref<32x128xf32, #tpu.memory_space<hbm>>
      %dma_start3A_913 = arith.constant 0 : i32
      %dma_start3A_914 = tpu.memref_slice %arg9[%mul3A_2, %dma_start3A_913] : memref<1024x128xf32, #tpu.memory_space<hbm>> -> memref<32x128xf32, #tpu.memory_space<hbm>>
      tpu.enqueue_dma source(%arg13 : memref<32x128xf32, #tpu.memory_space<vmem>>) target(%dma_start3A_914 : memref<32x128xf32, #tpu.memory_space<hbm>>) target_semaphore(%run_scoped3A : memref<!tpu.dma_semaphore, #tpu.memory_space<semaphore_mem>>)
      %dma_wait3A_915 = arith.constant 0 : i32
      %dma_wait3A_916 = tpu.memref_slice %arg9[%mul3A_2, %dma_wait3A_915] : memref<1024x128xf32, #tpu.memory_space<hbm>> -> memref<32x128xf32, #tpu.memory_space<hbm>>
      %dma_wait3A_917 = arith.constant 0 : i32
      %dma_wait3A_918 = tpu.memref_slice %arg9[%mul3A_2, %dma_wait3A_917] : memref<1024x128xf32, #tpu.memory_space<hbm>> -> memref<32x128xf32, #tpu.memory_space<hbm>>
      tpu.wait_dma2 semaphore(%run_scoped3A : memref<!tpu.dma_semaphore, #tpu.memory_space<semaphore_mem>>) src(%arg13 : memref<32x128xf32, #tpu.memory_space<vmem>>) dst(%dma_wait3A_918 : memref<32x128xf32, #tpu.memory_space<hbm>>)
      tpu.yield
    }) : () -> ()
    return
  }
}

module attributes {stable_mosaic.version = 14 : i64} {
  func.func @_tc_body(%arg0: i32, %arg1: memref<13312x128xf32, #tpu.memory_space<vmem>>, %arg2: memref<256x128xf32, #tpu.memory_space<vmem>>, %arg3: memref<1x128xf32, #tpu.memory_space<vmem>>, %arg4: memref<256x64xf32, #tpu.memory_space<vmem>>) attributes {dimension_semantics = [#tpu.dimension_semantics<arbitrary>], iteration_bounds = array<i64: 4>, scalar_prefetch = 0 : i64, scratch_operands = 0 : i64, tpu.core_type = #tpu.core_type<tc>, window_params = [{transform_indices = @transform_0, window_bounds = array<i64: 13312, 128>}, {transform_indices = @transform_1, window_bounds = array<i64: 256, 128>}, {pipeline_mode = #tpu.pipeline_mode<synchronous>, transform_indices = @transform_2, window_bounds = array<i64: 1, 128>}, {transform_indices = @transform_3, window_bounds = array<i64: 256, 64>}]} {
    %get3A = arith.constant 0 : index
    %get3A_0 = arith.constant 0 : index
    %get3A_1 = vector.load %arg1[%get3A, %get3A_0] : memref<13312x128xf32, #tpu.memory_space<vmem>>, vector<13312x128xf32>
    %reshape3A = vector.shape_cast %get3A_1 : vector<13312x128xf32> to vector<256x52x128xf32>
    %slice3A = vector.extract_strided_slice %reshape3A {offsets = [0, 0, 0], sizes = [256, 52, 64], strides = [1, 1, 1]} : vector<256x52x128xf32> to vector<256x52x64xf32>
    %slice3A_2 = vector.extract_strided_slice %reshape3A {offsets = [0, 0, 64], sizes = [256, 52, 64], strides = [1, 1, 1]} : vector<256x52x128xf32> to vector<256x52x64xf32>
    %get3A_3 = arith.constant 0 : index
    %get3A_4 = arith.constant 0 : index
    %get3A_5 = vector.load %arg3[%get3A_3, %get3A_4] : memref<1x128xf32, #tpu.memory_space<vmem>>, vector<1x128xf32>
    %slice3A_6 = vector.extract_strided_slice %get3A_5 {offsets = [0, 0], sizes = [1, 64], strides = [1, 1]} : vector<1x128xf32> to vector<1x64xf32>
    %jit3A = arith.constant 0 : i32
    %convert_element_type3A = arith.sitofp %jit3A : i32 to f32
    %pad3A = vector.broadcast %convert_element_type3A : f32 to vector<1x64xf32>
    %pad3A_7 = tpu.concatenate %slice3A_6, %pad3A in 1 : vector<1x64xf32>, vector<1x64xf32> -> vector<1x128xf32>
    %reshape3A_8 = vector.shape_cast %pad3A_7 : vector<1x128xf32> to vector<1x1x128xf32>
    %jit3A_9 = arith.constant 0 : i32
    %convert_element_type3A_10 = arith.sitofp %jit3A_9 : i32 to f32
    %pad3A_11 = vector.broadcast %convert_element_type3A_10 : f32 to vector<1x64xf32>
    %pad3A_12 = tpu.concatenate %pad3A_11, %slice3A_6 in 1 : vector<1x64xf32>, vector<1x64xf32> -> vector<1x128xf32>
    %reshape3A_13 = vector.shape_cast %pad3A_12 : vector<1x128xf32> to vector<1x1x128xf32>
    %mul3A = vector.broadcast %reshape3A_8 : vector<1x1x128xf32> to vector<256x52x128xf32>
    %mul3A_14 = arith.mulf %reshape3A, %mul3A : vector<256x52x128xf32>
    %reduce_sum3A = arith.constant dense<0.000000e+00> : vector<256x52xf32>
    %reduce_sum3A_15 = vector.multi_reduction <add>, %mul3A_14, %reduce_sum3A [2] : vector<256x52x128xf32> to vector<256x52xf32>
    %mul3A_16 = vector.broadcast %reshape3A_13 : vector<1x1x128xf32> to vector<256x52x128xf32>
    %mul3A_17 = arith.mulf %reshape3A, %mul3A_16 : vector<256x52x128xf32>
    %reduce_sum3A_18 = arith.constant dense<0.000000e+00> : vector<256x52xf32>
    %reduce_sum3A_19 = vector.multi_reduction <add>, %mul3A_17, %reduce_sum3A_18 [2] : vector<256x52x128xf32> to vector<256x52xf32>
    %jit3A_20 = arith.constant 0 : i32
    %convert_element_type3A_21 = arith.sitofp %jit3A_20 : i32 to f32
    %pad3A_22 = vector.broadcast %convert_element_type3A_21 : f32 to vector<256x12xf32>
    %pad3A_23 = tpu.concatenate %reduce_sum3A_15, %pad3A_22 in 1 : vector<256x52xf32>, vector<256x12xf32> -> vector<256x64xf32>
    %jit3A_24 = arith.constant 0 : i32
    %convert_element_type3A_25 = arith.sitofp %jit3A_24 : i32 to f32
    %pad3A_26 = vector.broadcast %convert_element_type3A_25 : f32 to vector<256x12xf32>
    %pad3A_27 = tpu.concatenate %reduce_sum3A_19, %pad3A_26 in 1 : vector<256x52xf32>, vector<256x12xf32> -> vector<256x64xf32>
    %concatenate3A = tpu.concatenate %pad3A_23, %pad3A_27 in 1 : vector<256x64xf32>, vector<256x64xf32> -> vector<256x128xf32>
    %get3A_28 = arith.constant 0 : index
    %get3A_29 = arith.constant 0 : index
    %get3A_30 = vector.load %arg2[%get3A_28, %get3A_29] : memref<256x128xf32, #tpu.memory_space<vmem>>, vector<256x128xf32>
    %add3A = arith.addf %concatenate3A, %get3A_30 : vector<256x128xf32>
    %reduce_max3A = arith.constant dense<0xFF800000> : vector<256xf32>
    %reduce_max3A_31 = vector.multi_reduction <maximumf>, %add3A, %reduce_max3A [1] : vector<256x128xf32> to vector<256xf32>
    %broadcast_in_dim3A = vector.shape_cast %reduce_max3A_31 : vector<256xf32> to vector<256x1xf32>
    %sub3A = vector.broadcast %broadcast_in_dim3A : vector<256x1xf32> to vector<256x128xf32>
    %sub3A_32 = arith.subf %add3A, %sub3A : vector<256x128xf32>
    %exp3A = math.exp %sub3A_32 : vector<256x128xf32>
    %reduce_sum3A_33 = arith.constant dense<0.000000e+00> : vector<256xf32>
    %reduce_sum3A_34 = vector.multi_reduction <add>, %exp3A, %reduce_sum3A_33 [1] : vector<256x128xf32> to vector<256xf32>
    %broadcast_in_dim3A_35 = vector.shape_cast %reduce_sum3A_34 : vector<256xf32> to vector<256x1xf32>
    %div3A = vector.broadcast %broadcast_in_dim3A_35 : vector<256x1xf32> to vector<256x128xf32>
    %div3A_36 = arith.divf %exp3A, %div3A : vector<256x128xf32>
    %slice3A_37 = vector.extract_strided_slice %div3A_36 {offsets = [0, 0], sizes = [256, 52], strides = [1, 1]} : vector<256x128xf32> to vector<256x52xf32>
    %slice3A_38 = vector.extract_strided_slice %div3A_36 {offsets = [0, 64], sizes = [256, 52], strides = [1, 1]} : vector<256x128xf32> to vector<256x52xf32>
    %dot_general3A = arith.constant dense<0.000000e+00> : vector<256x64xf32>
    %dot_general3A_39 = tpu.matmul %slice3A_37, %slice3A, %dot_general3A {dimension_numbers = #tpu.dot_dimension_numbers<[1], [1], [], [2], [0, 0, 1, 2], [0], [0]>, transpose_lhs_hint = false} : vector<256x52xf32>, vector<256x52x64xf32>, vector<256x64xf32> -> vector<256x64xf32>
    %dot_general3A_40 = arith.constant dense<0.000000e+00> : vector<256x64xf32>
    %dot_general3A_41 = tpu.matmul %slice3A_38, %slice3A_2, %dot_general3A_40 {dimension_numbers = #tpu.dot_dimension_numbers<[1], [1], [], [2], [0, 0, 1, 2], [0], [0]>, transpose_lhs_hint = false} : vector<256x52xf32>, vector<256x52x64xf32>, vector<256x64xf32> -> vector<256x64xf32>
    %add3A_42 = arith.addf %dot_general3A_39, %dot_general3A_41 : vector<256x64xf32>
    %swap3A = arith.constant 0 : index
    %swap3A_43 = arith.constant 0 : index
    %swap3A_44 = vector.load %arg4[%swap3A, %swap3A_43] : memref<256x64xf32, #tpu.memory_space<vmem>>, vector<256x64xf32>
    tpu.vector_store %arg4[%swap3A, %swap3A_43], %add3A_42 {strides = array<i32>} : memref<256x64xf32, #tpu.memory_space<vmem>>, vector<256x64xf32>,
    return
  }
  func.func @transform_0(%arg0: i32) -> (i32, i32) {
    %c0_i32 = arith.constant 0 : i32
    %c0_i32_0 = arith.constant 0 : i32
    return %arg0, %c0_i32 : i32, i32
  }
  func.func @transform_1(%arg0: i32) -> (i32, i32) {
    %c0_i32 = arith.constant 0 : i32
    %c0_i32_0 = arith.constant 0 : i32
    return %arg0, %c0_i32 : i32, i32
  }
  func.func @transform_2(%arg0: i32) -> (i32, i32) {
    %c0_i32 = arith.constant 0 : i32
    %c0_i32_0 = arith.constant 0 : i32
    %c0_i32_1 = arith.constant 0 : i32
    return %c0_i32, %c0_i32_0 : i32, i32
  }
  func.func @transform_3(%arg0: i32) -> (i32, i32) {
    %c0_i32 = arith.constant 0 : i32
    %c0_i32_0 = arith.constant 0 : i32
    return %arg0, %c0_i32 : i32, i32
  }
}

</mosaic_0001>

<sc_bundles>
// kernel: kernel.4.cloned.1.call-start
scs
__scs_entry_jumppad:
0x0: {  	(pc) =	sbr.rel $0x88, $3  }
0x1: {  	(tag) =	ssettag $0x0;
	lr =	simm.s32 $0x1  }
0x2: {  	[smem:$0x3F9A] =	sst lr;
	_ =	strace $0xD0000000  }
0x3: {  	_ = 	snop  }
0x4: {  	_ = 	snop  }
0x5: {  	_ = 	snop  }
0x6: {  	_ = 	snop  }
0x7: {  	_ = 	snop  }
__scs_overlays_trampoline_lowered:
0x8: {  	[smem:$0x3FA9] =	sst s0  }
0x9: {  	[smem:$0x3FAA] =	sst s1  }
0xa: {  	[smem:$0x3FAB] =	sst s2  }
0xb: {  	[smem:$0x3FAC] =	sst s3  }
0xc: {  	[smem:$0x3FAD] =	sst s4  }
0xd: {  	[smem:$0x3FAE] =	sst s5  }
0xe: {  	[smem:$0x3FAF] =	sst s6  }
0xf: {  	[smem:$0x3FB0] =	sst s7  }
0x10: {  	[smem:$0x3FB1] =	sst s8  }
0x11: {  	[smem:$0x3FB2] =	sst s9;
	s0 =	simm.s32 @!p0 $0x0  }
0x12: {  	s1 =	sld [smem:$0x3F98];
	s0 =	simm.s32 @p0 $0x1  }
0x13: {  	[smem:$0x3FB3] =	sst s0;
	s0 =	simm.s32 @!p1 $0x0  }
0x14: {  	s2 =	sld [smem:$0x3F97];
	s0 =	simm.s32 @p1 $0x1  }
0x15: {  	[smem:$0x3FB4] =	sst s0;
	s0 =	simm.s32 @!p2 $0x0  }
0x16: {  	s3 =	sld [smem:$0x3FDB];
	s0 =	simm.s32 @p2 $0x1  }
0x17: {  	s4 =	simm.s32 $0x1BF5;
	[smem:$0x3FB6] =	sst s0  }
0x18: {  	s0 =	sld [smem:$0x3F99];
	_ =	swait.ge [sflag:s4], $0x0  }
0x19: {  	s7 =	sld [smem:$0x3F9A]  }
0x1a: {  	s8 =	sadd.s32 $0xFFFFE003, lr  }
0x1b: {  	s9 =	sadd.s32 $0xFFFFFEF7, lr;
	s5 =	simm.s32 $0xFFFFFFFF;
	p2 =	slt.u32 s8, $0xFFFFF086  }
0x1c: {  	p1 =	slt.u32 s9, $0xF7A;
	s5 =	simm.s32 @!p2 $0x0  }
0x1d: {  	s5 =	simm.s32 @p1 $0x1;
	p0 =	seq.s32 s7, s2  }
0x1e: {  	s7 =	smul.u32 @!p0 $0xF7A, s2;
	p2 =	seq.s32 @!p0 s5, $0x0  }
0x1f: {  	s9 =	smul.u32 $0xF7A, s1;
	s8 =	simm.s32 @!p0 $0x1BF5;
	p2 =	por !p2, p0  }
0x20: {  	[sflag:s8] =	ssyncset.s32 @!p0 $0xFFFFF086;
	s6 =	sadd.s32 @!p0 s3, s7;
	s7 =	simm.s32 @!p0 $0x108  }
0x21: {  	s3 =	sadd.s32 s3, s9;
	s6 =	sadd.s32 @!p0 $0x88, s6;
	s7 =	simm.s32 @p2 $0x1082  }
0x22: {  	[simem:s7], [sflag:s8] =	dma.local @!p0 [hbm:s6], $0xF7A  }
0x23: {  	s9 =	sor.u32 $0xD0000000, s2;
	s6 =	simm.s32 $0x108;
	_ =	swait.ge @!p0 [sflag:s8], $0x0  }
0x24: {  	s3 =	sadd.s32 $0x88, s3;
	s6 =	simm.s32 @!p1 $0x1082;
	[sflag:s4] =	ssyncset.s32 $0xFFFFF086  }
0x25: {  	[simem:s6], [sflag:s4] =	dma.local [hbm:s3], $0xF7A  }
0x26: {  	[smem:$0x3F9A] =	sst s1;
	(tag) =	ssettag s2;
	_ =	strace s9  }
0x27: {  	s1 =	sld [smem:$0x3FAA]  }
0x28: {  	s2 =	sld [smem:$0x3FAB]  }
0x29: {  	s4 =	sld [smem:$0x3FAD]  }
0x2a: {  	p0 =	seq.s32 s5, $0x0;
	s5 =	sld [smem:$0x3FAE]  }
0x2b: {  	s6 =	sld [smem:$0x3FAF]  }
0x2c: {  	s7 =	sld [smem:$0x3FB0]  }
0x2d: {  	s3 =	simm.s32 $0x108;
	s8 =	sld [smem:$0x3FB1]  }
0x2e: {  	s3 =	simm.s32 @!p0 $0x1082;
	s9 =	sld [smem:$0x3FB2]  }
0x2f: {  	lr =	sadd.s32 s0, s3;
	s0 =	sld [smem:$0x3FA9]  }
0x30: {  	s3 =	sld [smem:$0x3FAC]  }
0x31: {  	[smem:$0x3FB5] =	sst s10  }
0x32: {  	s10 =	sld [smem:$0x3FB3];
	_ =	sdelay $0x3  }
0x33: {  	p0 =	seq.s32 s10, $0x1;
	s10 =	sld [smem:$0x3FB5];
	_ =	sdelay $0x3  }
0x34: {  	[smem:$0x3FB5] =	sst s10  }
0x35: {  	s10 =	sld [smem:$0x3FB4];
	_ =	sdelay $0x3  }
0x36: {  	p1 =	seq.s32 s10, $0x1;
	s10 =	sld [smem:$0x3FB5];
	_ =	sdelay $0x3  }
0x37: {  	[smem:$0x3FB5] =	sst s10  }
0x38: {  	s10 =	sld [smem:$0x3FB6]  }
0x39: {  	_ = 	snop;
	(pc) =	sbr.ind lr, $3  }
0x3a: {  	_ = 	snop  }
0x3b: {  	_ = 	snop  }
0x3c: {  	p2 =	seq.s32 s10, $0x1;
	s10 =	sld [smem:$0x3FB5]  }
0x3d: {  	_ =	shalt  }
0x3e: {  	_ =	shalt  }
0x3f: {  	_ =	shalt  }
0x40: {  	_ =	shalt  }
0x41: {  	_ =	shalt  }
0x42: {  	_ =	shalt  }
0x43: {  	_ =	shalt  }
0x44: {  	_ =	shalt  }
0x45: {  	_ =	shalt  }
0x46: {  	_ =	shalt  }
0x47: {  	_ =	shalt  }
0x48: {  	_ =	shalt  }
0x49: {  	_ =	shalt  }
0x4a: {  	_ =	shalt  }
0x4b: {  	_ =	shalt  }
0x4c: {  	_ =	shalt  }
0x4d: {  	_ =	shalt  }
0x4e: {  	_ =	shalt  }
0x4f: {  	_ =	shalt  }
0x50: {  	_ =	shalt  }
0x51: {  	_ =	shalt  }
0x52: {  	_ =	shalt  }
0x53: {  	_ =	shalt  }
0x54: {  	_ =	shalt  }
0x55: {  	_ =	shalt  }
0x56: {  	_ =	shalt  }
0x57: {  	_ =	shalt  }
0x58: {  	_ =	shalt  }
0x59: {  	_ =	shalt  }
0x5a: {  	_ =	shalt  }
0x5b: {  	_ =	shalt  }
0x5c: {  	_ =	shalt  }
0x5d: {  	_ =	shalt  }
0x5e: {  	_ =	shalt  }
0x5f: {  	_ =	shalt  }
0x60: {  	_ =	shalt  }
0x61: {  	_ =	shalt  }
0x62: {  	_ =	shalt  }
0x63: {  	_ =	shalt  }
0x64: {  	_ =	shalt  }
0x65: {  	_ =	shalt  }
0x66: {  	_ =	shalt  }
0x67: {  	_ =	shalt  }
0x68: {  	_ =	shalt  }
0x69: {  	_ =	shalt  }
0x6a: {  	_ =	shalt  }
0x6b: {  	_ =	shalt  }
0x6c: {  	_ =	shalt  }
0x6d: {  	_ =	shalt  }
0x6e: {  	_ =	shalt  }
0x6f: {  	_ =	shalt  }
0x70: {  	_ =	shalt  }
0x71: {  	_ =	shalt  }
0x72: {  	_ =	shalt  }
0x73: {  	_ =	shalt  }
0x74: {  	_ =	shalt  }
0x75: {  	_ =	shalt  }
0x76: {  	_ =	shalt  }
0x77: {  	_ =	shalt  }
0x78: {  	_ =	shalt  }
0x79: {  	_ =	shalt  }
0x7a: {  	_ =	shalt  }
0x7b: {  	_ =	shalt  }
0x7c: {  	_ =	shalt  }
0x7d: {  	_ =	shalt  }
0x7e: {  	_ =	shalt  }
0x7f: {  	_ =	shalt  }
0x80: {  	_ =	shalt  }
0x81: {  	_ =	shalt  }
0x82: {  	_ =	shalt  }
0x83: {  	_ =	shalt  }
0x84: {  	_ =	shalt  }
0x85: {  	_ =	shalt  }
0x86: {  	_ =	shalt  }
0x87: {  	_ =	shalt  }
.Lfunc_end0:
.L_simem_size_0:
called_computation_lowered:
.L_overlay_start_0:
0x88: {  	s2 =	sld [smem:$0x3FD9]  }
0x89: {  	s3 =	sld [smem:$0x3FFE];
	_ =	sdelay $0x1  }
0x8a: {  	s1 =	srdreg.scid  }
0x8b: {  	s0 =	sand.u32 $0x1, s1  }
0x8c: {  	s17 =	sshll.u32 s0, $0xA;
	s2 =	sadd.s32 s3, s2  }
0x8d: {  	s2 =	sadd.s32 s2, s17  }
0x8e: {  	[smem:$0x3FC1] =	sst s2  }
0x8f: {  	_ = 	snop  }
0x90: {  	s2 =	sld [smem:$0x3FC3]  }
0x91: {  	s18 =	sld [smem:$0x3FD0];
	(tm) =	ssettm $0x1  }
0x92: {  	s4 =	sld [smem:$0x3FFB];
	_ =	sdelay $0x3  }
0x93: {  	_ =	strace s4  }
0x94: {  	s4 =	sld [smem:$0x3FFC];
	_ =	sdelay $0x3  }
0x95: {  	_ =	strace s4  }
0x96: {  	s4 =	sld [smem:$0x3FFD];
	_ =	sdelay $0x3  }
0x97: {  	_ =	strace s4  }
0x98: {  	_ =	strace $0x8FFFFFFF  }
0x99: {  	s19 =	sld [smem:$0x3FDB];
	_ =	sdelay $0x1  }
0x9a: {  	s5 =	simm.s32 $_scs_section_size  }
0x9b: {  	s6 =	simm.s32 $_size__tile_overlayer_lowered;
	s7 =	simm.s32 $_tile_overlayer_lowered  }
0x9c: {  	s22 =	simm.s32 $0x1BFF;
	s21 =	sshll.u32 s7, $0x1;
	s4 =	sadd.s32 s5, s19  }
0x9d: {  	s8 =	simm.s32 $0x0;
	s20 =	sshll.u32 s6, $0x1;
	s6 =	sadd.s32 s21, s4  }
0x9e: {  	[timem:s8], [sflag:s22] =	dma.local [hbm:s6], s20  }
0x9f: {  	_ =	swait.ge [sflag:s22], s20  }
0xa0: {  	s5 =	ssub.s32 $0x0, s20;
	[sflag:s22] =	ssyncset.done $0x0  }
0xa1: {  	[sflag:s22] =	ssyncadd.s32 s5;
	_ =	sdelay $0x1  }
0xa2: {  	s23 =	simm.s32 $0x1B8B  }
0xa3: {  	_ =	swait.ge [sflag:s23], $0x1  }
0xa4: {  	[sflag:s23] =	ssyncset.done $0x0  }
0xa5: {  	s25 =	simm.s32 $0x1B8E;
	s24 =	sld [smem:$0x3FFE];
	[sflag:s23] =	ssyncadd.s32 $0xFFFFFFFF  }
0xa6: {  	s26 =	simm.s32 $execute0_lowered;
	[smem:$0x3FD2] =	sst s25  }
0xa7: {  	s6 =	sshll.u32 s26, $0x1;
	_ =	strace $0x80000046;
	[dreg:$0x1] =	wrdreg $0xFFFFFFFF  }
0xa8: {  	s28 =	simm.s32 $_size_execute0_lowered;
	s4 =	sadd.s32 s4, s6;
	[dreg:$0x0] =	wrdreg $0x0  }
0xa9: {  	s6 =	sshll.u32 s28, $0x1;
	[dreg:$0x2] =	wrdreg s4  }
0xaa: {  	[dreg:$0x3] =	wrdreg s6  }
0xab: {  	[dreg:$0x4] =	wrdreg $0xC0  }
0xac: {  	_ =	task [dreg:s8], $0x5FFFF  }
0xad: {  	[dreg:$0x1] =	wrdreg $0xFFFFFFFF  }
0xae: {  	[dreg:$0x0] =	wrdreg $0x60  }
0xaf: {  	[dreg:$0x2] =	wrdreg s24  }
0xb0: {  	[dreg:$0x3] =	wrdreg s18  }
0xb1: {  	[dreg:$0x4] =	wrdreg s2  }
0xb2: {  	[dreg:$0x5] =	wrdreg $0x9  }
0xb3: {  	_ =	task.clear_ibuf [dreg:s8], $0x6FFFF;
	_ =	strace $0x90000046  }
0xb4: {  	s29 =	simm.s32 $0x9;
	_ =	strace $0x80000048  }
0xb5: {  	_ =	swait.ge [sflag:s29], $0x1  }
0xb6: {  	[sflag:s29] =	ssyncadd.s32 $0xFFFFFFFF  }
0xb7: {  	_ =	strace $0x90000048  }
0xb8: {  	_ =	sfence  }
0xb9: {  	s30 =	sld [smem:$0x0];
	_ =	sdelay $0x2  }
0xba: {  	s31 =	sshll.u32 s1, $0xD;
	s1 =	sshrl.u32 s1, $0x2  }
0xbb: {  	s3 =	sand.u32 $0x4000, s31;
	s1 =	sadd.s32 s1, s30  }
0xbc: {  	s0 =	sor.u32 s3, s0;
	s1 =	sshll.u32 s1, $0x11  }
0xbd: {  	s0 =	sor.u32 s1, s0  }
0xbe: {  	s0 =	sadd.s32 $0x8F2B, s0  }
0xbf: {  	[sflag:s0] =	ssyncadd.remote.s32 $0x1  }
0xc0: {  	_ =	sfence.sel $0xFFFF  }
0xc1: {  	[dreg:$0x0] =	wrdreg $0xFFFFFFFF;
	(pc) =	sbr.abs _section_cstart, $3  }
0xc2: {  	[dreg:$0x1] =	wrdreg $0xFFFFFFFF  }
0xc3: {  	_ =	task.clear_ibuf [dreg:s8], $0x2FFFF;
	_ =	strace $0x9FFFFFFF  }
0xc4: {  	(tm) =	ssettm $0x7FFFFFFF  }
0xc5: {  	_ =	shalt  }
tec
execute0_lowered:
.L_overlay_start_1:
0x0: {  	(tag) =	ssettag $0x1  }
0x1: {  	s0 =	rddreg [dreg:$0x0];
	s1 =	srdreg.scid  }
0x2: {  	s5 =	stileid.u32;
	s2 =	rddreg [dreg:$0x1];
	s15 =	simm.s32 $0x32  }
0x3: {  	s16 =	simm.s32 $0x1510;
	s21 =	simm.s32 $0x5590;
	s22 =	simm.s32 $0x2210  }
0x4: {  	s23 =	simm.s32 $0x6F90;
	s24 =	simm.s32 $0x3C10;
	s25 =	simm.s32 $0x5610  }
0x5: {  	s26 =	simm.s32 $0x7010;
	s28 =	simm.s32 $0x80;
	s29 =	simm.s32 $0x6310  }
0x6: {  	s30 =	simm.s32 $0x2;
	s31 =	simm.s32 $0x3;
	s12 =	simm.s32 $0x7  }
0x7: {  	s13 =	simm.s32 $0x8;
	s1 =	sand.u32 $0x1, s1;
	s3 =	sshll.u32 s5, $0x1  }
0x8: {  	s17 =	simm.s32 $0x0;
	s6 =	sor.u32 s1, s3;
	s3 =	simm.s32 $0x0  }
0x9: {  	s8 =	smul.u32 $0xD000, s5;
	s9 =	sadd.s32 $0x6800, s0;
	[smem:$0x7FF] =	sst s3  }
0xa: {  	s5 =	sadd.s32 $0x189A00, s0;
	_ =	strace $0x80000047;
	[dreg:$0xb] =	wrdreg s9  }
0xb: {  	s19 =	ssub.s32 $0x2, s1;
	s1 =	smul.u32 $0x6800, s1;
	[dreg:$0x5] =	wrdreg s21  }
0xc: {  	s4 =	smul.u32 $0x1C0, s6;
	s8 =	sadd.s32 s8, s0;
	[dreg:$0x6] =	wrdreg s22  }
0xd: {  	s10 =	sshll.u32 s6, $0x9;
	s11 =	sshrl.u32 s19, $0x1;
	[dreg:$0x7] =	wrdreg s23  }
0xe: {  	s6 =	smul.u32 $0xE0, s6;
	s20 =	ssub.s32 s19, s11;
	[dreg:$0x8] =	wrdreg s24  }
0xf: {  	s1 =	sadd.s32 s1, s8;
	s11 =	simm.s32 $0x9;
	[dreg:$0x9] =	wrdreg s25  }
0x10: {  	s23 =	simm.s32 $0x4910;
	s24 =	simm.s32 $0x1;
	[dreg:$0xa] =	wrdreg s26  }
0x11: {  	s25 =	simm.s32 $0x8D10;
	s26 =	simm.s32 $0x40;
	s7 =	sadd.s32 s4, s0  }
0x12: {  	v0 =	vimm.s32 $0x0;
	v1 =	vimm.f32 $0.0e+00;
	vm0 =	vmmov $0x1;
	s4 =	sadd.s32 $0x24D000, s0;
	s0 =	sadd.s32 s10, s0;
	s2 =	sadd.s32 s2, s6  }
0x13: {  	vm1 =	vcmask $0x328;
	vm2 =	vcmask $0x728;
	vm3 =	vcmask $0xB28;
	s1 =	sadd.s32 $0xAA00, s1;
	s10 =	smax.u32 s20, $0x1;
	[dreg:$0xd] =	wrdreg s2  }
0x14: {  	vm4 =	vcmask $0xF28;
	vm5 =	vcmask $0x1328;
	vm6 =	vcmask $0x1728;
	s20 =	simm.s32 $0x2F10;
	s7 =	sadd.s32 $0x3000, s7;
	[dreg:$0x4] =	wrdreg s1  }
0x15: {  	vm7 =	vcmask $0x1B28;
	vm8 =	vcmask $0x1F28;
	vm9 =	vcmask $0x2328;
	s0 =	sadd.s32 $0x6A00, s0;
	s1 =	simm.s32 $0x4;
	[dreg:$0xc] =	wrdreg s7  }
0x16: {  	vm10 =	vmmov $0xf;
	vm11 =	vmmov $0x3;
	v2 =	vimm.f32 $-1.000000020e+30;
	s2 =	simm.s32 $0x6;
	[dreg:$0xe] =	wrdreg s0;
	s0 =	simm.s32 $0x5  }
.LBB2_1:
0x17: {  	s6 =	rddreg [dreg:$0xc]  }
0x18: {  	[tilespmem:s3], [sflag:$0x9] =	stream.linear.gather [hbm4b:s6+s3], $0xE00, $0x38;
	[tilespmem:$0x9020] =	vst v63  }
0x19: {  	_ =	swait.ge [sflag:s11], $0xE00  }
0x1a: {  	[sflag:s11] =	ssyncset.done $0x0  }
0x1b: {  	s7 =	simm.s32 $0xE00;
	s19 =	rddreg [dreg:$0xd];
	[sflag:s11] =	ssyncadd.s32 $0xFFFFF200  }
0x1c: {  	[tilespmem:s7], [sflag:$0x9] =	stream.linear.gather [hbm4b:s19+s3], $0x700, $0x38;
	[tilespmem:$0x9020] =	vst v63  }
0x1d: {  	_ =	swait.ge [sflag:s11], $0x700  }
0x1e: {  	[sflag:s11] =	ssyncset.done $0x0  }
0x1f: {  	s22 =	simm.s32 $0x8D20;
	s21 =	rddreg [dreg:$0xb];
	[sflag:s11] =	ssyncadd.s32 $0xFFFFF900  }
0x20: {  	[tilespmem:s22], [sflag:$0x9] =	stream.linear.gather [hbm4b:s21+s3], $0x280, $0x38;
	[tilespmem:$0x9020] =	vst v63  }
0x21: {  	_ =	swait.ge [sflag:s11], $0x280  }
0x22: {  	[sflag:s11] =	ssyncset.done $0x0  }
0x23: {  	[sflag:s11] =	ssyncadd.s32 $0xFFFFFD80  }
0x24: {  	s9 =	simm.s32 $0x8FA0;
	s8 =	rddreg [dreg:$0x2]  }
0x25: {  	[tilespmem:s9], [sflag:$0x9] =	stream.linear.gather [hbm4b:s8+s3], $0x80, $0x38;
	[tilespmem:$0x9020] =	vst v63  }
0x26: {  	_ =	swait.ge [sflag:s11], $0x80  }
0x27: {  	[sflag:s11] =	ssyncset.done $0x0  }
0x28: {  	[sflag:s11] =	ssyncadd.s32 $0xFFFFFF80  }
0x29: {  	[tilespmem:$0x1500] =	vst v0  }
0x2a: {  	[tilespmem:$0x2E10] =	vst v1  }
0x2b: {  	[tilespmem:$0x2E20] =	vst v1  }
0x2c: {  	v7 =	vld [tilespmem:$0x8D20];
	[tilespmem:$0x2E30] =	vst v1  }
0x2d: {  	v6 =	vld [tilespmem:$0x8FE0];
	[tilespmem:$0x2E40] =	vst v1  }
0x2e: {  	v8 =	vld [tilespmem:$0x8D30];
	[tilespmem:$0x2E50] =	vst v1  }
0x2f: {  	v5 =	vld [tilespmem:$0x8FF0];
	[tilespmem:$0x2E60] =	vst v1  }
0x30: {  	v9 =	vld [tilespmem:$0x8D40];
	[tilespmem:$0x2E70] =	vst v1  }
0x31: {  	v4 =	vld [tilespmem:$0x9000];
	[tilespmem:$0x2E80] =	vst v1  }
0x32: {  	v10 =	vld [tilespmem:$0x8D50];
	[tilespmem:$0x2E90] =	vst v1  }
0x33: {  	v3 =	vld [tilespmem:$0x9010];
	[tilespmem:$0x2EA0] =	vst v1  }
0x34: {  	v11 =	vld [tilespmem:$0x8D60];
	[tilespmem:$0x2EB0] =	vst v1  }
0x35: {  	v12 =	vld [tilespmem:$0x8D70];
	[tilespmem:$0x2EC0] =	vst v1  }
0x36: {  	v13 =	vld [tilespmem:$0x8D80];
	[tilespmem:$0x2ED0] =	vst v1  }
0x37: {  	v14 =	vld [tilespmem:$0x8D90];
	[tilespmem:$0x2EE0] =	vst v1  }
0x38: {  	v15 =	vld [tilespmem:$0x8DA0];
	[tilespmem:$0x2EF0] =	vst v1  }
0x39: {  	v16 =	vld [tilespmem:$0x8DB0];
	[tilespmem:$0x2F00] =	vst v1  }
0x3a: {  	v17 =	vld [tilespmem:$0x8DC0];
	[tilespmem:$0x4810] =	vst v1  }
0x3b: {  	v18 =	vld [tilespmem:$0x8DD0];
	[tilespmem:$0x4820] =	vst v1  }
0x3c: {  	v19 =	vld [tilespmem:$0x8DE0];
	[tilespmem:$0x4830] =	vst v1  }
0x3d: {  	v20 =	vld [tilespmem:$0x8DF0];
	[tilespmem:$0x4840] =	vst v1  }
0x3e: {  	v21 =	vld [tilespmem:$0x8E00];
	[tilespmem:$0x4850] =	vst v1  }
0x3f: {  	v22 =	vld [tilespmem:$0x8E10];
	[tilespmem:$0x4860] =	vst v1  }
0x40: {  	v23 =	vld [tilespmem:$0x8E20];
	[tilespmem:$0x4870] =	vst v1  }
0x41: {  	v53 =	vld [tilespmem:$0x8E30];
	[tilespmem:$0x4880] =	vst v1  }
0x42: {  	v55 =	vld [tilespmem:$0x8E40];
	[tilespmem:$0x4890] =	vst v1;
	v7 =	vmul.f32 v6, v7  }
0x43: {  	v57 =	vld [tilespmem:$0x8E50];
	[tilespmem:$0x48A0] =	vst v1;
	v11 =	vmul.f32 v11, v6;
	v8 =	vmul.f32 v5, v8  }
0x44: {  	v59 =	vld [tilespmem:$0x8E60];
	[tilespmem:$0x48B0] =	vst v1;
	v12 =	vmul.f32 v12, v5;
	v52 =	vmul.f32 v4, v9;
	v7 =	vadd.f32 $0.0e+00, v7  }
0x45: {  	v61 =	vld [tilespmem:$0x8E70];
	[tilespmem:$0x48C0] =	vst v1;
	v54 =	vmul.f32 v13, v4;
	v56 =	vmul.f32 v3, v10  }
0x46: {  	v63 =	vld [tilespmem:$0x8E80];
	[tilespmem:$0x48D0] =	vst v1;
	v58 =	vmul.f32 v14, v3;
	v60 =	vmul.f32 v15, v6;
	v7 =	vadd.f32 v8, v7  }
0x47: {  	v25 =	vld [tilespmem:$0x8E90];
	[tilespmem:$0x48E0] =	vst v1;
	v62 =	vmul.f32 v19, v6;
	v24 =	vmul.f32 v16, v5;
	v11 =	vadd.f32 $0.0e+00, v11  }
0x48: {  	v28 =	vld [tilespmem:$0x8EA0];
	[tilespmem:$0x48F0] =	vst v1;
	v27 =	vmul.f32 v20, v5;
	v29 =	vmul.f32 v17, v4;
	v7 =	vadd.f32 v52, v7  }
0x49: {  	v31 =	vld [tilespmem:$0x8EB0];
	[tilespmem:$0x4900] =	vst v1;
	v30 =	vmul.f32 v23, v6;
	v32 =	vmul.f32 v21, v4;
	v11 =	vadd.f32 v12, v11  }
0x4a: {  	v33 =	vld [tilespmem:$0x8EC0];
	[tilespmem:$0x6210] =	vst v1;
	v14 =	vmul.f32 v59, v6;
	v9 =	vmul.f32 v53, v5;
	v7 =	vadd.f32 v56, v7  }
0x4b: {  	v38 =	vld [tilespmem:$0x8EE0];
	[tilespmem:$0x6220] =	vst v1;
	v37 =	vmul.f32 v61, v5;
	v18 =	vmul.f32 v18, v3;
	v11 =	vadd.f32 v54, v11  }
0x4c: {  	v40 =	vld [tilespmem:$0x8EF0];
	v39 =	vmul.f32 v55, v4;
	v22 =	vmul.f32 v22, v3;
	(xrf2) =	vadd.scan.msk.f32 $0xffff, v7;
	v7 =	vadd.f32 $0.0e+00, v60  }
0x4d: {  	[tilespmem:$0x6230] =	vst v1;
	v46 =	vld [tilespmem:$0x8F20];
	v41 =	vmul.f32 v63, v4;
	v26 =	vadd.f32 $0.0e+00, v62;
	v11 =	vadd.f32 v58, v11  }
0x4e: {  	[tilespmem:$0x6240] =	vst v1;
	v48 =	vld [tilespmem:$0x8F60];
	v43 =	vmul.f32 v57, v3;
	v34 =	vadd.f32 $0.0e+00, v30;
	v7 =	vadd.f32 v24, v7  }
0x4f: {  	v35 =	vld [tilespmem:$0x8ED0];
	v45 =	vmul.f32 v25, v3;
	v47 =	vmul.f32 v28, v6;
	(xrf2) =	vadd.scan.msk.f32 $0xffff, v11;
	v11 =	vadd.f32 v27, v26  }
0x50: {  	[tilespmem:$0x6250] =	vst v1;
	v51 =	vld [tilespmem:$0x8F30];
	v50 =	vmul.f32 v38, v6;
	v8 =	vadd.f32 v9, v34;
	v7 =	vadd.f32 v29, v7  }
0x51: {  	[tilespmem:$0x6260] =	vst v1;
	v53 =	vld [tilespmem:$0x8F70];
	v55 =	vmul.f32 v40, v5;
	v36 =	vadd.f32 $0.0e+00, v14;
	v11 =	vadd.f32 v32, v11  }
0x52: {  	v42 =	vld [tilespmem:$0x8F00];
	[tilespmem:$0x6270] =	vst v1;
	v16 =	vmul.f32 v46, v6;
	v8 =	vadd.f32 v39, v8;
	v7 =	vadd.f32 v18, v7  }
0x53: {  	[tilespmem:$0x6280] =	vst v1;
	v6 =	vmul.f32 v48, v6;
	v12 =	vadd.f32 v37, v36;
	v56 =	vld [tilespmem:$0x8F40];
	v11 =	vadd.f32 v22, v11  }
0x54: {  	v57 =	vmul.f32 v33, v4;
	v61 =	vadd.f32 $0.0e+00, v16;
	v58 =	vld [tilespmem:$0x8F80];
	(xrf2) =	vadd.scan.msk.f32 $0xffff, v7;
	v7 =	vadd.f32 v43, v8  }
0x55: {  	v44 =	vld [tilespmem:$0x8F10];
	v14 =	vmul.f32 v51, v5;
	v6 =	vadd.f32 $0.0e+00, v6;
	v12 =	vadd.f32 v41, v12;
	(xrf2) =	vadd.scan.msk.f32 $0xffff, v11  }
0x56: {  	v52 =	vmul.f32 v31, v5;
	v5 =	vmul.f32 v53, v5;
	v60 =	vld [tilespmem:$0x8F50];
	(xrf2) =	vadd.scan.msk.f32 $0xffff, v7;
	v7 =	vadd.f32 $0.0e+00, v47  }
0x57: {  	[tilespmem:$0x6290] =	vst v1;
	v59 =	vmul.f32 v42, v4;
	v62 =	vld [tilespmem:$0x8F90];
	v54 =	vadd.f32 $0.0e+00, v50;
	v49 =	vadd.f32 v45, v12  }
0x58: {  	[tilespmem:$0x62A0] =	vst v1;
	v63 =	vmul.f32 v35, v3;
	v5 =	vadd.f32 v5, v6;
	v7 =	vadd.f32 v52, v7  }
0x59: {  	[tilespmem:$0x62B0] =	vst v1;
	v13 =	vmul.f32 v56, v4;
	v4 =	vmul.f32 v58, v4;
	v11 =	vadd.f32 v55, v54  }
0x5a: {  	[tilespmem:$0x62C0] =	vst v1;
	v6 =	vmul.f32 v44, v3;
	v8 =	vadd.f32 v14, v61;
	v7 =	vadd.f32 v57, v7  }
0x5b: {  	[tilespmem:$0x62D0] =	vst v1;
	v9 =	vmul.f32 v60, v3;
	v4 =	vadd.f32 v4, v5;
	v11 =	vadd.f32 v59, v11  }
0x5c: {  	[tilespmem:$0x62E0] =	vst v1;
	v3 =	vmul.f32 v62, v3;
	v8 =	vadd.f32 v13, v8;
	v7 =	vadd.f32 v63, v7  }
0x5d: {  	[tilespmem:$0x62F0] =	vst v1;
	(xrf2) =	vadd.scan.msk.f32 $0xffff, v49;
	v6 =	vadd.f32 v6, v11  }
0x5e: {  	[tilespmem:$0x6300] =	vst v1;
	v3 =	vadd.f32 v3, v4;
	v5 =	vadd.f32 v9, v8;
	(xrf2) =	vadd.scan.msk.f32 $0xffff, v7  }
0x5f: {  	[tilespmem:$0x7C10] =	vst v1;
	(xrf2) =	vadd.scan.msk.f32 $0xffff, v6  }
0x60: {  	[tilespmem:$0x7C20] =	vst v1;
	(xrf2) =	vadd.scan.msk.f32 $0xffff, v5  }
0x61: {  	[tilespmem:$0x7C30] =	vst v1;
	(xrf2) =	vadd.scan.msk.f32 $0xffff, v3  }
0x62: {  	[tilespmem:$0x7C40] =	vst v1;
	v3, _, _ =	vpop (xrf2)  }
0x63: {  	[tilespmem:$0x7C50] =	vst v1;
	v4, _, _ =	vpop (xrf2);
	v3 =	vbroadcast v3, $0xF  }
0x64: {  	[tilespmem:$0x7C60] =	vst v1;
	v5, _, _ =	vpop (xrf2);
	v4 =	vbroadcast v4, $0xF  }
0x65: {  	[tilespmem:$0x7C70] =	vst v1;
	v6, _, _ =	vpop (xrf2);
	v3 =	vnsel vm0, $0x0, v3;
	v5 =	vbroadcast v5, $0xF  }
0x66: {  	[tilespmem:$0x7C80] =	vst v1;
	v7, _, _ =	vpop (xrf2);
	v3 =	vsel vm1, v3, v4;
	v4 =	vbroadcast v6, $0xF  }
0x67: {  	[tilespmem:$0x7C90] =	vst v1;
	v6, _, _ =	vpop (xrf2);
	v3 =	vsel vm2, v3, v5;
	v5 =	vbroadcast v7, $0xF  }
0x68: {  	[tilespmem:$0x7CA0] =	vst v1;
	v3 =	vsel vm3, v3, v4;
	v4 =	vbroadcast v6, $0xF;
	v7, _, _ =	vpop (xrf2)  }
0x69: {  	[tilespmem:$0x7CB0] =	vst v1;
	v3 =	vsel vm4, v3, v5;
	v6, _, _ =	vpop (xrf2);
	v5 =	vbroadcast v7, $0xF  }
0x6a: {  	[tilespmem:$0x7CC0] =	vst v1;
	v3 =	vsel vm5, v3, v4;
	v7, _, _ =	vpop (xrf2);
	v4 =	vbroadcast v6, $0xF  }
0x6b: {  	[tilespmem:$0x7CD0] =	vst v1;
	v3 =	vsel vm6, v3, v5;
	v5 =	vbroadcast v7, $0xF;
	v6, _, _ =	vpop (xrf2)  }
0x6c: {  	[tilespmem:$0x7CE0] =	vst v1;
	v4 =	vsel vm7, v3, v4;
	v3 =	vbroadcast v6, $0xF  }
0x6d: {  	[tilespmem:$0x7CF0] =	vst v1;
	v4 =	vsel vm8, v4, v5  }
0x6e: {  	[tilespmem:$0x7D00] =	vst v1;
	v4 =	vsel vm9, v4, v3  }
0x6f: {  	[tilespmem:$0x8D10] =	vst v4  }
0x70: {  	[tilespmem:s16], [sflag:$0x1] =	stream.indirect.gather [hbm4b:s4+s15], $0x40, s3, s15, $0xb8;
	[tilespmem:$0x9020] =	vst v63  }
0x71: {  	s14 =	simm.s32 $0x38;
	s18 =	simm.s32 $0x2190  }
0x72: {  	[tilespmem:s18], [sflag:$0x1] =	stream.indirect.gather [hbm4b:s5+s15], $0x40, s14, s15, $0xb8;
	[tilespmem:$0x9020] =	vst v63  }
0x73: {  	s19 =	simm.s32 $0x70;
	s21 =	simm.s32 $0xA8  }
0x74: {  	[tilespmem:s20], [sflag:$0x2] =	stream.indirect.gather [hbm4b:s4+s15], $0x40, s19, s15, $0xb8;
	[tilespmem:$0x9020] =	vst v63  }
0x75: {  	s22 =	simm.s32 $0x3B90;
	s18 =	simm.s32 $0x150;
	s14 =	simm.s32 $0x0  }
0x76: {  	[tilespmem:s22], [sflag:$0x2] =	stream.indirect.gather [hbm4b:s5+s15], $0x40, s21, s15, $0xb8;
	[tilespmem:$0x9020] =	vst v63  }
0x77: {  	v4 =	vnsel vm10, $0xF149F2CA, v3;
	s19 =	simm.s32 $0x7E10;
	s21 =	simm.s32 $0xE70;
	s22 =	simm.s32 $0x3  }
.LBB2_2:
0x78: {  	p0 =	seq.s32 s14, $0x0  }
0x79: {  	s6 =	simm.s32 @!p0 $0x7  }
0x7a: {  	_ =	swait.ge @!p0 [sflag:s6], $0xD00  }
0x7b: {  	[sflag:s6] =	ssyncset.done @!p0 $0x0  }
0x7c: {  	[sflag:s6] =	ssyncadd.s32 @!p0 $0xFFFFF300  }
0x7d: {  	_ =	swait.ge @!p0 [sflag:s6], $0xD00  }
0x7e: {  	[sflag:s6] =	ssyncset.done @!p0 $0x0  }
0x7f: {  	s8 =	sadd.s32 $0xFFFFFF90, s18;
	[sflag:s6] =	ssyncadd.s32 @!p0 $0xFFFFF300  }
0x80: {  	[tilespmem:s23], [sflag:$0x3] =	stream.indirect.gather [hbm4b:s4+s15], $0x40, s8, s15, $0xb8;
	[tilespmem:$0x9020] =	vst v63  }
0x81: {  	s9 =	sadd.s32 $0xFFFFFFC8, s18;
	s7 =	rddreg [dreg:$0x5]  }
0x82: {  	[tilespmem:s7], [sflag:$0x3] =	stream.indirect.gather [hbm4b:s5+s15], $0x40, s9, s15, $0xb8;
	[tilespmem:$0x9020] =	vst v63  }
0x83: {  	_ =	swait.ge [sflag:s24], $0xC80  }
0x84: {  	[sflag:s24] =	ssyncset.done $0x0  }
0x85: {  	[sflag:s24] =	ssyncadd.s32 $0xFFFFF380  }
0x86: {  	_ =	swait.ge [sflag:s24], $0xC80  }
0x87: {  	[sflag:s24] =	ssyncset.done $0x0  }
0x88: {  	[sflag:s24] =	ssyncadd.s32 $0xFFFFF380  }
0x89: {  	v5 =	vld [tilespmem:s21+$0xFFFFFF90];
	_ =	sdelay $0x4  }
0x8a: {  	v5 =	vand.u32 $0xF, v5;
	_ =	sdelay $0x4  }
0x8b: {  	v5 =	vld.idx.msk [tilespmem:v5+s25+$0x0], $0xffff;
	_ =	sdelay $0x4  }
0x8c: {  	[tilespmem:s19+$0xFFFFFF00] =	vst v5  }
0x8d: {  	v5 =	vld [tilespmem:s21+$0xFFFFFFA0];
	_ =	sdelay $0x4  }
0x8e: {  	v5 =	vand.u32 $0xF, v5;
	_ =	sdelay $0x4  }
0x8f: {  	v5 =	vld.idx.msk [tilespmem:v5+s25+$0x0], $0xffff;
	_ =	sdelay $0x4  }
0x90: {  	[tilespmem:s19+$0xFFFFFF10] =	vst v5  }
0x91: {  	v5 =	vld [tilespmem:s21+$0xFFFFFFB0];
	_ =	sdelay $0x4  }
0x92: {  	v5 =	vand.u32 $0xF, v5;
	_ =	sdelay $0x4  }
0x93: {  	v5 =	vld.idx.msk [tilespmem:v5+s25+$0x0], $0xffff;
	_ =	sdelay $0x4  }
0x94: {  	[tilespmem:s19+$0xFFFFFF20] =	vst v5  }
0x95: {  	v5 =	vld [tilespmem:s21+$0xFFFFFFC0];
	_ =	sdelay $0x4  }
0x96: {  	v5 =	vand.u32 $0xF, v5;
	_ =	sdelay $0x4  }
0x97: {  	v5 =	vld.idx.msk [tilespmem:v5+s25+$0x0], $0xffff;
	_ =	sdelay $0x1  }
0x98: {  	[tilespmem:s19+$0xFFFFFF40] =	vst v3  }
0x99: {  	[tilespmem:s19+$0xFFFFFF50] =	vst v3  }
0x9a: {  	[tilespmem:s19+$0xFFFFFF60] =	vst v3  }
0x9b: {  	s8 =	rddreg [dreg:$0x4];
	[tilespmem:s19+$0xFFFFFF70] =	vst v2;
	v5 =	vsel vm11, v5, v4  }
0x9c: {  	s6 =	sadd.s32 s14, s8;
	[tilespmem:s19+$0xFFFFFF30] =	vst v5  }
0x9d: {  	[hbm4b:s6+s26] =	stream.strided.scatter [tilespmem:s16], [sflag:$0x5], $0xD00, s28, s26, $0x38;
	[tilespmem:$0x9020] =	vst v63  }
0x9e: {  	s7 =	simm.s32 @!p0 $0x8;
	s9 =	rddreg [dreg:$0x6];
	s8 =	sadd.s32 $0x8, s6  }
0x9f: {  	[hbm4b:s8+s26] =	stream.strided.scatter [tilespmem:s9], [sflag:$0x5], $0xD00, s28, s26, $0x38;
	[tilespmem:$0x9020] =	vst v63  }
0xa0: {  	_ =	swait.ge @!p0 [sflag:s7], $0xD00  }
0xa1: {  	[sflag:s7] =	ssyncset.done @!p0 $0x0  }
0xa2: {  	[sflag:s7] =	ssyncadd.s32 @!p0 $0xFFFFF300  }
0xa3: {  	_ =	swait.ge @!p0 [sflag:s7], $0xD00  }
0xa4: {  	[sflag:s7] =	ssyncset.done @!p0 $0x0  }
0xa5: {  	[sflag:s7] =	ssyncadd.s32 @!p0 $0xFFFFF300  }
0xa6: {  	[tilespmem:s29], [sflag:$0x4] =	stream.indirect.gather [hbm4b:s4+s15], $0x40, s18, s15, $0xb8;
	[tilespmem:$0x9020] =	vst v63  }
0xa7: {  	s9 =	sadd.s32 $0x38, s18;
	s8 =	rddreg [dreg:$0x7]  }
0xa8: {  	[tilespmem:s8], [sflag:$0x4] =	stream.indirect.gather [hbm4b:s5+s15], $0x40, s9, s15, $0xb8;
	[tilespmem:$0x9020] =	vst v63  }
0xa9: {  	_ =	swait.ge [sflag:s30], $0xC80  }
0xaa: {  	[sflag:s30] =	ssyncset.done $0x0  }
0xab: {  	[sflag:s30] =	ssyncadd.s32 $0xFFFFF380  }
0xac: {  	_ =	swait.ge [sflag:s30], $0xC80  }
0xad: {  	[sflag:s30] =	ssyncset.done $0x0  }
0xae: {  	[sflag:s30] =	ssyncadd.s32 $0xFFFFF380  }
0xaf: {  	v5 =	vld [tilespmem:s21+$0xFFFFFFC8];
	_ =	sdelay $0x4  }
0xb0: {  	v5 =	vand.u32 $0xF, v5;
	_ =	sdelay $0x4  }
0xb1: {  	v5 =	vld.idx.msk [tilespmem:v5+s25+$0x0], $0xffff;
	_ =	sdelay $0x4  }
0xb2: {  	[tilespmem:s19+$0xFFFFFF80] =	vst v5  }
0xb3: {  	v5 =	vld [tilespmem:s21+$0xFFFFFFD8];
	_ =	sdelay $0x4  }
0xb4: {  	v5 =	vand.u32 $0xF, v5;
	_ =	sdelay $0x4  }
0xb5: {  	v5 =	vld.idx.msk [tilespmem:v5+s25+$0x0], $0xffff;
	_ =	sdelay $0x4  }
0xb6: {  	[tilespmem:s19+$0xFFFFFF90] =	vst v5  }
0xb7: {  	v5 =	vld [tilespmem:s21+$0xFFFFFFE8];
	_ =	sdelay $0x4  }
0xb8: {  	v5 =	vand.u32 $0xF, v5;
	_ =	sdelay $0x4  }
0xb9: {  	v5 =	vld.idx.msk [tilespmem:v5+s25+$0x0], $0xffff;
	_ =	sdelay $0x4  }
0xba: {  	[tilespmem:s19+$0xFFFFFFA0] =	vst v5  }
0xbb: {  	v5 =	vld [tilespmem:s21+$0xFFFFFFF8];
	_ =	sdelay $0x4  }
0xbc: {  	v5 =	vand.u32 $0xF, v5;
	_ =	sdelay $0x4  }
0xbd: {  	v5 =	vld.idx.msk [tilespmem:v5+s25+$0x0], $0xffff;
	_ =	sdelay $0x1  }
0xbe: {  	[tilespmem:s19+$0xFFFFFFC0] =	vst v3  }
0xbf: {  	[tilespmem:s19+$0xFFFFFFD0] =	vst v3  }
0xc0: {  	[tilespmem:s19+$0xFFFFFFE0] =	vst v3  }
0xc1: {  	[tilespmem:s19+$0xFFFFFFF0] =	vst v2;
	v5 =	vsel vm11, v5, v4  }
0xc2: {  	s9 =	sadd.s32 $0x340, s6;
	[tilespmem:s19+$0xFFFFFFB0] =	vst v5  }
0xc3: {  	[hbm4b:s9+s26] =	stream.strided.scatter [tilespmem:s20], [sflag:$0x6], $0xD00, s28, s26, $0x38;
	[tilespmem:$0x9020] =	vst v63  }
0xc4: {  	s8 =	rddreg [dreg:$0x8];
	s9 =	sadd.s32 $0x348, s6  }
0xc5: {  	[hbm4b:s9+s26] =	stream.strided.scatter [tilespmem:s8], [sflag:$0x6], $0xD00, s28, s26, $0x38;
	[tilespmem:$0x9020] =	vst v63  }
0xc6: {  	s8 =	sadd.s32 $0xFFFFFFFF, s22  }
0xc7: {  	p0 =	sgt.u32 s8, $0x1D  }
0xc8: {  	s7 =	simm.s32 @!p0 $0x5  }
0xc9: {  	_ =	swait.ge @!p0 [sflag:s7], $0xD00  }
0xca: {  	[sflag:s7] =	ssyncset.done @!p0 $0x0  }
0xcb: {  	[sflag:s7] =	ssyncadd.s32 @!p0 $0xFFFFF300  }
0xcc: {  	_ =	swait.ge @!p0 [sflag:s7], $0xD00  }
0xcd: {  	s8 =	simm.s32 @!p0 $0x32;
	[sflag:s7] =	ssyncset.done @!p0 $0x0  }
0xce: {  	s9 =	simm.s32 @!p0 $0x1510;
	[sflag:s7] =	ssyncadd.s32 @!p0 $0xFFFFF300;
	s7 =	sadd.s32 @!p0 $0x70, s18  }
0xcf: {  	[tilespmem:s9], [sflag:$0x1] =	stream.indirect.gather @!p0 [hbm4b:s4+s8], $0x40, s7, s8, $0xb8;
	[tilespmem:$0x9020] =	vst v63  }
0xd0: {  	s7 =	sadd.s32 @!p0 $0xA8, s18;
	s9 =	simm.s32 @!p0 $0x2190  }
0xd1: {  	[tilespmem:s9], [sflag:$0x1] =	stream.indirect.gather @!p0 [hbm4b:s5+s8], $0x40, s7, s8, $0xb8;
	[tilespmem:$0x9020] =	vst v63  }
0xd2: {  	_ =	swait.ge [sflag:s31], $0xC80  }
0xd3: {  	[sflag:s31] =	ssyncset.done $0x0  }
0xd4: {  	[sflag:s31] =	ssyncadd.s32 $0xFFFFF380  }
0xd5: {  	_ =	swait.ge [sflag:s31], $0xC80  }
0xd6: {  	[sflag:s31] =	ssyncset.done $0x0  }
0xd7: {  	[sflag:s31] =	ssyncadd.s32 $0xFFFFF380  }
0xd8: {  	v5 =	vld [tilespmem:s21+$0x0];
	_ =	sdelay $0x4  }
0xd9: {  	v5 =	vand.u32 $0xF, v5;
	_ =	sdelay $0x4  }
0xda: {  	v5 =	vld.idx.msk [tilespmem:v5+s25+$0x0], $0xffff;
	_ =	sdelay $0x4  }
0xdb: {  	[tilespmem:s19+$0x0] =	vst v5  }
0xdc: {  	v5 =	vld [tilespmem:s21+$0x10];
	_ =	sdelay $0x4  }
0xdd: {  	v5 =	vand.u32 $0xF, v5;
	_ =	sdelay $0x4  }
0xde: {  	v5 =	vld.idx.msk [tilespmem:v5+s25+$0x0], $0xffff;
	_ =	sdelay $0x4  }
0xdf: {  	[tilespmem:s19+$0x10] =	vst v5  }
0xe0: {  	v5 =	vld [tilespmem:s21+$0x20];
	_ =	sdelay $0x4  }
0xe1: {  	v5 =	vand.u32 $0xF, v5;
	_ =	sdelay $0x4  }
0xe2: {  	v5 =	vld.idx.msk [tilespmem:v5+s25+$0x0], $0xffff;
	_ =	sdelay $0x4  }
0xe3: {  	[tilespmem:s19+$0x20] =	vst v5  }
0xe4: {  	v5 =	vld [tilespmem:s21+$0x30];
	_ =	sdelay $0x4  }
0xe5: {  	v5 =	vand.u32 $0xF, v5;
	_ =	sdelay $0x4  }
0xe6: {  	v5 =	vld.idx.msk [tilespmem:v5+s25+$0x0], $0xffff;
	_ =	sdelay $0x1  }
0xe7: {  	[tilespmem:s19+$0x40] =	vst v3  }
0xe8: {  	[tilespmem:s19+$0x50] =	vst v3  }
0xe9: {  	[tilespmem:s19+$0x60] =	vst v3  }
0xea: {  	[tilespmem:s19+$0x70] =	vst v2;
	v5 =	vsel vm11, v5, v4  }
0xeb: {  	s9 =	sadd.s32 $0x680, s6;
	p0 =	sgt.u32 s22, $0x1D;
	[tilespmem:s19+$0x30] =	vst v5  }
0xec: {  	[hbm4b:s9+s26] =	stream.strided.scatter [tilespmem:s23], [sflag:$0x7], $0xD00, s28, s26, $0x38;
	[tilespmem:$0x9020] =	vst v63  }
0xed: {  	s7 =	simm.s32 @!p0 $0x6;
	s8 =	rddreg [dreg:$0x9];
	s9 =	sadd.s32 $0x688, s6  }
0xee: {  	[hbm4b:s9+s26] =	stream.strided.scatter [tilespmem:s8], [sflag:$0x7], $0xD00, s28, s26, $0x38;
	[tilespmem:$0x9020] =	vst v63  }
0xef: {  	_ =	swait.ge @!p0 [sflag:s7], $0xD00  }
0xf0: {  	[sflag:s7] =	ssyncset.done @!p0 $0x0  }
0xf1: {  	[sflag:s7] =	ssyncadd.s32 @!p0 $0xFFFFF300  }
0xf2: {  	_ =	swait.ge @!p0 [sflag:s7], $0xD00  }
0xf3: {  	s8 =	simm.s32 @!p0 $0x32;
	[sflag:s7] =	ssyncset.done @!p0 $0x0  }
0xf4: {  	s9 =	simm.s32 @!p0 $0x2F10;
	[sflag:s7] =	ssyncadd.s32 @!p0 $0xFFFFF300;
	s7 =	sadd.s32 @!p0 $0xE0, s18  }
0xf5: {  	[tilespmem:s9], [sflag:$0x2] =	stream.indirect.gather @!p0 [hbm4b:s4+s8], $0x40, s7, s8, $0xb8;
	[tilespmem:$0x9020] =	vst v63  }
0xf6: {  	s7 =	sadd.s32 @!p0 $0x118, s18;
	s9 =	simm.s32 @!p0 $0x3B90  }
0xf7: {  	[tilespmem:s9], [sflag:$0x2] =	stream.indirect.gather @!p0 [hbm4b:s5+s8], $0x40, s7, s8, $0xb8;
	[tilespmem:$0x9020] =	vst v63  }
0xf8: {  	_ =	swait.ge [sflag:s1], $0xC80  }
0xf9: {  	[sflag:s1] =	ssyncset.done $0x0  }
0xfa: {  	[sflag:s1] =	ssyncadd.s32 $0xFFFFF380  }
0xfb: {  	_ =	swait.ge [sflag:s1], $0xC80  }
0xfc: {  	[sflag:s1] =	ssyncset.done $0x0  }
0xfd: {  	[sflag:s1] =	ssyncadd.s32 $0xFFFFF380  }
0xfe: {  	v5 =	vld [tilespmem:s21+$0x38];
	_ =	sdelay $0x4  }
0xff: {  	v5 =	vand.u32 $0xF, v5;
	_ =	sdelay $0x4  }
0x100: {  	v5 =	vld.idx.msk [tilespmem:v5+s25+$0x0], $0xffff;
	_ =	sdelay $0x4  }
0x101: {  	[tilespmem:s19+$0x80] =	vst v5  }
0x102: {  	v5 =	vld [tilespmem:s21+$0x48];
	_ =	sdelay $0x4  }
0x103: {  	v5 =	vand.u32 $0xF, v5;
	_ =	sdelay $0x4  }
0x104: {  	v5 =	vld.idx.msk [tilespmem:v5+s25+$0x0], $0xffff;
	_ =	sdelay $0x4  }
0x105: {  	[tilespmem:s19+$0x90] =	vst v5  }
0x106: {  	v5 =	vld [tilespmem:s21+$0x58];
	_ =	sdelay $0x4  }
0x107: {  	v5 =	vand.u32 $0xF, v5;
	_ =	sdelay $0x4  }
0x108: {  	v5 =	vld.idx.msk [tilespmem:v5+s25+$0x0], $0xffff;
	_ =	sdelay $0x4  }
0x109: {  	[tilespmem:s19+$0xA0] =	vst v5  }
0x10a: {  	v5 =	vld [tilespmem:s21+$0x68];
	_ =	sdelay $0x4  }
0x10b: {  	v5 =	vand.u32 $0xF, v5;
	_ =	sdelay $0x4  }
0x10c: {  	v5 =	vld.idx.msk [tilespmem:v5+s25+$0x0], $0xffff;
	_ =	sdelay $0x1  }
0x10d: {  	[tilespmem:s19+$0xC0] =	vst v3  }
0x10e: {  	s14 =	sadd.s32 $0xD00, s14;
	[tilespmem:s19+$0xD0] =	vst v3  }
0x10f: {  	p0 =	sne.s32 s14, $0x6800;
	[tilespmem:s19+$0xE0] =	vst v3  }
.Ltmp0:
0x110: {  	s22 =	sadd.s32 $0x4, s22;
	[tilespmem:s19+$0xF0] =	vst v2;
	v5 =	vsel vm11, v5, v4;
	(pc) =	sbr.rel @p0 .LBB2_2-.Ltmp0, $4  }
0x111: {  	s18 =	sadd.s32 $0x1C0, s18;
	s8 =	sadd.s32 $0x9C0, s6;
	s6 =	sadd.s32 $0x9C8, s6;
	[tilespmem:s19+$0xB0] =	vst v5  }
0x112: {  	[hbm4b:s8+s26] =	stream.strided.scatter [tilespmem:s29], [sflag:$0x8], $0xD00, s28, s26, $0x38;
	[tilespmem:$0x9020] =	vst v63  }
0x113: {  	s9 =	rddreg [dreg:$0xa];
	s21 =	sadd.s32 $0xE0, s21;
	s19 =	sadd.s32 $0x200, s19  }
0x114: {  	[hbm4b:s6+s26] =	stream.strided.scatter [tilespmem:s9], [sflag:$0x8], $0xD00, s28, s26, $0x38;
	[tilespmem:$0x9020] =	vst v63  }
0x115: {  	_ =	swait.ge [sflag:s0], $0xD00  }
0x116: {  	[sflag:s0] =	ssyncset.done $0x0  }
0x117: {  	[sflag:s0] =	ssyncadd.s32 $0xFFFFF300  }
0x118: {  	_ =	swait.ge [sflag:s0], $0xD00  }
0x119: {  	[sflag:s0] =	ssyncset.done $0x0  }
0x11a: {  	[sflag:s0] =	ssyncadd.s32 $0xFFFFF300  }
0x11b: {  	_ =	swait.ge [sflag:s2], $0xD00  }
0x11c: {  	[sflag:s2] =	ssyncset.done $0x0  }
0x11d: {  	[sflag:s2] =	ssyncadd.s32 $0xFFFFF300  }
0x11e: {  	_ =	swait.ge [sflag:s2], $0xD00  }
0x11f: {  	[sflag:s2] =	ssyncset.done $0x0  }
0x120: {  	[sflag:s2] =	ssyncadd.s32 $0xFFFFF300  }
0x121: {  	_ =	swait.ge [sflag:s12], $0xD00  }
0x122: {  	[sflag:s12] =	ssyncset.done $0x0  }
0x123: {  	[sflag:s12] =	ssyncadd.s32 $0xFFFFF300  }
0x124: {  	_ =	swait.ge [sflag:s12], $0xD00  }
0x125: {  	[sflag:s12] =	ssyncset.done $0x0  }
0x126: {  	[sflag:s12] =	ssyncadd.s32 $0xFFFFF300  }
0x127: {  	_ =	swait.ge [sflag:s13], $0xD00  }
0x128: {  	[sflag:s13] =	ssyncset.done $0x0  }
0x129: {  	[sflag:s13] =	ssyncadd.s32 $0xFFFFF300  }
0x12a: {  	s17 =	sadd.s32 $0x1, s17;
	_ =	swait.ge [sflag:s13], $0xD00  }
0x12b: {  	s7 =	simm.s32 $0x7D10;
	p0 =	sne.s32 s17, s10;
	[sflag:s13] =	ssyncset.done $0x0  }
.Ltmp1:
0x12c: {  	s6 =	rddreg [dreg:$0xe];
	[sflag:s13] =	ssyncadd.s32 $0xFFFFF300;
	(pc) =	sbr.rel @p0 .LBB2_1-.Ltmp1, $4  }
0x12d: {  	[hbm4b:s6+s3] =	stream.linear.scatter [tilespmem:s7], [sflag:$0x9], $0x1000, $0x38;
	[tilespmem:$0x9020] =	vst v63  }
0x12e: {  	_ =	swait.ge [sflag:s11], $0x1000  }
0x12f: {  	[sflag:s11] =	ssyncset.done $0x0  }
0x130: {  	[sflag:s11] =	ssyncadd.s32 $0xFFFFF000  }
0x131: {  	_ =	sfence.sel $0x180000  }
0x132: {  	[bflag:$0x0] =	sbarrier.arrive $0xFFFF  }
0x133: {  	_ =	strace $0x90000047  }
0x134: {  	s0 =	stileid.u32;
	[bflag:$0x2] =	sbarrier.arrive $0xFFFF  }
0x135: {  	p0 =	sne.s32 s0, $0x0;
	s0 =	rddreg [dreg:$0x3]  }
0x136: {  	s0 =	sadd.s32 @!p0 $0x100000, s0  }
0x137: {  	[sflag:s0] =	ssyncadd.tile.s32 @!p0 $0x1;
	_ =	shalt  }
.Lfunc_end2:
_tile_overlayer_lowered:
.L_overlay_start_2:
0x138: {  	(tag) =	ssettag $0x2  }
0x139: {  	s0 =	rddreg [dreg:$0x0];
	s2 =	stileid.u32  }
0x13a: {  	s1 =	rddreg [dreg:$0x1];
	p0 =	sne.s32 s2, $0x0  }
0x13b: {  	s3 =	rddreg [dreg:$0x2];
	[bflag:$0x3] =	sbarrier.arrive $0xFFFF;
	s2 =	simm.s32 @!p0 $0x1C09  }
0x13c: {  	[timem:s3], [sflag:s2] =	dma.local @!p0 [hbm:s0], s1  }
0x13d: {  	s0 =	simm.s32 @!p0 $0x9  }
0x13e: {  	_ =	swait.ge @!p0 [sflag:s0], s1  }
0x13f: {  	s1 =	ssub.s32 @!p0 $0x0, s1;
	[sflag:s0] =	ssyncset.done @!p0 $0x0  }
0x140: {  	[sflag:s0] =	ssyncadd.s32 @!p0 s1  }
0x141: {  	[bflag:$0x3] =	sbarrier.arrive $0xFFFF  }
0x142: {  	_ =	shalt  }

</sc_bundles>
